<compile_context>
chip_gen: v7x
topology: tpu7x:2x2x1
jax: 0.10.2.dev20260603
libtpu: 0.0.44.dev20260713+nightly
codegen_flags: <defaults>
</compile_context>

<pallas_src>
import functools

import jax
import jax.numpy as jnp
from jax import lax
from jax.experimental import pallas as pl
from jax.experimental.pallas import tpu as pltpu
from jax.experimental.pallas import tpu_sc as plsc

_X, _Y, _Z = 38, 24, 24
_V = _X * _Y * _Z
_VOXEL = (0.3, 0.3, 0.2)
_GROUND = (-5.6, -3.6, -2.4)
_DIMS = (_X, _Y, _Z)

_NC, _NS, _L = 2, 16, 16
_NW = _NC * _NS


def _idx_body(x_ref, y_ref, z_ref, o_ref):
    comps = []
    for ref, vs, g, dim in zip((x_ref, y_ref, z_ref), _VOXEL, _GROUND, _DIMS):
        vsf = jnp.float32(vs)
        mn = jnp.floor(jnp.float32(g) / vsf)
        d = jnp.floor(ref[...] / vsf)
        vi = (d - mn).astype(jnp.int32)
        comps.append(jnp.clip(vi, 0, dim - 1))
    o_ref[...] = comps[0] * (_Y * _Z) + comps[1] * _Z + comps[2]


def _flat_idx(x, y, z):
    B, N = x.shape
    blk = 4096
    grid = N // blk
    spec = pl.BlockSpec((B, blk), lambda i: (0, i))
    return pl.pallas_call(
        _idx_body,
        grid=(grid,),
        in_specs=[spec, spec, spec],
        out_specs=spec,
        out_shape=jax.ShapeDtypeStruct((B, N), jnp.int32),
    )(x, y, z)


def _sc_voxelize(features, idx):
    B, C, N = features.shape
    CPW = C // _NW
    assert CPW * _NW == C
    CHUNK = 2048
    NBUF = 2
    NCH = N // CHUNK
    assert NCH * CHUNK == N and NCH % NBUF == 0
    STEPS = CHUNK // _L
    UNROLL = 32
    STAGE = N // _NS

    mesh = plsc.VectorSubcoreMesh(
        core_axis_name="c", subcore_axis_name="s",
        num_cores=_NC, num_subcores=_NS)

    @functools.partial(
        pl.kernel,
        out_type=jax.ShapeDtypeStruct((B, C, _V), jnp.float32),
        mesh=mesh,
        compiler_params=pltpu.CompilerParams(needs_layout_passes=False),
        scratch_types=[
            pltpu.VMEM((_V,), jnp.float32),
            pltpu.VMEM((_V,), jnp.float32),
            pltpu.VMEM((_V,), jnp.float32),
            pltpu.VMEM((_V,), jnp.float32),
            pltpu.VMEM((_V,), jnp.float32),
            pltpu.VMEM((NBUF, CHUNK), jnp.int32),
            pltpu.VMEM((NBUF, 2, CHUNK), jnp.float32),
            pltpu.SemaphoreType.DMA,
            pltpu.SemaphoreType.DMA,
            pltpu.SemaphoreType.DMA,
        ],
    )
    def body(feat_hbm, idx_hbm, out_hbm, acc0, acc1, cnt, stg0, stg1,
             idxb, fb, s0, s1, outsem):
        cid = lax.axis_index("c")
        sid = lax.axis_index("s")
        wid = sid * _NC + cid
        c0 = wid * CPW

        zeros16 = jnp.zeros((_L,), jnp.float32)
        ones16 = jnp.ones((_L,), jnp.float32)
        insems = (s0, s1)

        @plsc.parallel_loop(0, _V // _L, 1, unroll=8)
        def zero_all(i):
            sl = pl.ds(i * _L, _L)
            acc0[sl] = zeros16
            acc1[sl] = zeros16
            cnt[sl] = zeros16

        def issue_in(b, base, buf):
            pltpu.async_copy(idx_hbm.at[b, pl.ds(base, CHUNK)],
                             idxb.at[buf], insems[buf])
            pltpu.async_copy(feat_hbm.at[b, c0, pl.ds(base, CHUNK)],
                             fb.at[buf, 0], insems[buf])
            pltpu.async_copy(feat_hbm.at[b, c0 + 1, pl.ds(base, CHUNK)],
                             fb.at[buf, 1], insems[buf])

        def wait_in(buf):
            pltpu.make_async_copy(idx_hbm.at[0, pl.ds(0, CHUNK)],
                                  idxb.at[buf], insems[buf]).wait()
            pltpu.make_async_copy(feat_hbm.at[0, 0, pl.ds(0, CHUNK)],
                                  fb.at[buf, 0], insems[buf]).wait()
            pltpu.make_async_copy(feat_hbm.at[0, 0, pl.ds(0, CHUNK)],
                                  fb.at[buf, 1], insems[buf]).wait()

        def scatter_chunk(buf):
            @plsc.parallel_loop(0, STEPS, 1, unroll=UNROLL)
            def _scatter(t):
                sl = pl.ds(t * _L, _L)
                iv = idxb[buf, sl]
                f0 = fb[buf, 0, sl]
                f1 = fb[buf, 1, sl]
                plsc.addupdate_scatter(acc0, [iv], f0)
                plsc.addupdate_scatter(acc1, [iv], f1)
                plsc.addupdate_scatter(cnt, [iv], ones16)

        def wait_out():
            pltpu.make_async_copy(stg0, out_hbm.at[0, 0], outsem).wait()
            pltpu.make_async_copy(stg1, out_hbm.at[0, 0], outsem).wait()

        def batch_body(b, carry):
            for u in range(NBUF):
                issue_in(b, u * CHUNK, u)

            def ring(g, carry2):
                base = (g + 1) * (NBUF * CHUNK)
                for u in range(NBUF):
                    wait_in(u)
                    scatter_chunk(u)
                    issue_in(b, base + u * CHUNK, u)
                return carry2
            lax.fori_loop(0, NCH // NBUF - 1, ring, 0)
            for u in range(NBUF):
                wait_in(u)
                scatter_chunk(u)

            @pl.when(b > 0)
            def _():
                wait_out()

            @plsc.parallel_loop(0, _V // _L, 1, unroll=8)
            def divz(i):
                sl = pl.ds(i * _L, _L)
                cv = cnt[sl]
                r = 1.0 / jnp.maximum(cv, ones16)
                stg0[sl] = acc0[sl] * r
                stg1[sl] = acc1[sl] * r
                acc0[sl] = zeros16
                acc1[sl] = zeros16
                cnt[sl] = zeros16

            pltpu.async_copy(stg0, out_hbm.at[b, c0], outsem)
            pltpu.async_copy(stg1, out_hbm.at[b, c0 + 1], outsem)
            return carry

        lax.fori_loop(0, B, batch_body, 0)
        wait_out()

    return body(features, idx)


def kernel(features, coords):
    B, C, N = features.shape
    x = coords[:, :, 0]
    y = coords[:, :, 1]
    z = coords[:, :, 2]
    idx = _flat_idx(x, y, z)
    out = _sc_voxelize(features, idx)
    return out.reshape(B, C, _X, _Y, _Z)

# --- scband reference (transcript-rebuilt; emitter-appended) ---
"""Pipeline reference for scband-voxelization-2576980377720 (READ-ONLY COPY).

The authoritative reference and input builder live on the scoring server;
editing this copy changes nothing except your own understanding.
"""

import jax, jax.numpy as jnp
import numpy as np

X, Y, Z = 38, 24, 24
VOXEL_SIZE = jnp.array([0.3, 0.3, 0.2], dtype=jnp.float32)
SCENE_GROUND = jnp.array([-5.6, -3.6, -2.4], dtype=jnp.float32)
MIN_VOXEL_COORD = jnp.floor(SCENE_GROUND / VOXEL_SIZE)  # [-19, -12, -12]


def setup_inputs(seed: int = 0) -> dict:
    key = jax.random.key(seed)
    k1, k2 = jax.random.split(key)
    B, C, N = 8, 64, 65536
    features = jax.random.normal(k1, (B, C, N), dtype=jnp.float32)
    # coords uniformly cover the scene volume so voxel indices are in range
    extent = jnp.array([11.2, 7.0, 4.6], dtype=jnp.float32)
    lo = jnp.array([-5.6, -3.6, -2.4], dtype=jnp.float32)
    coords = jax.random.uniform(k2, (B, N, 3), dtype=jnp.float32) * extent + lo
    return {"features": features, "coords": coords}


def _voxel_flat_idx(coords):
    # coords: [B, N, 3] -> flat voxel index [B, N]
    discrete = jnp.floor(coords / VOXEL_SIZE)
    vidx = (discrete - MIN_VOXEL_COORD).astype(jnp.int32)
    vidx = jnp.clip(vidx, jnp.zeros((3,), jnp.int32), jnp.array([X - 1, Y - 1, Z - 1], jnp.int32))
    flat = vidx[..., 0] * (Y * Z) + vidx[..., 1] * Z + vidx[..., 2]
    return flat


def reference(features, coords):
    # features: [B, C, N], coords: [B, N, 3]
    B, C, N = features.shape
    flat = _voxel_flat_idx(jax.lax.stop_gradient(coords))  # coords.detach() in torch

    def voxelize_one(feat, idx):
        # feat: [C, N], idx: [N] -> averaged voxel grid [C, X, Y, Z]
        sums = jax.ops.segment_sum(feat.T, idx, num_segments=X * Y * Z)  # [XYZ, C]
        cnt = jax.ops.segment_sum(jnp.ones((idx.shape[0],), jnp.float32), idx, num_segments=X * Y * Z)
        avg = sums / jnp.maximum(cnt, 1.0)[:, None]
        return avg.T.reshape(C, X, Y, Z)

    return jax.vmap(voxelize_one)(features, flat)

if __name__ == "__main__":
    import jax
    _d = setup_inputs()
    print(jax.jit(kernel)(*tuple(_d.values())))

</pallas_src>

<mosaic_0001>
#map = affine_map<(d0, d1) -> (0, 0, 0)>
#map1 = affine_map<(d0, d1) -> (0, 0)>
module attributes {stable_mosaic.version = 14 : i64} {
  func.func @body(%arg0: i32, %arg1: i32, %arg2: memref<8x64x65536xf32, #tpu.memory_space<hbm>>, %arg3: memref<8x65536xi32, #tpu.memory_space<hbm>>, %arg4: memref<8x64x21888xf32, #tpu.memory_space<hbm>>, %arg5: memref<21888xf32, #tpu.memory_space<vmem>>, %arg6: memref<21888xf32, #tpu.memory_space<vmem>>, %arg7: memref<21888xf32, #tpu.memory_space<vmem>>, %arg8: memref<21888xf32, #tpu.memory_space<vmem>>, %arg9: memref<21888xf32, #tpu.memory_space<vmem>>, %arg10: memref<2x2048xi32, #tpu.memory_space<vmem>>, %arg11: memref<2x2x2048xf32, #tpu.memory_space<vmem>>, %arg12: memref<!tpu.dma_semaphore, #tpu.memory_space<semaphore_mem>>, %arg13: memref<!tpu.dma_semaphore, #tpu.memory_space<semaphore_mem>>, %arg14: memref<!tpu.dma_semaphore, #tpu.memory_space<semaphore_mem>>) attributes {dimension_semantics = [#tpu.dimension_semantics<core_parallel>, #tpu.dimension_semantics<subcore_parallel>], iteration_bounds = array<i64: 2, 16>, scalar_prefetch = 0 : i64, scratch_operands = 10 : i64, tpu.core_type = #tpu.core_type<sc_vector_subcore>, window_params = [{transform_indices = #map}, {transform_indices = #map1}, {transform_indices = #map}]} {
    %mul3A = arith.constant 2 : i32
    %mul3A_0 = arith.muli %arg1, %mul3A : i32
    %add3A = arith.addi %mul3A_0, %arg0 : i32
    %mul3A_1 = arith.constant 2 : i32
    %mul3A_2 = arith.muli %add3A, %mul3A_1 : i32
    %broadcast_in_dim3A = arith.constant 0.000000e+00 : f32
    %broadcast_in_dim3A_3 = vector.broadcast %broadcast_in_dim3A : f32 to vector<16xf32>
    %broadcast_in_dim3A_4 = arith.constant 1.000000e+00 : f32
    %broadcast_in_dim3A_5 = vector.broadcast %broadcast_in_dim3A_4 : f32 to vector<16xf32>
    %parallel_loop3A = arith.constant 0 : i32
    %parallel_loop3A_6 = arith.constant 1368 : i32
    %parallel_loop3A_7 = arith.constant 1 : i32
    scf.for %parallel_loop3A_28 = %parallel_loop3A to %parallel_loop3A_6 step %parallel_loop3A_7  : i32 {
      %parallel_loop3A_29 = arith.constant 16 : i32
      %parallel_loop3A_30 = arith.muli %parallel_loop3A_28, %parallel_loop3A_29 : i32
      %parallel_loop3A_31 = arith.index_cast %parallel_loop3A_30 : i32 to index
      %parallel_loop3A_32 = tpu.vector_load %arg5[%parallel_loop3A_31] {strides = array<i32>} : memref<21888xf32, #tpu.memory_space<vmem>>, vector<16xf32>,
      tpu.vector_store %arg5[%parallel_loop3A_31], %broadcast_in_dim3A_3 {strides = array<i32>} : memref<21888xf32, #tpu.memory_space<vmem>>, vector<16xf32>,
      %parallel_loop3A_33 = arith.index_cast %parallel_loop3A_30 : i32 to index
      %parallel_loop3A_34 = tpu.vector_load %arg6[%parallel_loop3A_33] {strides = array<i32>} : memref<21888xf32, #tpu.memory_space<vmem>>, vector<16xf32>,
      tpu.vector_store %arg6[%parallel_loop3A_33], %broadcast_in_dim3A_3 {strides = array<i32>} : memref<21888xf32, #tpu.memory_space<vmem>>, vector<16xf32>,
      %parallel_loop3A_35 = arith.index_cast %parallel_loop3A_30 : i32 to index
      %parallel_loop3A_36 = tpu.vector_load %arg7[%parallel_loop3A_35] {strides = array<i32>} : memref<21888xf32, #tpu.memory_space<vmem>>, vector<16xf32>,
      tpu.vector_store %arg7[%parallel_loop3A_35], %broadcast_in_dim3A_3 {strides = array<i32>} : memref<21888xf32, #tpu.memory_space<vmem>>, vector<16xf32>,
    } {sc.loop_unroll_factor = 8 : i64, sc.parallel_access}
    %scan3A = arith.constant 0 : i32
    %scan3A_8 = arith.constant 0 : i32
    %scan3A_9 = arith.constant 8 : i32
    %scan3A_10 = arith.addi %scan3A_8, %scan3A_9 : i32
    %scan3A_11 = arith.constant 1 : i32
    scf.for %scan3A_28 = %scan3A_8 to %scan3A_10 step %scan3A_11  : i32 {
      %dma_start3A = arith.constant 0 : i32
      %dma_start3A_29 = arith.constant 0 : i32
      %dma_start3A_30 = tpu.memref_slice %arg10[%dma_start3A, %dma_start3A_29] : memref<2x2048xi32, #tpu.memory_space<vmem>> -> memref<1x2048xi32, #tpu.memory_space<vmem>>
      %dma_start3A_31 = tpu.memref_squeeze %dma_start3A_30 : memref<1x2048xi32, #tpu.memory_space<vmem>> -> memref<2048xi32, #tpu.memory_space<vmem>>
      %dma_start3A_32 = arith.constant 0 : i32
      %dma_start3A_33 = tpu.memref_slice %arg3[%scan3A_28, %dma_start3A_32] : memref<8x65536xi32, #tpu.memory_space<hbm>> -> memref<1x2048xi32, #tpu.memory_space<hbm>>
      %dma_start3A_34 = tpu.memref_squeeze %dma_start3A_33 : memref<1x2048xi32, #tpu.memory_space<hbm>> -> memref<2048xi32, #tpu.memory_space<hbm>>
      %dma_start3A_35 = arith.constant 0 : i32
      %dma_start3A_36 = tpu.memref_slice %arg10[%dma_start3A, %dma_start3A_35] : memref<2x2048xi32, #tpu.memory_space<vmem>> -> memref<1x2048xi32, #tpu.memory_space<vmem>>
      %dma_start3A_37 = tpu.memref_squeeze %dma_start3A_36 : memref<1x2048xi32, #tpu.memory_space<vmem>> -> memref<2048xi32, #tpu.memory_space<vmem>>
      %dma_start3A_38 = arith.constant 0 : i32
      %dma_start3A_39 = tpu.memref_slice %arg3[%scan3A_28, %dma_start3A_38] : memref<8x65536xi32, #tpu.memory_space<hbm>> -> memref<1x2048xi32, #tpu.memory_space<hbm>>
      %dma_start3A_40 = tpu.memref_squeeze %dma_start3A_39 : memref<1x2048xi32, #tpu.memory_space<hbm>> -> memref<2048xi32, #tpu.memory_space<hbm>>
      tpu.enqueue_dma source(%dma_start3A_40 : memref<2048xi32, #tpu.memory_space<hbm>>) target(%dma_start3A_37 : memref<2048xi32, #tpu.memory_space<vmem>>) target_semaphore(%arg12 : memref<!tpu.dma_semaphore, #tpu.memory_space<semaphore_mem>>)
      %dma_start3A_41 = arith.constant 0 : i32
      %dma_start3A_42 = arith.constant 0 : i32
      %dma_start3A_43 = arith.constant 0 : i32
      %dma_start3A_44 = tpu.memref_slice %arg11[%dma_start3A_41, %dma_start3A_42, %dma_start3A_43] : memref<2x2x2048xf32, #tpu.memory_space<vmem>> -> memref<1x1x2048xf32, #tpu.memory_space<vmem>>
      %dma_start3A_45 = tpu.memref_squeeze %dma_start3A_44 : memref<1x1x2048xf32, #tpu.memory_space<vmem>> -> memref<2048xf32, #tpu.memory_space<vmem>>
      %dma_start3A_46 = arith.constant 0 : i32
      %dma_start3A_47 = tpu.memref_slice %arg2[%scan3A_28, %mul3A_2, %dma_start3A_46] : memref<8x64x65536xf32, #tpu.memory_space<hbm>> -> memref<1x1x2048xf32, #tpu.memory_space<hbm>>
      %dma_start3A_48 = tpu.memref_squeeze %dma_start3A_47 : memref<1x1x2048xf32, #tpu.memory_space<hbm>> -> memref<2048xf32, #tpu.memory_space<hbm>>
      %dma_start3A_49 = arith.constant 0 : i32
      %dma_start3A_50 = tpu.memref_slice %arg11[%dma_start3A_41, %dma_start3A_42, %dma_start3A_49] : memref<2x2x2048xf32, #tpu.memory_space<vmem>> -> memref<1x1x2048xf32, #tpu.memory_space<vmem>>
      %dma_start3A_51 = tpu.memref_squeeze %dma_start3A_50 : memref<1x1x2048xf32, #tpu.memory_space<vmem>> -> memref<2048xf32, #tpu.memory_space<vmem>>
      %dma_start3A_52 = arith.constant 0 : i32
      %dma_start3A_53 = tpu.memref_slice %arg2[%scan3A_28, %mul3A_2, %dma_start3A_52] : memref<8x64x65536xf32, #tpu.memory_space<hbm>> -> memref<1x1x2048xf32, #tpu.memory_space<hbm>>
      %dma_start3A_54 = tpu.memref_squeeze %dma_start3A_53 : memref<1x1x2048xf32, #tpu.memory_space<hbm>> -> memref<2048xf32, #tpu.memory_space<hbm>>
      tpu.enqueue_dma source(%dma_start3A_54 : memref<2048xf32, #tpu.memory_space<hbm>>) target(%dma_start3A_51 : memref<2048xf32, #tpu.memory_space<vmem>>) target_semaphore(%arg12 : memref<!tpu.dma_semaphore, #tpu.memory_space<semaphore_mem>>)
      %add3A_55 = arith.constant 1 : i32
      %add3A_56 = arith.addi %mul3A_2, %add3A_55 : i32
      %dma_start3A_57 = arith.constant 0 : i32
      %dma_start3A_58 = arith.constant 1 : i32
      %dma_start3A_59 = arith.constant 0 : i32
      %dma_start3A_60 = tpu.memref_slice %arg11[%dma_start3A_57, %dma_start3A_58, %dma_start3A_59] : memref<2x2x2048xf32, #tpu.memory_space<vmem>> -> memref<1x1x2048xf32, #tpu.memory_space<vmem>>
      %dma_start3A_61 = tpu.memref_squeeze %dma_start3A_60 : memref<1x1x2048xf32, #tpu.memory_space<vmem>> -> memref<2048xf32, #tpu.memory_space<vmem>>
      %dma_start3A_62 = arith.constant 0 : i32
      %dma_start3A_63 = tpu.memref_slice %arg2[%scan3A_28, %add3A_56, %dma_start3A_62] : memref<8x64x65536xf32, #tpu.memory_space<hbm>> -> memref<1x1x2048xf32, #tpu.memory_space<hbm>>
      %dma_start3A_64 = tpu.memref_squeeze %dma_start3A_63 : memref<1x1x2048xf32, #tpu.memory_space<hbm>> -> memref<2048xf32, #tpu.memory_space<hbm>>
      %dma_start3A_65 = arith.constant 0 : i32
      %dma_start3A_66 = tpu.memref_slice %arg11[%dma_start3A_57, %dma_start3A_58, %dma_start3A_65] : memref<2x2x2048xf32, #tpu.memory_space<vmem>> -> memref<1x1x2048xf32, #tpu.memory_space<vmem>>
      %dma_start3A_67 = tpu.memref_squeeze %dma_start3A_66 : memref<1x1x2048xf32, #tpu.memory_space<vmem>> -> memref<2048xf32, #tpu.memory_space<vmem>>
      %dma_start3A_68 = arith.constant 0 : i32
      %dma_start3A_69 = tpu.memref_slice %arg2[%scan3A_28, %add3A_56, %dma_start3A_68] : memref<8x64x65536xf32, #tpu.memory_space<hbm>> -> memref<1x1x2048xf32, #tpu.memory_space<hbm>>
      %dma_start3A_70 = tpu.memref_squeeze %dma_start3A_69 : memref<1x1x2048xf32, #tpu.memory_space<hbm>> -> memref<2048xf32, #tpu.memory_space<hbm>>
      tpu.enqueue_dma source(%dma_start3A_70 : memref<2048xf32, #tpu.memory_space<hbm>>) target(%dma_start3A_67 : memref<2048xf32, #tpu.memory_space<vmem>>) target_semaphore(%arg12 : memref<!tpu.dma_semaphore, #tpu.memory_space<semaphore_mem>>)
      %dma_start3A_71 = arith.constant 1 : i32
      %dma_start3A_72 = arith.constant 0 : i32
      %dma_start3A_73 = tpu.memref_slice %arg10[%dma_start3A_71, %dma_start3A_72] : memref<2x2048xi32, #tpu.memory_space<vmem>> -> memref<1x2048xi32, #tpu.memory_space<vmem>>
      %dma_start3A_74 = tpu.memref_squeeze %dma_start3A_73 : memref<1x2048xi32, #tpu.memory_space<vmem>> -> memref<2048xi32, #tpu.memory_space<vmem>>
      %dma_start3A_75 = arith.constant 2048 : i32
      %dma_start3A_76 = tpu.memref_slice %arg3[%scan3A_28, %dma_start3A_75] : memref<8x65536xi32, #tpu.memory_space<hbm>> -> memref<1x2048xi32, #tpu.memory_space<hbm>>
      %dma_start3A_77 = tpu.memref_squeeze %dma_start3A_76 : memref<1x2048xi32, #tpu.memory_space<hbm>> -> memref<2048xi32, #tpu.memory_space<hbm>>
      %dma_start3A_78 = arith.constant 0 : i32
      %dma_start3A_79 = tpu.memref_slice %arg10[%dma_start3A_71, %dma_start3A_78] : memref<2x2048xi32, #tpu.memory_space<vmem>> -> memref<1x2048xi32, #tpu.memory_space<vmem>>
      %dma_start3A_80 = tpu.memref_squeeze %dma_start3A_79 : memref<1x2048xi32, #tpu.memory_space<vmem>> -> memref<2048xi32, #tpu.memory_space<vmem>>
      %dma_start3A_81 = arith.constant 2048 : i32
      %dma_start3A_82 = tpu.memref_slice %arg3[%scan3A_28, %dma_start3A_81] : memref<8x65536xi32, #tpu.memory_space<hbm>> -> memref<1x2048xi32, #tpu.memory_space<hbm>>
      %dma_start3A_83 = tpu.memref_squeeze %dma_start3A_82 : memref<1x2048xi32, #tpu.memory_space<hbm>> -> memref<2048xi32, #tpu.memory_space<hbm>>
      tpu.enqueue_dma source(%dma_start3A_83 : memref<2048xi32, #tpu.memory_space<hbm>>) target(%dma_start3A_80 : memref<2048xi32, #tpu.memory_space<vmem>>) target_semaphore(%arg13 : memref<!tpu.dma_semaphore, #tpu.memory_space<semaphore_mem>>)
      %dma_start3A_84 = arith.constant 1 : i32
      %dma_start3A_85 = arith.constant 0 : i32
      %dma_start3A_86 = arith.constant 0 : i32
      %dma_start3A_87 = tpu.memref_slice %arg11[%dma_start3A_84, %dma_start3A_85, %dma_start3A_86] : memref<2x2x2048xf32, #tpu.memory_space<vmem>> -> memref<1x1x2048xf32, #tpu.memory_space<vmem>>
      %dma_start3A_88 = tpu.memref_squeeze %dma_start3A_87 : memref<1x1x2048xf32, #tpu.memory_space<vmem>> -> memref<2048xf32, #tpu.memory_space<vmem>>
      %dma_start3A_89 = arith.constant 2048 : i32
      %dma_start3A_90 = tpu.memref_slice %arg2[%scan3A_28, %mul3A_2, %dma_start3A_89] : memref<8x64x65536xf32, #tpu.memory_space<hbm>> -> memref<1x1x2048xf32, #tpu.memory_space<hbm>>
      %dma_start3A_91 = tpu.memref_squeeze %dma_start3A_90 : memref<1x1x2048xf32, #tpu.memory_space<hbm>> -> memref<2048xf32, #tpu.memory_space<hbm>>
      %dma_start3A_92 = arith.constant 0 : i32
      %dma_start3A_93 = tpu.memref_slice %arg11[%dma_start3A_84, %dma_start3A_85, %dma_start3A_92] : memref<2x2x2048xf32, #tpu.memory_space<vmem>> -> memref<1x1x2048xf32, #tpu.memory_space<vmem>>
      %dma_start3A_94 = tpu.memref_squeeze %dma_start3A_93 : memref<1x1x2048xf32, #tpu.memory_space<vmem>> -> memref<2048xf32, #tpu.memory_space<vmem>>
      %dma_start3A_95 = arith.constant 2048 : i32
      %dma_start3A_96 = tpu.memref_slice %arg2[%scan3A_28, %mul3A_2, %dma_start3A_95] : memref<8x64x65536xf32, #tpu.memory_space<hbm>> -> memref<1x1x2048xf32, #tpu.memory_space<hbm>>
      %dma_start3A_97 = tpu.memref_squeeze %dma_start3A_96 : memref<1x1x2048xf32, #tpu.memory_space<hbm>> -> memref<2048xf32, #tpu.memory_space<hbm>>
      tpu.enqueue_dma source(%dma_start3A_97 : memref<2048xf32, #tpu.memory_space<hbm>>) target(%dma_start3A_94 : memref<2048xf32, #tpu.memory_space<vmem>>) target_semaphore(%arg13 : memref<!tpu.dma_semaphore, #tpu.memory_space<semaphore_mem>>)
      %add3A_98 = arith.constant 1 : i32
      %add3A_99 = arith.addi %mul3A_2, %add3A_98 : i32
      %dma_start3A_100 = arith.constant 1 : i32
      %dma_start3A_101 = arith.constant 1 : i32
      %dma_start3A_102 = arith.constant 0 : i32
      %dma_start3A_103 = tpu.memref_slice %arg11[%dma_start3A_100, %dma_start3A_101, %dma_start3A_102] : memref<2x2x2048xf32, #tpu.memory_space<vmem>> -> memref<1x1x2048xf32, #tpu.memory_space<vmem>>
      %dma_start3A_104 = tpu.memref_squeeze %dma_start3A_103 : memref<1x1x2048xf32, #tpu.memory_space<vmem>> -> memref<2048xf32, #tpu.memory_space<vmem>>
      %dma_start3A_105 = arith.constant 2048 : i32
      %dma_start3A_106 = tpu.memref_slice %arg2[%scan3A_28, %add3A_99, %dma_start3A_105] : memref<8x64x65536xf32, #tpu.memory_space<hbm>> -> memref<1x1x2048xf32, #tpu.memory_space<hbm>>
      %dma_start3A_107 = tpu.memref_squeeze %dma_start3A_106 : memref<1x1x2048xf32, #tpu.memory_space<hbm>> -> memref<2048xf32, #tpu.memory_space<hbm>>
      %dma_start3A_108 = arith.constant 0 : i32
      %dma_start3A_109 = tpu.memref_slice %arg11[%dma_start3A_100, %dma_start3A_101, %dma_start3A_108] : memref<2x2x2048xf32, #tpu.memory_space<vmem>> -> memref<1x1x2048xf32, #tpu.memory_space<vmem>>
      %dma_start3A_110 = tpu.memref_squeeze %dma_start3A_109 : memref<1x1x2048xf32, #tpu.memory_space<vmem>> -> memref<2048xf32, #tpu.memory_space<vmem>>
      %dma_start3A_111 = arith.constant 2048 : i32
      %dma_start3A_112 = tpu.memref_slice %arg2[%scan3A_28, %add3A_99, %dma_start3A_111] : memref<8x64x65536xf32, #tpu.memory_space<hbm>> -> memref<1x1x2048xf32, #tpu.memory_space<hbm>>
      %dma_start3A_113 = tpu.memref_squeeze %dma_start3A_112 : memref<1x1x2048xf32, #tpu.memory_space<hbm>> -> memref<2048xf32, #tpu.memory_space<hbm>>
      tpu.enqueue_dma source(%dma_start3A_113 : memref<2048xf32, #tpu.memory_space<hbm>>) target(%dma_start3A_110 : memref<2048xf32, #tpu.memory_space<vmem>>) target_semaphore(%arg13 : memref<!tpu.dma_semaphore, #tpu.memory_space<semaphore_mem>>)
      %scan3A_114 = arith.constant 0 : i32
      %scan3A_115 = arith.constant 0 : i32
      %scan3A_116 = arith.constant 15 : i32
      %scan3A_117 = arith.addi %scan3A_115, %scan3A_116 : i32
      %scan3A_118 = arith.constant 1 : i32
      scf.for %scan3A_237 = %scan3A_115 to %scan3A_117 step %scan3A_118  : i32 {
        %add3A_238 = arith.constant 1 : i32
        %add3A_239 = arith.addi %scan3A_237, %add3A_238 : i32
        %mul3A_240 = arith.constant 4096 : i32
        %mul3A_241 = arith.muli %add3A_239, %mul3A_240 : i32
        %dma_wait3A_242 = arith.constant 0 : i32
        %dma_wait3A_243 = arith.constant 0 : i32
        %dma_wait3A_244 = arith.constant 0 : i32
        %dma_wait3A_245 = tpu.memref_slice %arg10[%dma_wait3A_243, %dma_wait3A_244] : memref<2x2048xi32, #tpu.memory_space<vmem>> -> memref<1x2048xi32, #tpu.memory_space<vmem>>
        %dma_wait3A_246 = tpu.memref_squeeze %dma_wait3A_245 : memref<1x2048xi32, #tpu.memory_space<vmem>> -> memref<2048xi32, #tpu.memory_space<vmem>>
        %dma_wait3A_247 = arith.constant 0 : i32
        %dma_wait3A_248 = tpu.memref_slice %arg3[%dma_wait3A_242, %dma_wait3A_247] : memref<8x65536xi32, #tpu.memory_space<hbm>> -> memref<1x2048xi32, #tpu.memory_space<hbm>>
        %dma_wait3A_249 = tpu.memref_squeeze %dma_wait3A_248 : memref<1x2048xi32, #tpu.memory_space<hbm>> -> memref<2048xi32, #tpu.memory_space<hbm>>
        %dma_wait3A_250 = arith.constant 0 : i32
        %dma_wait3A_251 = tpu.memref_slice %arg10[%dma_wait3A_243, %dma_wait3A_250] : memref<2x2048xi32, #tpu.memory_space<vmem>> -> memref<1x2048xi32, #tpu.memory_space<vmem>>
        %dma_wait3A_252 = tpu.memref_squeeze %dma_wait3A_251 : memref<1x2048xi32, #tpu.memory_space<vmem>> -> memref<2048xi32, #tpu.memory_space<vmem>>
        %dma_wait3A_253 = arith.constant 0 : i32
        %dma_wait3A_254 = tpu.memref_slice %arg3[%dma_wait3A_242, %dma_wait3A_253] : memref<8x65536xi32, #tpu.memory_space<hbm>> -> memref<1x2048xi32, #tpu.memory_space<hbm>>
        %dma_wait3A_255 = tpu.memref_squeeze %dma_wait3A_254 : memref<1x2048xi32, #tpu.memory_space<hbm>> -> memref<2048xi32, #tpu.memory_space<hbm>>
        tpu.wait_dma2 semaphore(%arg12 : memref<!tpu.dma_semaphore, #tpu.memory_space<semaphore_mem>>) src(%dma_wait3A_255 : memref<2048xi32, #tpu.memory_space<hbm>>) dst(%dma_wait3A_252 : memref<2048xi32, #tpu.memory_space<vmem>>)
        %dma_wait3A_256 = arith.constant 0 : i32
        %dma_wait3A_257 = arith.constant 0 : i32
        %dma_wait3A_258 = arith.constant 0 : i32
        %dma_wait3A_259 = arith.constant 0 : i32
        %dma_wait3A_260 = arith.constant 0 : i32
        %dma_wait3A_261 = tpu.memref_slice %arg11[%dma_wait3A_258, %dma_wait3A_259, %dma_wait3A_260] : memref<2x2x2048xf32, #tpu.memory_space<vmem>> -> memref<1x1x2048xf32, #tpu.memory_space<vmem>>
        %dma_wait3A_262 = tpu.memref_squeeze %dma_wait3A_261 : memref<1x1x2048xf32, #tpu.memory_space<vmem>> -> memref<2048xf32, #tpu.memory_space<vmem>>
        %dma_wait3A_263 = arith.constant 0 : i32
        %dma_wait3A_264 = tpu.memref_slice %arg2[%dma_wait3A_256, %dma_wait3A_257, %dma_wait3A_263] : memref<8x64x65536xf32, #tpu.memory_space<hbm>> -> memref<1x1x2048xf32, #tpu.memory_space<hbm>>
        %dma_wait3A_265 = tpu.memref_squeeze %dma_wait3A_264 : memref<1x1x2048xf32, #tpu.memory_space<hbm>> -> memref<2048xf32, #tpu.memory_space<hbm>>
        %dma_wait3A_266 = arith.constant 0 : i32
        %dma_wait3A_267 = tpu.memref_slice %arg11[%dma_wait3A_258, %dma_wait3A_259, %dma_wait3A_266] : memref<2x2x2048xf32, #tpu.memory_space<vmem>> -> memref<1x1x2048xf32, #tpu.memory_space<vmem>>
        %dma_wait3A_268 = tpu.memref_squeeze %dma_wait3A_267 : memref<1x1x2048xf32, #tpu.memory_space<vmem>> -> memref<2048xf32, #tpu.memory_space<vmem>>
        %dma_wait3A_269 = arith.constant 0 : i32
        %dma_wait3A_270 = tpu.memref_slice %arg2[%dma_wait3A_256, %dma_wait3A_257, %dma_wait3A_269] : memref<8x64x65536xf32, #tpu.memory_space<hbm>> -> memref<1x1x2048xf32, #tpu.memory_space<hbm>>
        %dma_wait3A_271 = tpu.memref_squeeze %dma_wait3A_270 : memref<1x1x2048xf32, #tpu.memory_space<hbm>> -> memref<2048xf32, #tpu.memory_space<hbm>>
        tpu.wait_dma2 semaphore(%arg12 : memref<!tpu.dma_semaphore, #tpu.memory_space<semaphore_mem>>) src(%dma_wait3A_271 : memref<2048xf32, #tpu.memory_space<hbm>>) dst(%dma_wait3A_268 : memref<2048xf32, #tpu.memory_space<vmem>>)
        %dma_wait3A_272 = arith.constant 0 : i32
        %dma_wait3A_273 = arith.constant 0 : i32
        %dma_wait3A_274 = arith.constant 0 : i32
        %dma_wait3A_275 = arith.constant 1 : i32
        %dma_wait3A_276 = arith.constant 0 : i32
        %dma_wait3A_277 = tpu.memref_slice %arg11[%dma_wait3A_274, %dma_wait3A_275, %dma_wait3A_276] : memref<2x2x2048xf32, #tpu.memory_space<vmem>> -> memref<1x1x2048xf32, #tpu.memory_space<vmem>>
        %dma_wait3A_278 = tpu.memref_squeeze %dma_wait3A_277 : memref<1x1x2048xf32, #tpu.memory_space<vmem>> -> memref<2048xf32, #tpu.memory_space<vmem>>
        %dma_wait3A_279 = arith.constant 0 : i32
        %dma_wait3A_280 = tpu.memref_slice %arg2[%dma_wait3A_272, %dma_wait3A_273, %dma_wait3A_279] : memref<8x64x65536xf32, #tpu.memory_space<hbm>> -> memref<1x1x2048xf32, #tpu.memory_space<hbm>>
        %dma_wait3A_281 = tpu.memref_squeeze %dma_wait3A_280 : memref<1x1x2048xf32, #tpu.memory_space<hbm>> -> memref<2048xf32, #tpu.memory_space<hbm>>
        %dma_wait3A_282 = arith.constant 0 : i32
        %dma_wait3A_283 = tpu.memref_slice %arg11[%dma_wait3A_274, %dma_wait3A_275, %dma_wait3A_282] : memref<2x2x2048xf32, #tpu.memory_space<vmem>> -> memref<1x1x2048xf32, #tpu.memory_space<vmem>>
        %dma_wait3A_284 = tpu.memref_squeeze %dma_wait3A_283 : memref<1x1x2048xf32, #tpu.memory_space<vmem>> -> memref<2048xf32, #tpu.memory_space<vmem>>
        %dma_wait3A_285 = arith.constant 0 : i32
        %dma_wait3A_286 = tpu.memref_slice %arg2[%dma_wait3A_272, %dma_wait3A_273, %dma_wait3A_285] : memref<8x64x65536xf32, #tpu.memory_space<hbm>> -> memref<1x1x2048xf32, #tpu.memory_space<hbm>>
        %dma_wait3A_287 = tpu.memref_squeeze %dma_wait3A_286 : memref<1x1x2048xf32, #tpu.memory_space<hbm>> -> memref<2048xf32, #tpu.memory_space<hbm>>
        tpu.wait_dma2 semaphore(%arg12 : memref<!tpu.dma_semaphore, #tpu.memory_space<semaphore_mem>>) src(%dma_wait3A_287 : memref<2048xf32, #tpu.memory_space<hbm>>) dst(%dma_wait3A_284 : memref<2048xf32, #tpu.memory_space<vmem>>)
        %parallel_loop3A_288 = arith.constant 0 : i32
        %parallel_loop3A_289 = arith.constant 128 : i32
        %parallel_loop3A_290 = arith.constant 1 : i32
        scf.for %parallel_loop3A_418 = %parallel_loop3A_288 to %parallel_loop3A_289 step %parallel_loop3A_290  : i32 {
          %parallel_loop3A_419 = arith.constant 16 : i32
          %parallel_loop3A_420 = arith.muli %parallel_loop3A_418, %parallel_loop3A_419 : i32
          %parallel_loop3A_421 = arith.constant 0 : i32
          %parallel_loop3A_422 = arith.index_cast %parallel_loop3A_421 : i32 to index
          %parallel_loop3A_423 = arith.index_cast %parallel_loop3A_420 : i32 to index
          %parallel_loop3A_424 = tpu.vector_load %arg10[%parallel_loop3A_422, %parallel_loop3A_423] {strides = array<i32>} : memref<2x2048xi32, #tpu.memory_space<vmem>>, vector<16xi32>,
          %parallel_loop3A_425 = arith.constant 0 : i32
          %parallel_loop3A_426 = arith.constant 0 : i32
          %parallel_loop3A_427 = arith.index_cast %parallel_loop3A_425 : i32 to index
          %parallel_loop3A_428 = arith.index_cast %parallel_loop3A_426 : i32 to index
          %parallel_loop3A_429 = arith.index_cast %parallel_loop3A_420 : i32 to index
          %parallel_loop3A_430 = tpu.vector_load %arg11[%parallel_loop3A_427, %parallel_loop3A_428, %parallel_loop3A_429] {strides = array<i32>} : memref<2x2x2048xf32, #tpu.memory_space<vmem>>, vector<16xf32>,
          %parallel_loop3A_431 = arith.constant 0 : i32
          %parallel_loop3A_432 = arith.constant 1 : i32
          %parallel_loop3A_433 = arith.index_cast %parallel_loop3A_431 : i32 to index
          %parallel_loop3A_434 = arith.index_cast %parallel_loop3A_432 : i32 to index
          %parallel_loop3A_435 = arith.index_cast %parallel_loop3A_420 : i32 to index
          %parallel_loop3A_436 = tpu.vector_load %arg11[%parallel_loop3A_433, %parallel_loop3A_434, %parallel_loop3A_435] {strides = array<i32>} : memref<2x2x2048xf32, #tpu.memory_space<vmem>>, vector<16xf32>,
          tpu.vector_store_idx %arg5[%parallel_loop3A_424], %parallel_loop3A_430 {add = true} : memref<21888xf32, #tpu.memory_space<vmem>>[vector<16xi32>], vector<16xf32>,
          tpu.vector_store_idx %arg6[%parallel_loop3A_424], %parallel_loop3A_436 {add = true} : memref<21888xf32, #tpu.memory_space<vmem>>[vector<16xi32>], vector<16xf32>,
          tpu.vector_store_idx %arg7[%parallel_loop3A_424], %broadcast_in_dim3A_5 {add = true} : memref<21888xf32, #tpu.memory_space<vmem>>[vector<16xi32>], vector<16xf32>,
        } {sc.loop_unroll_factor = 32 : i64, sc.parallel_access}
        %add3A_291 = arith.constant 0 : i32
        %add3A_292 = arith.addi %mul3A_241, %add3A_291 : i32
        %dma_start3A_293 = arith.constant 0 : i32
        %dma_start3A_294 = arith.constant 0 : i32
        %dma_start3A_295 = tpu.memref_slice %arg10[%dma_start3A_293, %dma_start3A_294] : memref<2x2048xi32, #tpu.memory_space<vmem>> -> memref<1x2048xi32, #tpu.memory_space<vmem>>
        %dma_start3A_296 = tpu.memref_squeeze %dma_start3A_295 : memref<1x2048xi32, #tpu.memory_space<vmem>> -> memref<2048xi32, #tpu.memory_space<vmem>>
        %dma_start3A_297 = tpu.memref_slice %arg3[%scan3A_28, %add3A_292] : memref<8x65536xi32, #tpu.memory_space<hbm>> -> memref<1x2048xi32, #tpu.memory_space<hbm>>
        %dma_start3A_298 = tpu.memref_squeeze %dma_start3A_297 : memref<1x2048xi32, #tpu.memory_space<hbm>> -> memref<2048xi32, #tpu.memory_space<hbm>>
        %dma_start3A_299 = arith.constant 0 : i32
        %dma_start3A_300 = tpu.memref_slice %arg10[%dma_start3A_293, %dma_start3A_299] : memref<2x2048xi32, #tpu.memory_space<vmem>> -> memref<1x2048xi32, #tpu.memory_space<vmem>>
        %dma_start3A_301 = tpu.memref_squeeze %dma_start3A_300 : memref<1x2048xi32, #tpu.memory_space<vmem>> -> memref<2048xi32, #tpu.memory_space<vmem>>
        %dma_start3A_302 = tpu.memref_slice %arg3[%scan3A_28, %add3A_292] : memref<8x65536xi32, #tpu.memory_space<hbm>> -> memref<1x2048xi32, #tpu.memory_space<hbm>>
        %dma_start3A_303 = tpu.memref_squeeze %dma_start3A_302 : memref<1x2048xi32, #tpu.memory_space<hbm>> -> memref<2048xi32, #tpu.memory_space<hbm>>
        tpu.enqueue_dma source(%dma_start3A_303 : memref<2048xi32, #tpu.memory_space<hbm>>) target(%dma_start3A_301 : memref<2048xi32, #tpu.memory_space<vmem>>) target_semaphore(%arg12 : memref<!tpu.dma_semaphore, #tpu.memory_space<semaphore_mem>>)
        %dma_start3A_304 = arith.constant 0 : i32
        %dma_start3A_305 = arith.constant 0 : i32
        %dma_start3A_306 = arith.constant 0 : i32
        %dma_start3A_307 = tpu.memref_slice %arg11[%dma_start3A_304, %dma_start3A_305, %dma_start3A_306] : memref<2x2x2048xf32, #tpu.memory_space<vmem>> -> memref<1x1x2048xf32, #tpu.memory_space<vmem>>
        %dma_start3A_308 = tpu.memref_squeeze %dma_start3A_307 : memref<1x1x2048xf32, #tpu.memory_space<vmem>> -> memref<2048xf32, #tpu.memory_space<vmem>>
        %dma_start3A_309 = tpu.memref_slice %arg2[%scan3A_28, %mul3A_2, %add3A_292] : memref<8x64x65536xf32, #tpu.memory_space<hbm>> -> memref<1x1x2048xf32, #tpu.memory_space<hbm>>
        %dma_start3A_310 = tpu.memref_squeeze %dma_start3A_309 : memref<1x1x2048xf32, #tpu.memory_space<hbm>> -> memref<2048xf32, #tpu.memory_space<hbm>>
        %dma_start3A_311 = arith.constant 0 : i32
        %dma_start3A_312 = tpu.memref_slice %arg11[%dma_start3A_304, %dma_start3A_305, %dma_start3A_311] : memref<2x2x2048xf32, #tpu.memory_space<vmem>> -> memref<1x1x2048xf32, #tpu.memory_space<vmem>>
        %dma_start3A_313 = tpu.memref_squeeze %dma_start3A_312 : memref<1x1x2048xf32, #tpu.memory_space<vmem>> -> memref<2048xf32, #tpu.memory_space<vmem>>
        %dma_start3A_314 = tpu.memref_slice %arg2[%scan3A_28, %mul3A_2, %add3A_292] : memref<8x64x65536xf32, #tpu.memory_space<hbm>> -> memref<1x1x2048xf32, #tpu.memory_space<hbm>>
        %dma_start3A_315 = tpu.memref_squeeze %dma_start3A_314 : memref<1x1x2048xf32, #tpu.memory_space<hbm>> -> memref<2048xf32, #tpu.memory_space<hbm>>
        tpu.enqueue_dma source(%dma_start3A_315 : memref<2048xf32, #tpu.memory_space<hbm>>) target(%dma_start3A_313 : memref<2048xf32, #tpu.memory_space<vmem>>) target_semaphore(%arg12 : memref<!tpu.dma_semaphore, #tpu.memory_space<semaphore_mem>>)
        %add3A_316 = arith.constant 1 : i32
        %add3A_317 = arith.addi %mul3A_2, %add3A_316 : i32
        %dma_start3A_318 = arith.constant 0 : i32
        %dma_start3A_319 = arith.constant 1 : i32
        %dma_start3A_320 = arith.constant 0 : i32
        %dma_start3A_321 = tpu.memref_slice %arg11[%dma_start3A_318, %dma_start3A_319, %dma_start3A_320] : memref<2x2x2048xf32, #tpu.memory_space<vmem>> -> memref<1x1x2048xf32, #tpu.memory_space<vmem>>
        %dma_start3A_322 = tpu.memref_squeeze %dma_start3A_321 : memref<1x1x2048xf32, #tpu.memory_space<vmem>> -> memref<2048xf32, #tpu.memory_space<vmem>>
        %dma_start3A_323 = tpu.memref_slice %arg2[%scan3A_28, %add3A_317, %add3A_292] : memref<8x64x65536xf32, #tpu.memory_space<hbm>> -> memref<1x1x2048xf32, #tpu.memory_space<hbm>>
        %dma_start3A_324 = tpu.memref_squeeze %dma_start3A_323 : memref<1x1x2048xf32, #tpu.memory_space<hbm>> -> memref<2048xf32, #tpu.memory_space<hbm>>
        %dma_start3A_325 = arith.constant 0 : i32
        %dma_start3A_326 = tpu.memref_slice %arg11[%dma_start3A_318, %dma_start3A_319, %dma_start3A_325] : memref<2x2x2048xf32, #tpu.memory_space<vmem>> -> memref<1x1x2048xf32, #tpu.memory_space<vmem>>
        %dma_start3A_327 = tpu.memref_squeeze %dma_start3A_326 : memref<1x1x2048xf32, #tpu.memory_space<vmem>> -> memref<2048xf32, #tpu.memory_space<vmem>>
        %dma_start3A_328 = tpu.memref_slice %arg2[%scan3A_28, %add3A_317, %add3A_292] : memref<8x64x65536xf32, #tpu.memory_space<hbm>> -> memref<1x1x2048xf32, #tpu.memory_space<hbm>>
        %dma_start3A_329 = tpu.memref_squeeze %dma_start3A_328 : memref<1x1x2048xf32, #tpu.memory_space<hbm>> -> memref<2048xf32, #tpu.memory_space<hbm>>
        tpu.enqueue_dma source(%dma_start3A_329 : memref<2048xf32, #tpu.memory_space<hbm>>) target(%dma_start3A_327 : memref<2048xf32, #tpu.memory_space<vmem>>) target_semaphore(%arg12 : memref<!tpu.dma_semaphore, #tpu.memory_space<semaphore_mem>>)
        %dma_wait3A_330 = arith.constant 0 : i32
        %dma_wait3A_331 = arith.constant 1 : i32
        %dma_wait3A_332 = arith.constant 0 : i32
        %dma_wait3A_333 = tpu.memref_slice %arg10[%dma_wait3A_331, %dma_wait3A_332] : memref<2x2048xi32, #tpu.memory_space<vmem>> -> memref<1x2048xi32, #tpu.memory_space<vmem>>
        %dma_wait3A_334 = tpu.memref_squeeze %dma_wait3A_333 : memref<1x2048xi32, #tpu.memory_space<vmem>> -> memref<2048xi32, #tpu.memory_space<vmem>>
        %dma_wait3A_335 = arith.constant 0 : i32
        %dma_wait3A_336 = tpu.memref_slice %arg3[%dma_wait3A_330, %dma_wait3A_335] : memref<8x65536xi32, #tpu.memory_space<hbm>> -> memref<1x2048xi32, #tpu.memory_space<hbm>>
        %dma_wait3A_337 = tpu.memref_squeeze %dma_wait3A_336 : memref<1x2048xi32, #tpu.memory_space<hbm>> -> memref<2048xi32, #tpu.memory_space<hbm>>
        %dma_wait3A_338 = arith.constant 0 : i32
        %dma_wait3A_339 = tpu.memref_slice %arg10[%dma_wait3A_331, %dma_wait3A_338] : memref<2x2048xi32, #tpu.memory_space<vmem>> -> memref<1x2048xi32, #tpu.memory_space<vmem>>
        %dma_wait3A_340 = tpu.memref_squeeze %dma_wait3A_339 : memref<1x2048xi32, #tpu.memory_space<vmem>> -> memref<2048xi32, #tpu.memory_space<vmem>>
        %dma_wait3A_341 = arith.constant 0 : i32
        %dma_wait3A_342 = tpu.memref_slice %arg3[%dma_wait3A_330, %dma_wait3A_341] : memref<8x65536xi32, #tpu.memory_space<hbm>> -> memref<1x2048xi32, #tpu.memory_space<hbm>>
        %dma_wait3A_343 = tpu.memref_squeeze %dma_wait3A_342 : memref<1x2048xi32, #tpu.memory_space<hbm>> -> memref<2048xi32, #tpu.memory_space<hbm>>
        tpu.wait_dma2 semaphore(%arg13 : memref<!tpu.dma_semaphore, #tpu.memory_space<semaphore_mem>>) src(%dma_wait3A_343 : memref<2048xi32, #tpu.memory_space<hbm>>) dst(%dma_wait3A_340 : memref<2048xi32, #tpu.memory_space<vmem>>)
        %dma_wait3A_344 = arith.constant 0 : i32
        %dma_wait3A_345 = arith.constant 0 : i32
        %dma_wait3A_346 = arith.constant 1 : i32
        %dma_wait3A_347 = arith.constant 0 : i32
        %dma_wait3A_348 = arith.constant 0 : i32
        %dma_wait3A_349 = tpu.memref_slice %arg11[%dma_wait3A_346, %dma_wait3A_347, %dma_wait3A_348] : memref<2x2x2048xf32, #tpu.memory_space<vmem>> -> memref<1x1x2048xf32, #tpu.memory_space<vmem>>
        %dma_wait3A_350 = tpu.memref_squeeze %dma_wait3A_349 : memref<1x1x2048xf32, #tpu.memory_space<vmem>> -> memref<2048xf32, #tpu.memory_space<vmem>>
        %dma_wait3A_351 = arith.constant 0 : i32
        %dma_wait3A_352 = tpu.memref_slice %arg2[%dma_wait3A_344, %dma_wait3A_345, %dma_wait3A_351] : memref<8x64x65536xf32, #tpu.memory_space<hbm>> -> memref<1x1x2048xf32, #tpu.memory_space<hbm>>
        %dma_wait3A_353 = tpu.memref_squeeze %dma_wait3A_352 : memref<1x1x2048xf32, #tpu.memory_space<hbm>> -> memref<2048xf32, #tpu.memory_space<hbm>>
        %dma_wait3A_354 = arith.constant 0 : i32
        %dma_wait3A_355 = tpu.memref_slice %arg11[%dma_wait3A_346, %dma_wait3A_347, %dma_wait3A_354] : memref<2x2x2048xf32, #tpu.memory_space<vmem>> -> memref<1x1x2048xf32, #tpu.memory_space<vmem>>
        %dma_wait3A_356 = tpu.memref_squeeze %dma_wait3A_355 : memref<1x1x2048xf32, #tpu.memory_space<vmem>> -> memref<2048xf32, #tpu.memory_space<vmem>>
        %dma_wait3A_357 = arith.constant 0 : i32
        %dma_wait3A_358 = tpu.memref_slice %arg2[%dma_wait3A_344, %dma_wait3A_345, %dma_wait3A_357] : memref<8x64x65536xf32, #tpu.memory_space<hbm>> -> memref<1x1x2048xf32, #tpu.memory_space<hbm>>
        %dma_wait3A_359 = tpu.memref_squeeze %dma_wait3A_358 : memref<1x1x2048xf32, #tpu.memory_space<hbm>> -> memref<2048xf32, #tpu.memory_space<hbm>>
        tpu.wait_dma2 semaphore(%arg13 : memref<!tpu.dma_semaphore, #tpu.memory_space<semaphore_mem>>) src(%dma_wait3A_359 : memref<2048xf32, #tpu.memory_space<hbm>>) dst(%dma_wait3A_356 : memref<2048xf32, #tpu.memory_space<vmem>>)
        %dma_wait3A_360 = arith.constant 0 : i32
        %dma_wait3A_361 = arith.constant 0 : i32
        %dma_wait3A_362 = arith.constant 1 : i32
        %dma_wait3A_363 = arith.constant 1 : i32
        %dma_wait3A_364 = arith.constant 0 : i32
        %dma_wait3A_365 = tpu.memref_slice %arg11[%dma_wait3A_362, %dma_wait3A_363, %dma_wait3A_364] : memref<2x2x2048xf32, #tpu.memory_space<vmem>> -> memref<1x1x2048xf32, #tpu.memory_space<vmem>>
        %dma_wait3A_366 = tpu.memref_squeeze %dma_wait3A_365 : memref<1x1x2048xf32, #tpu.memory_space<vmem>> -> memref<2048xf32, #tpu.memory_space<vmem>>
        %dma_wait3A_367 = arith.constant 0 : i32
        %dma_wait3A_368 = tpu.memref_slice %arg2[%dma_wait3A_360, %dma_wait3A_361, %dma_wait3A_367] : memref<8x64x65536xf32, #tpu.memory_space<hbm>> -> memref<1x1x2048xf32, #tpu.memory_space<hbm>>
        %dma_wait3A_369 = tpu.memref_squeeze %dma_wait3A_368 : memref<1x1x2048xf32, #tpu.memory_space<hbm>> -> memref<2048xf32, #tpu.memory_space<hbm>>
        %dma_wait3A_370 = arith.constant 0 : i32
        %dma_wait3A_371 = tpu.memref_slice %arg11[%dma_wait3A_362, %dma_wait3A_363, %dma_wait3A_370] : memref<2x2x2048xf32, #tpu.memory_space<vmem>> -> memref<1x1x2048xf32, #tpu.memory_space<vmem>>
        %dma_wait3A_372 = tpu.memref_squeeze %dma_wait3A_371 : memref<1x1x2048xf32, #tpu.memory_space<vmem>> -> memref<2048xf32, #tpu.memory_space<vmem>>
        %dma_wait3A_373 = arith.constant 0 : i32
        %dma_wait3A_374 = tpu.memref_slice %arg2[%dma_wait3A_360, %dma_wait3A_361, %dma_wait3A_373] : memref<8x64x65536xf32, #tpu.memory_space<hbm>> -> memref<1x1x2048xf32, #tpu.memory_space<hbm>>
        %dma_wait3A_375 = tpu.memref_squeeze %dma_wait3A_374 : memref<1x1x2048xf32, #tpu.memory_space<hbm>> -> memref<2048xf32, #tpu.memory_space<hbm>>
        tpu.wait_dma2 semaphore(%arg13 : memref<!tpu.dma_semaphore, #tpu.memory_space<semaphore_mem>>) src(%dma_wait3A_375 : memref<2048xf32, #tpu.memory_space<hbm>>) dst(%dma_wait3A_372 : memref<2048xf32, #tpu.memory_space<vmem>>)
        %parallel_loop3A_376 = arith.constant 0 : i32
        %parallel_loop3A_377 = arith.constant 128 : i32
        %parallel_loop3A_378 = arith.constant 1 : i32
        scf.for %parallel_loop3A_418 = %parallel_loop3A_376 to %parallel_loop3A_377 step %parallel_loop3A_378  : i32 {
          %parallel_loop3A_419 = arith.constant 16 : i32
          %parallel_loop3A_420 = arith.muli %parallel_loop3A_418, %parallel_loop3A_419 : i32
          %parallel_loop3A_421 = arith.constant 1 : i32
          %parallel_loop3A_422 = arith.index_cast %parallel_loop3A_421 : i32 to index
          %parallel_loop3A_423 = arith.index_cast %parallel_loop3A_420 : i32 to index
          %parallel_loop3A_424 = tpu.vector_load %arg10[%parallel_loop3A_422, %parallel_loop3A_423] {strides = array<i32>} : memref<2x2048xi32, #tpu.memory_space<vmem>>, vector<16xi32>,
          %parallel_loop3A_425 = arith.constant 1 : i32
          %parallel_loop3A_426 = arith.constant 0 : i32
          %parallel_loop3A_427 = arith.index_cast %parallel_loop3A_425 : i32 to index
          %parallel_loop3A_428 = arith.index_cast %parallel_loop3A_426 : i32 to index
          %parallel_loop3A_429 = arith.index_cast %parallel_loop3A_420 : i32 to index
          %parallel_loop3A_430 = tpu.vector_load %arg11[%parallel_loop3A_427, %parallel_loop3A_428, %parallel_loop3A_429] {strides = array<i32>} : memref<2x2x2048xf32, #tpu.memory_space<vmem>>, vector<16xf32>,
          %parallel_loop3A_431 = arith.constant 1 : i32
          %parallel_loop3A_432 = arith.constant 1 : i32
          %parallel_loop3A_433 = arith.index_cast %parallel_loop3A_431 : i32 to index
          %parallel_loop3A_434 = arith.index_cast %parallel_loop3A_432 : i32 to index
          %parallel_loop3A_435 = arith.index_cast %parallel_loop3A_420 : i32 to index
          %parallel_loop3A_436 = tpu.vector_load %arg11[%parallel_loop3A_433, %parallel_loop3A_434, %parallel_loop3A_435] {strides = array<i32>} : memref<2x2x2048xf32, #tpu.memory_space<vmem>>, vector<16xf32>,
          tpu.vector_store_idx %arg5[%parallel_loop3A_424], %parallel_loop3A_430 {add = true} : memref<21888xf32, #tpu.memory_space<vmem>>[vector<16xi32>], vector<16xf32>,
          tpu.vector_store_idx %arg6[%parallel_loop3A_424], %parallel_loop3A_436 {add = true} : memref<21888xf32, #tpu.memory_space<vmem>>[vector<16xi32>], vector<16xf32>,
          tpu.vector_store_idx %arg7[%parallel_loop3A_424], %broadcast_in_dim3A_5 {add = true} : memref<21888xf32, #tpu.memory_space<vmem>>[vector<16xi32>], vector<16xf32>,
        } {sc.loop_unroll_factor = 32 : i64, sc.parallel_access}
        %add3A_379 = arith.constant 2048 : i32
        %add3A_380 = arith.addi %mul3A_241, %add3A_379 : i32
        %dma_start3A_381 = arith.constant 1 : i32
        %dma_start3A_382 = arith.constant 0 : i32
        %dma_start3A_383 = tpu.memref_slice %arg10[%dma_start3A_381, %dma_start3A_382] : memref<2x2048xi32, #tpu.memory_space<vmem>> -> memref<1x2048xi32, #tpu.memory_space<vmem>>
        %dma_start3A_384 = tpu.memref_squeeze %dma_start3A_383 : memref<1x2048xi32, #tpu.memory_space<vmem>> -> memref<2048xi32, #tpu.memory_space<vmem>>
        %dma_start3A_385 = tpu.memref_slice %arg3[%scan3A_28, %add3A_380] : memref<8x65536xi32, #tpu.memory_space<hbm>> -> memref<1x2048xi32, #tpu.memory_space<hbm>>
        %dma_start3A_386 = tpu.memref_squeeze %dma_start3A_385 : memref<1x2048xi32, #tpu.memory_space<hbm>> -> memref<2048xi32, #tpu.memory_space<hbm>>
        %dma_start3A_387 = arith.constant 0 : i32
        %dma_start3A_388 = tpu.memref_slice %arg10[%dma_start3A_381, %dma_start3A_387] : memref<2x2048xi32, #tpu.memory_space<vmem>> -> memref<1x2048xi32, #tpu.memory_space<vmem>>
        %dma_start3A_389 = tpu.memref_squeeze %dma_start3A_388 : memref<1x2048xi32, #tpu.memory_space<vmem>> -> memref<2048xi32, #tpu.memory_space<vmem>>
        %dma_start3A_390 = tpu.memref_slice %arg3[%scan3A_28, %add3A_380] : memref<8x65536xi32, #tpu.memory_space<hbm>> -> memref<1x2048xi32, #tpu.memory_space<hbm>>
        %dma_start3A_391 = tpu.memref_squeeze %dma_start3A_390 : memref<1x2048xi32, #tpu.memory_space<hbm>> -> memref<2048xi32, #tpu.memory_space<hbm>>
        tpu.enqueue_dma source(%dma_start3A_391 : memref<2048xi32, #tpu.memory_space<hbm>>) target(%dma_start3A_389 : memref<2048xi32, #tpu.memory_space<vmem>>) target_semaphore(%arg13 : memref<!tpu.dma_semaphore, #tpu.memory_space<semaphore_mem>>)
        %dma_start3A_392 = arith.constant 1 : i32
        %dma_start3A_393 = arith.constant 0 : i32
        %dma_start3A_394 = arith.constant 0 : i32
        %dma_start3A_395 = tpu.memref_slice %arg11[%dma_start3A_392, %dma_start3A_393, %dma_start3A_394] : memref<2x2x2048xf32, #tpu.memory_space<vmem>> -> memref<1x1x2048xf32, #tpu.memory_space<vmem>>
        %dma_start3A_396 = tpu.memref_squeeze %dma_start3A_395 : memref<1x1x2048xf32, #tpu.memory_space<vmem>> -> memref<2048xf32, #tpu.memory_space<vmem>>
        %dma_start3A_397 = tpu.memref_slice %arg2[%scan3A_28, %mul3A_2, %add3A_380] : memref<8x64x65536xf32, #tpu.memory_space<hbm>> -> memref<1x1x2048xf32, #tpu.memory_space<hbm>>
        %dma_start3A_398 = tpu.memref_squeeze %dma_start3A_397 : memref<1x1x2048xf32, #tpu.memory_space<hbm>> -> memref<2048xf32, #tpu.memory_space<hbm>>
        %dma_start3A_399 = arith.constant 0 : i32
        %dma_start3A_400 = tpu.memref_slice %arg11[%dma_start3A_392, %dma_start3A_393, %dma_start3A_399] : memref<2x2x2048xf32, #tpu.memory_space<vmem>> -> memref<1x1x2048xf32, #tpu.memory_space<vmem>>
        %dma_start3A_401 = tpu.memref_squeeze %dma_start3A_400 : memref<1x1x2048xf32, #tpu.memory_space<vmem>> -> memref<2048xf32, #tpu.memory_space<vmem>>
        %dma_start3A_402 = tpu.memref_slice %arg2[%scan3A_28, %mul3A_2, %add3A_380] : memref<8x64x65536xf32, #tpu.memory_space<hbm>> -> memref<1x1x2048xf32, #tpu.memory_space<hbm>>
        %dma_start3A_403 = tpu.memref_squeeze %dma_start3A_402 : memref<1x1x2048xf32, #tpu.memory_space<hbm>> -> memref<2048xf32, #tpu.memory_space<hbm>>
        tpu.enqueue_dma source(%dma_start3A_403 : memref<2048xf32, #tpu.memory_space<hbm>>) target(%dma_start3A_401 : memref<2048xf32, #tpu.memory_space<vmem>>) target_semaphore(%arg13 : memref<!tpu.dma_semaphore, #tpu.memory_space<semaphore_mem>>)
        %add3A_404 = arith.constant 1 : i32
        %add3A_405 = arith.addi %mul3A_2, %add3A_404 : i32
        %dma_start3A_406 = arith.constant 1 : i32
        %dma_start3A_407 = arith.constant 1 : i32
        %dma_start3A_408 = arith.constant 0 : i32
        %dma_start3A_409 = tpu.memref_slice %arg11[%dma_start3A_406, %dma_start3A_407, %dma_start3A_408] : memref<2x2x2048xf32, #tpu.memory_space<vmem>> -> memref<1x1x2048xf32, #tpu.memory_space<vmem>>
        %dma_start3A_410 = tpu.memref_squeeze %dma_start3A_409 : memref<1x1x2048xf32, #tpu.memory_space<vmem>> -> memref<2048xf32, #tpu.memory_space<vmem>>
        %dma_start3A_411 = tpu.memref_slice %arg2[%scan3A_28, %add3A_405, %add3A_380] : memref<8x64x65536xf32, #tpu.memory_space<hbm>> -> memref<1x1x2048xf32, #tpu.memory_space<hbm>>
        %dma_start3A_412 = tpu.memref_squeeze %dma_start3A_411 : memref<1x1x2048xf32, #tpu.memory_space<hbm>> -> memref<2048xf32, #tpu.memory_space<hbm>>
        %dma_start3A_413 = arith.constant 0 : i32
        %dma_start3A_414 = tpu.memref_slice %arg11[%dma_start3A_406, %dma_start3A_407, %dma_start3A_413] : memref<2x2x2048xf32, #tpu.memory_space<vmem>> -> memref<1x1x2048xf32, #tpu.memory_space<vmem>>
        %dma_start3A_415 = tpu.memref_squeeze %dma_start3A_414 : memref<1x1x2048xf32, #tpu.memory_space<vmem>> -> memref<2048xf32, #tpu.memory_space<vmem>>
        %dma_start3A_416 = tpu.memref_slice %arg2[%scan3A_28, %add3A_405, %add3A_380] : memref<8x64x65536xf32, #tpu.memory_space<hbm>> -> memref<1x1x2048xf32, #tpu.memory_space<hbm>>
        %dma_start3A_417 = tpu.memref_squeeze %dma_start3A_416 : memref<1x1x2048xf32, #tpu.memory_space<hbm>> -> memref<2048xf32, #tpu.memory_space<hbm>>
        tpu.enqueue_dma source(%dma_start3A_417 : memref<2048xf32, #tpu.memory_space<hbm>>) target(%dma_start3A_415 : memref<2048xf32, #tpu.memory_space<vmem>>) target_semaphore(%arg13 : memref<!tpu.dma_semaphore, #tpu.memory_space<semaphore_mem>>)
      }
      %scan3A_119 = arith.constant 15 : i32
      %dma_wait3A_120 = arith.constant 0 : i32
      %dma_wait3A_121 = arith.constant 0 : i32
      %dma_wait3A_122 = arith.constant 0 : i32
      %dma_wait3A_123 = tpu.memref_slice %arg10[%dma_wait3A_121, %dma_wait3A_122] : memref<2x2048xi32, #tpu.memory_space<vmem>> -> memref<1x2048xi32, #tpu.memory_space<vmem>>
      %dma_wait3A_124 = tpu.memref_squeeze %dma_wait3A_123 : memref<1x2048xi32, #tpu.memory_space<vmem>> -> memref<2048xi32, #tpu.memory_space<vmem>>
      %dma_wait3A_125 = arith.constant 0 : i32
      %dma_wait3A_126 = tpu.memref_slice %arg3[%dma_wait3A_120, %dma_wait3A_125] : memref<8x65536xi32, #tpu.memory_space<hbm>> -> memref<1x2048xi32, #tpu.memory_space<hbm>>
      %dma_wait3A_127 = tpu.memref_squeeze %dma_wait3A_126 : memref<1x2048xi32, #tpu.memory_space<hbm>> -> memref<2048xi32, #tpu.memory_space<hbm>>
      %dma_wait3A_128 = arith.constant 0 : i32
      %dma_wait3A_129 = tpu.memref_slice %arg10[%dma_wait3A_121, %dma_wait3A_128] : memref<2x2048xi32, #tpu.memory_space<vmem>> -> memref<1x2048xi32, #tpu.memory_space<vmem>>
      %dma_wait3A_130 = tpu.memref_squeeze %dma_wait3A_129 : memref<1x2048xi32, #tpu.memory_space<vmem>> -> memref<2048xi32, #tpu.memory_space<vmem>>
      %dma_wait3A_131 = arith.constant 0 : i32
      %dma_wait3A_132 = tpu.memref_slice %arg3[%dma_wait3A_120, %dma_wait3A_131] : memref<8x65536xi32, #tpu.memory_space<hbm>> -> memref<1x2048xi32, #tpu.memory_space<hbm>>
      %dma_wait3A_133 = tpu.memref_squeeze %dma_wait3A_132 : memref<1x2048xi32, #tpu.memory_space<hbm>> -> memref<2048xi32, #tpu.memory_space<hbm>>
      tpu.wait_dma2 semaphore(%arg12 : memref<!tpu.dma_semaphore, #tpu.memory_space<semaphore_mem>>) src(%dma_wait3A_133 : memref<2048xi32, #tpu.memory_space<hbm>>) dst(%dma_wait3A_130 : memref<2048xi32, #tpu.memory_space<vmem>>)
      %dma_wait3A_134 = arith.constant 0 : i32
      %dma_wait3A_135 = arith.constant 0 : i32
      %dma_wait3A_136 = arith.constant 0 : i32
      %dma_wait3A_137 = arith.constant 0 : i32
      %dma_wait3A_138 = arith.constant 0 : i32
      %dma_wait3A_139 = tpu.memref_slice %arg11[%dma_wait3A_136, %dma_wait3A_137, %dma_wait3A_138] : memref<2x2x2048xf32, #tpu.memory_space<vmem>> -> memref<1x1x2048xf32, #tpu.memory_space<vmem>>
      %dma_wait3A_140 = tpu.memref_squeeze %dma_wait3A_139 : memref<1x1x2048xf32, #tpu.memory_space<vmem>> -> memref<2048xf32, #tpu.memory_space<vmem>>
      %dma_wait3A_141 = arith.constant 0 : i32
      %dma_wait3A_142 = tpu.memref_slice %arg2[%dma_wait3A_134, %dma_wait3A_135, %dma_wait3A_141] : memref<8x64x65536xf32, #tpu.memory_space<hbm>> -> memref<1x1x2048xf32, #tpu.memory_space<hbm>>
      %dma_wait3A_143 = tpu.memref_squeeze %dma_wait3A_142 : memref<1x1x2048xf32, #tpu.memory_space<hbm>> -> memref<2048xf32, #tpu.memory_space<hbm>>
      %dma_wait3A_144 = arith.constant 0 : i32
      %dma_wait3A_145 = tpu.memref_slice %arg11[%dma_wait3A_136, %dma_wait3A_137, %dma_wait3A_144] : memref<2x2x2048xf32, #tpu.memory_space<vmem>> -> memref<1x1x2048xf32, #tpu.memory_space<vmem>>
      %dma_wait3A_146 = tpu.memref_squeeze %dma_wait3A_145 : memref<1x1x2048xf32, #tpu.memory_space<vmem>> -> memref<2048xf32, #tpu.memory_space<vmem>>
      %dma_wait3A_147 = arith.constant 0 : i32
      %dma_wait3A_148 = tpu.memref_slice %arg2[%dma_wait3A_134, %dma_wait3A_135, %dma_wait3A_147] : memref<8x64x65536xf32, #tpu.memory_space<hbm>> -> memref<1x1x2048xf32, #tpu.memory_space<hbm>>
      %dma_wait3A_149 = tpu.memref_squeeze %dma_wait3A_148 : memref<1x1x2048xf32, #tpu.memory_space<hbm>> -> memref<2048xf32, #tpu.memory_space<hbm>>
      tpu.wait_dma2 semaphore(%arg12 : memref<!tpu.dma_semaphore, #tpu.memory_space<semaphore_mem>>) src(%dma_wait3A_149 : memref<2048xf32, #tpu.memory_space<hbm>>) dst(%dma_wait3A_146 : memref<2048xf32, #tpu.memory_space<vmem>>)
      %dma_wait3A_150 = arith.constant 0 : i32
      %dma_wait3A_151 = arith.constant 0 : i32
      %dma_wait3A_152 = arith.constant 0 : i32
      %dma_wait3A_153 = arith.constant 1 : i32
      %dma_wait3A_154 = arith.constant 0 : i32
      %dma_wait3A_155 = tpu.memref_slice %arg11[%dma_wait3A_152, %dma_wait3A_153, %dma_wait3A_154] : memref<2x2x2048xf32, #tpu.memory_space<vmem>> -> memref<1x1x2048xf32, #tpu.memory_space<vmem>>
      %dma_wait3A_156 = tpu.memref_squeeze %dma_wait3A_155 : memref<1x1x2048xf32, #tpu.memory_space<vmem>> -> memref<2048xf32, #tpu.memory_space<vmem>>
      %dma_wait3A_157 = arith.constant 0 : i32
      %dma_wait3A_158 = tpu.memref_slice %arg2[%dma_wait3A_150, %dma_wait3A_151, %dma_wait3A_157] : memref<8x64x65536xf32, #tpu.memory_space<hbm>> -> memref<1x1x2048xf32, #tpu.memory_space<hbm>>
      %dma_wait3A_159 = tpu.memref_squeeze %dma_wait3A_158 : memref<1x1x2048xf32, #tpu.memory_space<hbm>> -> memref<2048xf32, #tpu.memory_space<hbm>>
      %dma_wait3A_160 = arith.constant 0 : i32
      %dma_wait3A_161 = tpu.memref_slice %arg11[%dma_wait3A_152, %dma_wait3A_153, %dma_wait3A_160] : memref<2x2x2048xf32, #tpu.memory_space<vmem>> -> memref<1x1x2048xf32, #tpu.memory_space<vmem>>
      %dma_wait3A_162 = tpu.memref_squeeze %dma_wait3A_161 : memref<1x1x2048xf32, #tpu.memory_space<vmem>> -> memref<2048xf32, #tpu.memory_space<vmem>>
      %dma_wait3A_163 = arith.constant 0 : i32
      %dma_wait3A_164 = tpu.memref_slice %arg2[%dma_wait3A_150, %dma_wait3A_151, %dma_wait3A_163] : memref<8x64x65536xf32, #tpu.memory_space<hbm>> -> memref<1x1x2048xf32, #tpu.memory_space<hbm>>
      %dma_wait3A_165 = tpu.memref_squeeze %dma_wait3A_164 : memref<1x1x2048xf32, #tpu.memory_space<hbm>> -> memref<2048xf32, #tpu.memory_space<hbm>>
      tpu.wait_dma2 semaphore(%arg12 : memref<!tpu.dma_semaphore, #tpu.memory_space<semaphore_mem>>) src(%dma_wait3A_165 : memref<2048xf32, #tpu.memory_space<hbm>>) dst(%dma_wait3A_162 : memref<2048xf32, #tpu.memory_space<vmem>>)
      %parallel_loop3A_166 = arith.constant 0 : i32
      %parallel_loop3A_167 = arith.constant 128 : i32
      %parallel_loop3A_168 = arith.constant 1 : i32
      scf.for %parallel_loop3A_237 = %parallel_loop3A_166 to %parallel_loop3A_167 step %parallel_loop3A_168  : i32 {
        %parallel_loop3A_238 = arith.constant 16 : i32
        %parallel_loop3A_239 = arith.muli %parallel_loop3A_237, %parallel_loop3A_238 : i32
        %parallel_loop3A_240 = arith.constant 0 : i32
        %parallel_loop3A_241 = arith.index_cast %parallel_loop3A_240 : i32 to index
        %parallel_loop3A_242 = arith.index_cast %parallel_loop3A_239 : i32 to index
        %parallel_loop3A_243 = tpu.vector_load %arg10[%parallel_loop3A_241, %parallel_loop3A_242] {strides = array<i32>} : memref<2x2048xi32, #tpu.memory_space<vmem>>, vector<16xi32>,
        %parallel_loop3A_244 = arith.constant 0 : i32
        %parallel_loop3A_245 = arith.constant 0 : i32
        %parallel_loop3A_246 = arith.index_cast %parallel_loop3A_244 : i32 to index
        %parallel_loop3A_247 = arith.index_cast %parallel_loop3A_245 : i32 to index
        %parallel_loop3A_248 = arith.index_cast %parallel_loop3A_239 : i32 to index
        %parallel_loop3A_249 = tpu.vector_load %arg11[%parallel_loop3A_246, %parallel_loop3A_247, %parallel_loop3A_248] {strides = array<i32>} : memref<2x2x2048xf32, #tpu.memory_space<vmem>>, vector<16xf32>,
        %parallel_loop3A_250 = arith.constant 0 : i32
        %parallel_loop3A_251 = arith.constant 1 : i32
        %parallel_loop3A_252 = arith.index_cast %parallel_loop3A_250 : i32 to index
        %parallel_loop3A_253 = arith.index_cast %parallel_loop3A_251 : i32 to index
        %parallel_loop3A_254 = arith.index_cast %parallel_loop3A_239 : i32 to index
        %parallel_loop3A_255 = tpu.vector_load %arg11[%parallel_loop3A_252, %parallel_loop3A_253, %parallel_loop3A_254] {strides = array<i32>} : memref<2x2x2048xf32, #tpu.memory_space<vmem>>, vector<16xf32>,
        tpu.vector_store_idx %arg5[%parallel_loop3A_243], %parallel_loop3A_249 {add = true} : memref<21888xf32, #tpu.memory_space<vmem>>[vector<16xi32>], vector<16xf32>,
        tpu.vector_store_idx %arg6[%parallel_loop3A_243], %parallel_loop3A_255 {add = true} : memref<21888xf32, #tpu.memory_space<vmem>>[vector<16xi32>], vector<16xf32>,
        tpu.vector_store_idx %arg7[%parallel_loop3A_243], %broadcast_in_dim3A_5 {add = true} : memref<21888xf32, #tpu.memory_space<vmem>>[vector<16xi32>], vector<16xf32>,
      } {sc.loop_unroll_factor = 32 : i64, sc.parallel_access}
      %dma_wait3A_169 = arith.constant 0 : i32
      %dma_wait3A_170 = arith.constant 1 : i32
      %dma_wait3A_171 = arith.constant 0 : i32
      %dma_wait3A_172 = tpu.memref_slice %arg10[%dma_wait3A_170, %dma_wait3A_171] : memref<2x2048xi32, #tpu.memory_space<vmem>> -> memref<1x2048xi32, #tpu.memory_space<vmem>>
      %dma_wait3A_173 = tpu.memref_squeeze %dma_wait3A_172 : memref<1x2048xi32, #tpu.memory_space<vmem>> -> memref<2048xi32, #tpu.memory_space<vmem>>
      %dma_wait3A_174 = arith.constant 0 : i32
      %dma_wait3A_175 = tpu.memref_slice %arg3[%dma_wait3A_169, %dma_wait3A_174] : memref<8x65536xi32, #tpu.memory_space<hbm>> -> memref<1x2048xi32, #tpu.memory_space<hbm>>
      %dma_wait3A_176 = tpu.memref_squeeze %dma_wait3A_175 : memref<1x2048xi32, #tpu.memory_space<hbm>> -> memref<2048xi32, #tpu.memory_space<hbm>>
      %dma_wait3A_177 = arith.constant 0 : i32
      %dma_wait3A_178 = tpu.memref_slice %arg10[%dma_wait3A_170, %dma_wait3A_177] : memref<2x2048xi32, #tpu.memory_space<vmem>> -> memref<1x2048xi32, #tpu.memory_space<vmem>>
      %dma_wait3A_179 = tpu.memref_squeeze %dma_wait3A_178 : memref<1x2048xi32, #tpu.memory_space<vmem>> -> memref<2048xi32, #tpu.memory_space<vmem>>
      %dma_wait3A_180 = arith.constant 0 : i32
      %dma_wait3A_181 = tpu.memref_slice %arg3[%dma_wait3A_169, %dma_wait3A_180] : memref<8x65536xi32, #tpu.memory_space<hbm>> -> memref<1x2048xi32, #tpu.memory_space<hbm>>
      %dma_wait3A_182 = tpu.memref_squeeze %dma_wait3A_181 : memref<1x2048xi32, #tpu.memory_space<hbm>> -> memref<2048xi32, #tpu.memory_space<hbm>>
      tpu.wait_dma2 semaphore(%arg13 : memref<!tpu.dma_semaphore, #tpu.memory_space<semaphore_mem>>) src(%dma_wait3A_182 : memref<2048xi32, #tpu.memory_space<hbm>>) dst(%dma_wait3A_179 : memref<2048xi32, #tpu.memory_space<vmem>>)
      %dma_wait3A_183 = arith.constant 0 : i32
      %dma_wait3A_184 = arith.constant 0 : i32
      %dma_wait3A_185 = arith.constant 1 : i32
      %dma_wait3A_186 = arith.constant 0 : i32
      %dma_wait3A_187 = arith.constant 0 : i32
      %dma_wait3A_188 = tpu.memref_slice %arg11[%dma_wait3A_185, %dma_wait3A_186, %dma_wait3A_187] : memref<2x2x2048xf32, #tpu.memory_space<vmem>> -> memref<1x1x2048xf32, #tpu.memory_space<vmem>>
      %dma_wait3A_189 = tpu.memref_squeeze %dma_wait3A_188 : memref<1x1x2048xf32, #tpu.memory_space<vmem>> -> memref<2048xf32, #tpu.memory_space<vmem>>
      %dma_wait3A_190 = arith.constant 0 : i32
      %dma_wait3A_191 = tpu.memref_slice %arg2[%dma_wait3A_183, %dma_wait3A_184, %dma_wait3A_190] : memref<8x64x65536xf32, #tpu.memory_space<hbm>> -> memref<1x1x2048xf32, #tpu.memory_space<hbm>>
      %dma_wait3A_192 = tpu.memref_squeeze %dma_wait3A_191 : memref<1x1x2048xf32, #tpu.memory_space<hbm>> -> memref<2048xf32, #tpu.memory_space<hbm>>
      %dma_wait3A_193 = arith.constant 0 : i32
      %dma_wait3A_194 = tpu.memref_slice %arg11[%dma_wait3A_185, %dma_wait3A_186, %dma_wait3A_193] : memref<2x2x2048xf32, #tpu.memory_space<vmem>> -> memref<1x1x2048xf32, #tpu.memory_space<vmem>>
      %dma_wait3A_195 = tpu.memref_squeeze %dma_wait3A_194 : memref<1x1x2048xf32, #tpu.memory_space<vmem>> -> memref<2048xf32, #tpu.memory_space<vmem>>
      %dma_wait3A_196 = arith.constant 0 : i32
      %dma_wait3A_197 = tpu.memref_slice %arg2[%dma_wait3A_183, %dma_wait3A_184, %dma_wait3A_196] : memref<8x64x65536xf32, #tpu.memory_space<hbm>> -> memref<1x1x2048xf32, #tpu.memory_space<hbm>>
      %dma_wait3A_198 = tpu.memref_squeeze %dma_wait3A_197 : memref<1x1x2048xf32, #tpu.memory_space<hbm>> -> memref<2048xf32, #tpu.memory_space<hbm>>
      tpu.wait_dma2 semaphore(%arg13 : memref<!tpu.dma_semaphore, #tpu.memory_space<semaphore_mem>>) src(%dma_wait3A_198 : memref<2048xf32, #tpu.memory_space<hbm>>) dst(%dma_wait3A_195 : memref<2048xf32, #tpu.memory_space<vmem>>)
      %dma_wait3A_199 = arith.constant 0 : i32
      %dma_wait3A_200 = arith.constant 0 : i32
      %dma_wait3A_201 = arith.constant 1 : i32
      %dma_wait3A_202 = arith.constant 1 : i32
      %dma_wait3A_203 = arith.constant 0 : i32
      %dma_wait3A_204 = tpu.memref_slice %arg11[%dma_wait3A_201, %dma_wait3A_202, %dma_wait3A_203] : memref<2x2x2048xf32, #tpu.memory_space<vmem>> -> memref<1x1x2048xf32, #tpu.memory_space<vmem>>
      %dma_wait3A_205 = tpu.memref_squeeze %dma_wait3A_204 : memref<1x1x2048xf32, #tpu.memory_space<vmem>> -> memref<2048xf32, #tpu.memory_space<vmem>>
      %dma_wait3A_206 = arith.constant 0 : i32
      %dma_wait3A_207 = tpu.memref_slice %arg2[%dma_wait3A_199, %dma_wait3A_200, %dma_wait3A_206] : memref<8x64x65536xf32, #tpu.memory_space<hbm>> -> memref<1x1x2048xf32, #tpu.memory_space<hbm>>
      %dma_wait3A_208 = tpu.memref_squeeze %dma_wait3A_207 : memref<1x1x2048xf32, #tpu.memory_space<hbm>> -> memref<2048xf32, #tpu.memory_space<hbm>>
      %dma_wait3A_209 = arith.constant 0 : i32
      %dma_wait3A_210 = tpu.memref_slice %arg11[%dma_wait3A_201, %dma_wait3A_202, %dma_wait3A_209] : memref<2x2x2048xf32, #tpu.memory_space<vmem>> -> memref<1x1x2048xf32, #tpu.memory_space<vmem>>
      %dma_wait3A_211 = tpu.memref_squeeze %dma_wait3A_210 : memref<1x1x2048xf32, #tpu.memory_space<vmem>> -> memref<2048xf32, #tpu.memory_space<vmem>>
      %dma_wait3A_212 = arith.constant 0 : i32
      %dma_wait3A_213 = tpu.memref_slice %arg2[%dma_wait3A_199, %dma_wait3A_200, %dma_wait3A_212] : memref<8x64x65536xf32, #tpu.memory_space<hbm>> -> memref<1x1x2048xf32, #tpu.memory_space<hbm>>
      %dma_wait3A_214 = tpu.memref_squeeze %dma_wait3A_213 : memref<1x1x2048xf32, #tpu.memory_space<hbm>> -> memref<2048xf32, #tpu.memory_space<hbm>>
      tpu.wait_dma2 semaphore(%arg13 : memref<!tpu.dma_semaphore, #tpu.memory_space<semaphore_mem>>) src(%dma_wait3A_214 : memref<2048xf32, #tpu.memory_space<hbm>>) dst(%dma_wait3A_211 : memref<2048xf32, #tpu.memory_space<vmem>>)
      %parallel_loop3A_215 = arith.constant 0 : i32
      %parallel_loop3A_216 = arith.constant 128 : i32
      %parallel_loop3A_217 = arith.constant 1 : i32
      scf.for %parallel_loop3A_237 = %parallel_loop3A_215 to %parallel_loop3A_216 step %parallel_loop3A_217  : i32 {
        %parallel_loop3A_238 = arith.constant 16 : i32
        %parallel_loop3A_239 = arith.muli %parallel_loop3A_237, %parallel_loop3A_238 : i32
        %parallel_loop3A_240 = arith.constant 1 : i32
        %parallel_loop3A_241 = arith.index_cast %parallel_loop3A_240 : i32 to index
        %parallel_loop3A_242 = arith.index_cast %parallel_loop3A_239 : i32 to index
        %parallel_loop3A_243 = tpu.vector_load %arg10[%parallel_loop3A_241, %parallel_loop3A_242] {strides = array<i32>} : memref<2x2048xi32, #tpu.memory_space<vmem>>, vector<16xi32>,
        %parallel_loop3A_244 = arith.constant 1 : i32
        %parallel_loop3A_245 = arith.constant 0 : i32
        %parallel_loop3A_246 = arith.index_cast %parallel_loop3A_244 : i32 to index
        %parallel_loop3A_247 = arith.index_cast %parallel_loop3A_245 : i32 to index
        %parallel_loop3A_248 = arith.index_cast %parallel_loop3A_239 : i32 to index
        %parallel_loop3A_249 = tpu.vector_load %arg11[%parallel_loop3A_246, %parallel_loop3A_247, %parallel_loop3A_248] {strides = array<i32>} : memref<2x2x2048xf32, #tpu.memory_space<vmem>>, vector<16xf32>,
        %parallel_loop3A_250 = arith.constant 1 : i32
        %parallel_loop3A_251 = arith.constant 1 : i32
        %parallel_loop3A_252 = arith.index_cast %parallel_loop3A_250 : i32 to index
        %parallel_loop3A_253 = arith.index_cast %parallel_loop3A_251 : i32 to index
        %parallel_loop3A_254 = arith.index_cast %parallel_loop3A_239 : i32 to index
        %parallel_loop3A_255 = tpu.vector_load %arg11[%parallel_loop3A_252, %parallel_loop3A_253, %parallel_loop3A_254] {strides = array<i32>} : memref<2x2x2048xf32, #tpu.memory_space<vmem>>, vector<16xf32>,
        tpu.vector_store_idx %arg5[%parallel_loop3A_243], %parallel_loop3A_249 {add = true} : memref<21888xf32, #tpu.memory_space<vmem>>[vector<16xi32>], vector<16xf32>,
        tpu.vector_store_idx %arg6[%parallel_loop3A_243], %parallel_loop3A_255 {add = true} : memref<21888xf32, #tpu.memory_space<vmem>>[vector<16xi32>], vector<16xf32>,
        tpu.vector_store_idx %arg7[%parallel_loop3A_243], %broadcast_in_dim3A_5 {add = true} : memref<21888xf32, #tpu.memory_space<vmem>>[vector<16xi32>], vector<16xf32>,
      } {sc.loop_unroll_factor = 32 : i64, sc.parallel_access}
      %gt3A = arith.constant 0 : i32
      %gt3A_218 = arith.cmpi sgt, %scan3A_28, %gt3A : i32
      %convert_element_type3A = arith.extui %gt3A_218 : i1 to i32
      %cond3A = arith.constant 0 : i32
      %cond3A_219 = arith.cmpi ne, %convert_element_type3A, %cond3A : i32
      scf.if %cond3A_219 {
        %dma_wait3A_237 = arith.constant 0 : i32
        %dma_wait3A_238 = arith.constant 0 : i32
        %dma_wait3A_239 = arith.constant 0 : i32
        %dma_wait3A_240 = tpu.memref_slice %arg4[%dma_wait3A_237, %dma_wait3A_238, %dma_wait3A_239] : memref<8x64x21888xf32, #tpu.memory_space<hbm>> -> memref<1x1x21888xf32, #tpu.memory_space<hbm>>
        %dma_wait3A_241 = tpu.memref_squeeze %dma_wait3A_240 : memref<1x1x21888xf32, #tpu.memory_space<hbm>> -> memref<21888xf32, #tpu.memory_space<hbm>>
        %dma_wait3A_242 = arith.constant 0 : i32
        %dma_wait3A_243 = tpu.memref_slice %arg4[%dma_wait3A_237, %dma_wait3A_238, %dma_wait3A_242] : memref<8x64x21888xf32, #tpu.memory_space<hbm>> -> memref<1x1x21888xf32, #tpu.memory_space<hbm>>
        %dma_wait3A_244 = tpu.memref_squeeze %dma_wait3A_243 : memref<1x1x21888xf32, #tpu.memory_space<hbm>> -> memref<21888xf32, #tpu.memory_space<hbm>>
        tpu.wait_dma2 semaphore(%arg14 : memref<!tpu.dma_semaphore, #tpu.memory_space<semaphore_mem>>) src(%arg8 : memref<21888xf32, #tpu.memory_space<vmem>>) dst(%dma_wait3A_244 : memref<21888xf32, #tpu.memory_space<hbm>>)
        %dma_wait3A_245 = arith.constant 0 : i32
        %dma_wait3A_246 = arith.constant 0 : i32
        %dma_wait3A_247 = arith.constant 0 : i32
        %dma_wait3A_248 = tpu.memref_slice %arg4[%dma_wait3A_245, %dma_wait3A_246, %dma_wait3A_247] : memref<8x64x21888xf32, #tpu.memory_space<hbm>> -> memref<1x1x21888xf32, #tpu.memory_space<hbm>>
        %dma_wait3A_249 = tpu.memref_squeeze %dma_wait3A_248 : memref<1x1x21888xf32, #tpu.memory_space<hbm>> -> memref<21888xf32, #tpu.memory_space<hbm>>
        %dma_wait3A_250 = arith.constant 0 : i32
        %dma_wait3A_251 = tpu.memref_slice %arg4[%dma_wait3A_245, %dma_wait3A_246, %dma_wait3A_250] : memref<8x64x21888xf32, #tpu.memory_space<hbm>> -> memref<1x1x21888xf32, #tpu.memory_space<hbm>>
        %dma_wait3A_252 = tpu.memref_squeeze %dma_wait3A_251 : memref<1x1x21888xf32, #tpu.memory_space<hbm>> -> memref<21888xf32, #tpu.memory_space<hbm>>
        tpu.wait_dma2 semaphore(%arg14 : memref<!tpu.dma_semaphore, #tpu.memory_space<semaphore_mem>>) src(%arg9 : memref<21888xf32, #tpu.memory_space<vmem>>) dst(%dma_wait3A_252 : memref<21888xf32, #tpu.memory_space<hbm>>)
      } else {
      }
      %parallel_loop3A_220 = arith.constant 0 : i32
      %parallel_loop3A_221 = arith.constant 1368 : i32
      %parallel_loop3A_222 = arith.constant 1 : i32
      scf.for %parallel_loop3A_237 = %parallel_loop3A_220 to %parallel_loop3A_221 step %parallel_loop3A_222  : i32 {
        %parallel_loop3A_238 = arith.constant 16 : i32
        %parallel_loop3A_239 = arith.muli %parallel_loop3A_237, %parallel_loop3A_238 : i32
        %parallel_loop3A_240 = arith.index_cast %parallel_loop3A_239 : i32 to index
        %parallel_loop3A_241 = tpu.vector_load %arg7[%parallel_loop3A_240] {strides = array<i32>} : memref<21888xf32, #tpu.memory_space<vmem>>, vector<16xf32>,
        %parallel_loop3A_242 = arith.maximumf %parallel_loop3A_241, %broadcast_in_dim3A_5 : vector<16xf32>
        %parallel_loop3A_243 = arith.constant 1.000000e+00 : f32
        %parallel_loop3A_244 = vector.broadcast %parallel_loop3A_243 : f32 to vector<16xf32>
        %parallel_loop3A_245 = arith.divf %parallel_loop3A_244, %parallel_loop3A_242 : vector<16xf32>
        %parallel_loop3A_246 = arith.index_cast %parallel_loop3A_239 : i32 to index
        %parallel_loop3A_247 = tpu.vector_load %arg5[%parallel_loop3A_246] {strides = array<i32>} : memref<21888xf32, #tpu.memory_space<vmem>>, vector<16xf32>,
        %parallel_loop3A_248 = arith.mulf %parallel_loop3A_247, %parallel_loop3A_245 : vector<16xf32>
        %parallel_loop3A_249 = arith.index_cast %parallel_loop3A_239 : i32 to index
        %parallel_loop3A_250 = tpu.vector_load %arg8[%parallel_loop3A_249] {strides = array<i32>} : memref<21888xf32, #tpu.memory_space<vmem>>, vector<16xf32>,
        tpu.vector_store %arg8[%parallel_loop3A_249], %parallel_loop3A_248 {strides = array<i32>} : memref<21888xf32, #tpu.memory_space<vmem>>, vector<16xf32>,
        %parallel_loop3A_251 = arith.index_cast %parallel_loop3A_239 : i32 to index
        %parallel_loop3A_252 = tpu.vector_load %arg6[%parallel_loop3A_251] {strides = array<i32>} : memref<21888xf32, #tpu.memory_space<vmem>>, vector<16xf32>,
        %parallel_loop3A_253 = arith.mulf %parallel_loop3A_252, %parallel_loop3A_245 : vector<16xf32>
        %parallel_loop3A_254 = arith.index_cast %parallel_loop3A_239 : i32 to index
        %parallel_loop3A_255 = tpu.vector_load %arg9[%parallel_loop3A_254] {strides = array<i32>} : memref<21888xf32, #tpu.memory_space<vmem>>, vector<16xf32>,
        tpu.vector_store %arg9[%parallel_loop3A_254], %parallel_loop3A_253 {strides = array<i32>} : memref<21888xf32, #tpu.memory_space<vmem>>, vector<16xf32>,
        %parallel_loop3A_256 = arith.index_cast %parallel_loop3A_239 : i32 to index
        %parallel_loop3A_257 = tpu.vector_load %arg5[%parallel_loop3A_256] {strides = array<i32>} : memref<21888xf32, #tpu.memory_space<vmem>>, vector<16xf32>,
        tpu.vector_store %arg5[%parallel_loop3A_256], %broadcast_in_dim3A_3 {strides = array<i32>} : memref<21888xf32, #tpu.memory_space<vmem>>, vector<16xf32>,
        %parallel_loop3A_258 = arith.index_cast %parallel_loop3A_239 : i32 to index
        %parallel_loop3A_259 = tpu.vector_load %arg6[%parallel_loop3A_258] {strides = array<i32>} : memref<21888xf32, #tpu.memory_space<vmem>>, vector<16xf32>,
        tpu.vector_store %arg6[%parallel_loop3A_258], %broadcast_in_dim3A_3 {strides = array<i32>} : memref<21888xf32, #tpu.memory_space<vmem>>, vector<16xf32>,
        %parallel_loop3A_260 = arith.index_cast %parallel_loop3A_239 : i32 to index
        %parallel_loop3A_261 = tpu.vector_load %arg7[%parallel_loop3A_260] {strides = array<i32>} : memref<21888xf32, #tpu.memory_space<vmem>>, vector<16xf32>,
        tpu.vector_store %arg7[%parallel_loop3A_260], %broadcast_in_dim3A_3 {strides = array<i32>} : memref<21888xf32, #tpu.memory_space<vmem>>, vector<16xf32>,
      } {sc.loop_unroll_factor = 8 : i64, sc.parallel_access}
      %dma_start3A_223 = arith.constant 0 : i32
      %dma_start3A_224 = tpu.memref_slice %arg4[%scan3A_28, %mul3A_2, %dma_start3A_223] : memref<8x64x21888xf32, #tpu.memory_space<hbm>> -> memref<1x1x21888xf32, #tpu.memory_space<hbm>>
      %dma_start3A_225 = tpu.memref_squeeze %dma_start3A_224 : memref<1x1x21888xf32, #tpu.memory_space<hbm>> -> memref<21888xf32, #tpu.memory_space<hbm>>
      %dma_start3A_226 = arith.constant 0 : i32
      %dma_start3A_227 = tpu.memref_slice %arg4[%scan3A_28, %mul3A_2, %dma_start3A_226] : memref<8x64x21888xf32, #tpu.memory_space<hbm>> -> memref<1x1x21888xf32, #tpu.memory_space<hbm>>
      %dma_start3A_228 = tpu.memref_squeeze %dma_start3A_227 : memref<1x1x21888xf32, #tpu.memory_space<hbm>> -> memref<21888xf32, #tpu.memory_space<hbm>>
      tpu.enqueue_dma source(%arg8 : memref<21888xf32, #tpu.memory_space<vmem>>) target(%dma_start3A_228 : memref<21888xf32, #tpu.memory_space<hbm>>) target_semaphore(%arg14 : memref<!tpu.dma_semaphore, #tpu.memory_space<semaphore_mem>>)
      %add3A_229 = arith.constant 1 : i32
      %add3A_230 = arith.addi %mul3A_2, %add3A_229 : i32
      %dma_start3A_231 = arith.constant 0 : i32
      %dma_start3A_232 = tpu.memref_slice %arg4[%scan3A_28, %add3A_230, %dma_start3A_231] : memref<8x64x21888xf32, #tpu.memory_space<hbm>> -> memref<1x1x21888xf32, #tpu.memory_space<hbm>>
      %dma_start3A_233 = tpu.memref_squeeze %dma_start3A_232 : memref<1x1x21888xf32, #tpu.memory_space<hbm>> -> memref<21888xf32, #tpu.memory_space<hbm>>
      %dma_start3A_234 = arith.constant 0 : i32
      %dma_start3A_235 = tpu.memref_slice %arg4[%scan3A_28, %add3A_230, %dma_start3A_234] : memref<8x64x21888xf32, #tpu.memory_space<hbm>> -> memref<1x1x21888xf32, #tpu.memory_space<hbm>>
      %dma_start3A_236 = tpu.memref_squeeze %dma_start3A_235 : memref<1x1x21888xf32, #tpu.memory_space<hbm>> -> memref<21888xf32, #tpu.memory_space<hbm>>
      tpu.enqueue_dma source(%arg9 : memref<21888xf32, #tpu.memory_space<vmem>>) target(%dma_start3A_236 : memref<21888xf32, #tpu.memory_space<hbm>>) target_semaphore(%arg14 : memref<!tpu.dma_semaphore, #tpu.memory_space<semaphore_mem>>)
    }
    %scan3A_12 = arith.constant 8 : i32
    %dma_wait3A = arith.constant 0 : i32
    %dma_wait3A_13 = arith.constant 0 : i32
    %dma_wait3A_14 = arith.constant 0 : i32
    %dma_wait3A_15 = tpu.memref_slice %arg4[%dma_wait3A, %dma_wait3A_13, %dma_wait3A_14] : memref<8x64x21888xf32, #tpu.memory_space<hbm>> -> memref<1x1x21888xf32, #tpu.memory_space<hbm>>
    %dma_wait3A_16 = tpu.memref_squeeze %dma_wait3A_15 : memref<1x1x21888xf32, #tpu.memory_space<hbm>> -> memref<21888xf32, #tpu.memory_space<hbm>>
    %dma_wait3A_17 = arith.constant 0 : i32
    %dma_wait3A_18 = tpu.memref_slice %arg4[%dma_wait3A, %dma_wait3A_13, %dma_wait3A_17] : memref<8x64x21888xf32, #tpu.memory_space<hbm>> -> memref<1x1x21888xf32, #tpu.memory_space<hbm>>
    %dma_wait3A_19 = tpu.memref_squeeze %dma_wait3A_18 : memref<1x1x21888xf32, #tpu.memory_space<hbm>> -> memref<21888xf32, #tpu.memory_space<hbm>>
    tpu.wait_dma2 semaphore(%arg14 : memref<!tpu.dma_semaphore, #tpu.memory_space<semaphore_mem>>) src(%arg8 : memref<21888xf32, #tpu.memory_space<vmem>>) dst(%dma_wait3A_19 : memref<21888xf32, #tpu.memory_space<hbm>>)
    %dma_wait3A_20 = arith.constant 0 : i32
    %dma_wait3A_21 = arith.constant 0 : i32
    %dma_wait3A_22 = arith.constant 0 : i32
    %dma_wait3A_23 = tpu.memref_slice %arg4[%dma_wait3A_20, %dma_wait3A_21, %dma_wait3A_22] : memref<8x64x21888xf32, #tpu.memory_space<hbm>> -> memref<1x1x21888xf32, #tpu.memory_space<hbm>>
    %dma_wait3A_24 = tpu.memref_squeeze %dma_wait3A_23 : memref<1x1x21888xf32, #tpu.memory_space<hbm>> -> memref<21888xf32, #tpu.memory_space<hbm>>
    %dma_wait3A_25 = arith.constant 0 : i32
    %dma_wait3A_26 = tpu.memref_slice %arg4[%dma_wait3A_20, %dma_wait3A_21, %dma_wait3A_25] : memref<8x64x21888xf32, #tpu.memory_space<hbm>> -> memref<1x1x21888xf32, #tpu.memory_space<hbm>>
    %dma_wait3A_27 = tpu.memref_squeeze %dma_wait3A_26 : memref<1x1x21888xf32, #tpu.memory_space<hbm>> -> memref<21888xf32, #tpu.memory_space<hbm>>
    tpu.wait_dma2 semaphore(%arg14 : memref<!tpu.dma_semaphore, #tpu.memory_space<semaphore_mem>>) src(%arg9 : memref<21888xf32, #tpu.memory_space<vmem>>) dst(%dma_wait3A_27 : memref<21888xf32, #tpu.memory_space<hbm>>)
    return
  }
}

module attributes {stable_mosaic.version = 14 : i64} {
  func.func @_idx_body(%arg0: i32, %arg1: memref<8x4096xf32, #tpu.memory_space<vmem>>, %arg2: memref<8x4096xf32, #tpu.memory_space<vmem>>, %arg3: memref<8x4096xf32, #tpu.memory_space<vmem>>, %arg4: memref<8x4096xi32, #tpu.memory_space<vmem>>) attributes {dimension_semantics = [#tpu.dimension_semantics<arbitrary>], iteration_bounds = array<i64: 16>, scalar_prefetch = 0 : i64, scratch_operands = 0 : i64, tpu.core_type = #tpu.core_type<tc>, window_params = [{transform_indices = @transform_0, window_bounds = array<i64: 8, 4096>}, {transform_indices = @transform_1, window_bounds = array<i64: 8, 4096>}, {transform_indices = @transform_2, window_bounds = array<i64: 8, 4096>}, {transform_indices = @transform_3, window_bounds = array<i64: 8, 4096>}]} {
    %div3A = arith.constant -5.600000e+00 : f32
    %div3A_0 = arith.constant 3.000000e-01 : f32
    %div3A_1 = arith.divf %div3A, %div3A_0 : f32
    %floor3A = math.floor %div3A_1 : f32
    %get3A = arith.constant 0 : index
    %get3A_2 = arith.constant 0 : index
    %get3A_3 = vector.load %arg1[%get3A, %get3A_2] : memref<8x4096xf32, #tpu.memory_space<vmem>>, vector<8x4096xf32>
    %div3A_4 = arith.constant 3.000000e-01 : f32
    %div3A_5 = vector.broadcast %div3A_4 : f32 to vector<8x4096xf32>
    %div3A_6 = arith.divf %get3A_3, %div3A_5 : vector<8x4096xf32>
    %floor3A_7 = math.floor %div3A_6 : vector<8x4096xf32>
    %sub3A = vector.broadcast %floor3A : f32 to vector<8x4096xf32>
    %sub3A_8 = arith.subf %floor3A_7, %sub3A : vector<8x4096xf32>
    %convert_element_type3A = arith.fptosi %sub3A_8 : vector<8x4096xf32> to vector<8x4096xi32>
    %jit3A = arith.constant 0 : i32
    %jit3A_9 = arith.constant 37 : i32
    %max3A = vector.broadcast %jit3A : i32 to vector<8x4096xi32>
    %max3A_10 = arith.maxsi %max3A, %convert_element_type3A : vector<8x4096xi32>
    %min3A = vector.broadcast %jit3A_9 : i32 to vector<8x4096xi32>
    %min3A_11 = arith.minsi %min3A, %max3A_10 : vector<8x4096xi32>
    %div3A_12 = arith.constant -3.600000e+00 : f32
    %div3A_13 = arith.constant 3.000000e-01 : f32
    %div3A_14 = arith.divf %div3A_12, %div3A_13 : f32
    %floor3A_15 = math.floor %div3A_14 : f32
    %get3A_16 = arith.constant 0 : index
    %get3A_17 = arith.constant 0 : index
    %get3A_18 = vector.load %arg2[%get3A_16, %get3A_17] : memref<8x4096xf32, #tpu.memory_space<vmem>>, vector<8x4096xf32>
    %div3A_19 = arith.constant 3.000000e-01 : f32
    %div3A_20 = vector.broadcast %div3A_19 : f32 to vector<8x4096xf32>
    %div3A_21 = arith.divf %get3A_18, %div3A_20 : vector<8x4096xf32>
    %floor3A_22 = math.floor %div3A_21 : vector<8x4096xf32>
    %sub3A_23 = vector.broadcast %floor3A_15 : f32 to vector<8x4096xf32>
    %sub3A_24 = arith.subf %floor3A_22, %sub3A_23 : vector<8x4096xf32>
    %convert_element_type3A_25 = arith.fptosi %sub3A_24 : vector<8x4096xf32> to vector<8x4096xi32>
    %jit3A_26 = arith.constant 0 : i32
    %jit3A_27 = arith.constant 23 : i32
    %max3A_28 = vector.broadcast %jit3A_26 : i32 to vector<8x4096xi32>
    %max3A_29 = arith.maxsi %max3A_28, %convert_element_type3A_25 : vector<8x4096xi32>
    %min3A_30 = vector.broadcast %jit3A_27 : i32 to vector<8x4096xi32>
    %min3A_31 = arith.minsi %min3A_30, %max3A_29 : vector<8x4096xi32>
    %div3A_32 = arith.constant -2.400000e+00 : f32
    %div3A_33 = arith.constant 2.000000e-01 : f32
    %div3A_34 = arith.divf %div3A_32, %div3A_33 : f32
    %floor3A_35 = math.floor %div3A_34 : f32
    %get3A_36 = arith.constant 0 : index
    %get3A_37 = arith.constant 0 : index
    %get3A_38 = vector.load %arg3[%get3A_36, %get3A_37] : memref<8x4096xf32, #tpu.memory_space<vmem>>, vector<8x4096xf32>
    %div3A_39 = arith.constant 2.000000e-01 : f32
    %div3A_40 = vector.broadcast %div3A_39 : f32 to vector<8x4096xf32>
    %div3A_41 = arith.divf %get3A_38, %div3A_40 : vector<8x4096xf32>
    %floor3A_42 = math.floor %div3A_41 : vector<8x4096xf32>
    %sub3A_43 = vector.broadcast %floor3A_35 : f32 to vector<8x4096xf32>
    %sub3A_44 = arith.subf %floor3A_42, %sub3A_43 : vector<8x4096xf32>
    %convert_element_type3A_45 = arith.fptosi %sub3A_44 : vector<8x4096xf32> to vector<8x4096xi32>
    %jit3A_46 = arith.constant 0 : i32
    %jit3A_47 = arith.constant 23 : i32
    %max3A_48 = vector.broadcast %jit3A_46 : i32 to vector<8x4096xi32>
    %max3A_49 = arith.maxsi %max3A_48, %convert_element_type3A_45 : vector<8x4096xi32>
    %min3A_50 = vector.broadcast %jit3A_47 : i32 to vector<8x4096xi32>
    %min3A_51 = arith.minsi %min3A_50, %max3A_49 : vector<8x4096xi32>
    %mul3A = arith.constant 576 : i32
    %mul3A_52 = vector.broadcast %mul3A : i32 to vector<8x4096xi32>
    %mul3A_53 = arith.muli %min3A_11, %mul3A_52 : vector<8x4096xi32>
    %mul3A_54 = arith.constant 24 : i32
    %mul3A_55 = vector.broadcast %mul3A_54 : i32 to vector<8x4096xi32>
    %mul3A_56 = arith.muli %min3A_31, %mul3A_55 : vector<8x4096xi32>
    %add3A = arith.addi %mul3A_53, %mul3A_56 : vector<8x4096xi32>
    %add3A_57 = arith.addi %add3A, %min3A_51 : vector<8x4096xi32>
    %swap3A = arith.constant 0 : index
    %swap3A_58 = arith.constant 0 : index
    %swap3A_59 = vector.load %arg4[%swap3A, %swap3A_58] : memref<8x4096xi32, #tpu.memory_space<vmem>>, vector<8x4096xi32>
    tpu.vector_store %arg4[%swap3A, %swap3A_58], %add3A_57 {strides = array<i32>} : memref<8x4096xi32, #tpu.memory_space<vmem>>, vector<8x4096xi32>,
    return
  }
  func.func @transform_0(%arg0: i32) -> (i32, i32) {
    %c0_i32 = arith.constant 0 : i32
    %c0_i32_0 = arith.constant 0 : i32
    return %c0_i32, %arg0 : i32, i32
  }
  func.func @transform_1(%arg0: i32) -> (i32, i32) {
    %c0_i32 = arith.constant 0 : i32
    %c0_i32_0 = arith.constant 0 : i32
    return %c0_i32, %arg0 : i32, i32
  }
  func.func @transform_2(%arg0: i32) -> (i32, i32) {
    %c0_i32 = arith.constant 0 : i32
    %c0_i32_0 = arith.constant 0 : i32
    return %c0_i32, %arg0 : i32, i32
  }
  func.func @transform_3(%arg0: i32) -> (i32, i32) {
    %c0_i32 = arith.constant 0 : i32
    %c0_i32_0 = arith.constant 0 : i32
    return %c0_i32, %arg0 : i32, i32
  }
}

</mosaic_0001>

<sc_bundles>
// kernel: kernel.4.cloned.1.call-start
scs
__scs_entry_jumppad:
0x0: {  	(pc) =	sbr.rel $0x88, $3  }
0x1: {  	(tag) =	ssettag $0x0;
	lr =	simm.s32 $0x1  }
0x2: {  	[smem:$0x3F9F] =	sst lr;
	_ =	strace $0xD0000000  }
0x3: {  	_ = 	snop  }
0x4: {  	_ = 	snop  }
0x5: {  	_ = 	snop  }
0x6: {  	_ = 	snop  }
0x7: {  	_ = 	snop  }
__scs_overlays_trampoline_lowered:
0x8: {  	[smem:$0x3FAE] =	sst s0  }
0x9: {  	[smem:$0x3FAF] =	sst s1  }
0xa: {  	[smem:$0x3FB0] =	sst s2  }
0xb: {  	[smem:$0x3FB1] =	sst s3  }
0xc: {  	[smem:$0x3FB2] =	sst s4  }
0xd: {  	[smem:$0x3FB3] =	sst s5  }
0xe: {  	[smem:$0x3FB4] =	sst s6  }
0xf: {  	[smem:$0x3FB5] =	sst s7  }
0x10: {  	[smem:$0x3FB6] =	sst s8  }
0x11: {  	[smem:$0x3FB7] =	sst s9;
	s0 =	simm.s32 @!p0 $0x0  }
0x12: {  	s1 =	sld [smem:$0x3F9D];
	s0 =	simm.s32 @p0 $0x1  }
0x13: {  	[smem:$0x3FB8] =	sst s0;
	s0 =	simm.s32 @!p1 $0x0  }
0x14: {  	s2 =	sld [smem:$0x3F9C];
	s0 =	simm.s32 @p1 $0x1  }
0x15: {  	[smem:$0x3FB9] =	sst s0;
	s0 =	simm.s32 @!p2 $0x0  }
0x16: {  	s3 =	sld [smem:$0x3FDB];
	s0 =	simm.s32 @p2 $0x1  }
0x17: {  	s4 =	simm.s32 $0x1BF5;
	[smem:$0x3FBB] =	sst s0  }
0x18: {  	s0 =	sld [smem:$0x3F9E];
	_ =	swait.ge [sflag:s4], $0x0  }
0x19: {  	s7 =	sld [smem:$0x3F9F]  }
0x1a: {  	s8 =	sadd.s32 $0xFFFFE003, lr  }
0x1b: {  	s9 =	sadd.s32 $0xFFFFFEF7, lr;
	s5 =	simm.s32 $0xFFFFFFFF;
	p2 =	slt.u32 s8, $0xFFFFF086  }
0x1c: {  	p1 =	slt.u32 s9, $0xF7A;
	s5 =	simm.s32 @!p2 $0x0  }
0x1d: {  	s5 =	simm.s32 @p1 $0x1;
	p0 =	seq.s32 s7, s2  }
0x1e: {  	s7 =	smul.u32 @!p0 $0xF7A, s2;
	p2 =	seq.s32 @!p0 s5, $0x0  }
0x1f: {  	s9 =	smul.u32 $0xF7A, s1;
	s8 =	simm.s32 @!p0 $0x1BF5;
	p2 =	por !p2, p0  }
0x20: {  	[sflag:s8] =	ssyncset.s32 @!p0 $0xFFFFF086;
	s6 =	sadd.s32 @!p0 s3, s7;
	s7 =	simm.s32 @!p0 $0x108  }
0x21: {  	s3 =	sadd.s32 s3, s9;
	s6 =	sadd.s32 @!p0 $0x88, s6;
	s7 =	simm.s32 @p2 $0x1082  }
0x22: {  	[simem:s7], [sflag:s8] =	dma.local @!p0 [hbm:s6], $0xF7A  }
0x23: {  	s9 =	sor.u32 $0xD0000000, s2;
	s6 =	simm.s32 $0x108;
	_ =	swait.ge @!p0 [sflag:s8], $0x0  }
0x24: {  	s3 =	sadd.s32 $0x88, s3;
	s6 =	simm.s32 @!p1 $0x1082;
	[sflag:s4] =	ssyncset.s32 $0xFFFFF086  }
0x25: {  	[simem:s6], [sflag:s4] =	dma.local [hbm:s3], $0xF7A  }
0x26: {  	[smem:$0x3F9F] =	sst s1;
	(tag) =	ssettag s2;
	_ =	strace s9  }
0x27: {  	s1 =	sld [smem:$0x3FAF]  }
0x28: {  	s2 =	sld [smem:$0x3FB0]  }
0x29: {  	s4 =	sld [smem:$0x3FB2]  }
0x2a: {  	p0 =	seq.s32 s5, $0x0;
	s5 =	sld [smem:$0x3FB3]  }
0x2b: {  	s6 =	sld [smem:$0x3FB4]  }
0x2c: {  	s7 =	sld [smem:$0x3FB5]  }
0x2d: {  	s3 =	simm.s32 $0x108;
	s8 =	sld [smem:$0x3FB6]  }
0x2e: {  	s3 =	simm.s32 @!p0 $0x1082;
	s9 =	sld [smem:$0x3FB7]  }
0x2f: {  	lr =	sadd.s32 s0, s3;
	s0 =	sld [smem:$0x3FAE]  }
0x30: {  	s3 =	sld [smem:$0x3FB1]  }
0x31: {  	[smem:$0x3FBA] =	sst s10  }
0x32: {  	s10 =	sld [smem:$0x3FB8];
	_ =	sdelay $0x3  }
0x33: {  	p0 =	seq.s32 s10, $0x1;
	s10 =	sld [smem:$0x3FBA];
	_ =	sdelay $0x3  }
0x34: {  	[smem:$0x3FBA] =	sst s10  }
0x35: {  	s10 =	sld [smem:$0x3FB9];
	_ =	sdelay $0x3  }
0x36: {  	p1 =	seq.s32 s10, $0x1;
	s10 =	sld [smem:$0x3FBA];
	_ =	sdelay $0x3  }
0x37: {  	[smem:$0x3FBA] =	sst s10  }
0x38: {  	s10 =	sld [smem:$0x3FBB]  }
0x39: {  	_ = 	snop;
	(pc) =	sbr.ind lr, $3  }
0x3a: {  	_ = 	snop  }
0x3b: {  	_ = 	snop  }
0x3c: {  	p2 =	seq.s32 s10, $0x1;
	s10 =	sld [smem:$0x3FBA]  }
0x3d: {  	_ =	shalt  }
0x3e: {  	_ =	shalt  }
0x3f: {  	_ =	shalt  }
0x40: {  	_ =	shalt  }
0x41: {  	_ =	shalt  }
0x42: {  	_ =	shalt  }
0x43: {  	_ =	shalt  }
0x44: {  	_ =	shalt  }
0x45: {  	_ =	shalt  }
0x46: {  	_ =	shalt  }
0x47: {  	_ =	shalt  }
0x48: {  	_ =	shalt  }
0x49: {  	_ =	shalt  }
0x4a: {  	_ =	shalt  }
0x4b: {  	_ =	shalt  }
0x4c: {  	_ =	shalt  }
0x4d: {  	_ =	shalt  }
0x4e: {  	_ =	shalt  }
0x4f: {  	_ =	shalt  }
0x50: {  	_ =	shalt  }
0x51: {  	_ =	shalt  }
0x52: {  	_ =	shalt  }
0x53: {  	_ =	shalt  }
0x54: {  	_ =	shalt  }
0x55: {  	_ =	shalt  }
0x56: {  	_ =	shalt  }
0x57: {  	_ =	shalt  }
0x58: {  	_ =	shalt  }
0x59: {  	_ =	shalt  }
0x5a: {  	_ =	shalt  }
0x5b: {  	_ =	shalt  }
0x5c: {  	_ =	shalt  }
0x5d: {  	_ =	shalt  }
0x5e: {  	_ =	shalt  }
0x5f: {  	_ =	shalt  }
0x60: {  	_ =	shalt  }
0x61: {  	_ =	shalt  }
0x62: {  	_ =	shalt  }
0x63: {  	_ =	shalt  }
0x64: {  	_ =	shalt  }
0x65: {  	_ =	shalt  }
0x66: {  	_ =	shalt  }
0x67: {  	_ =	shalt  }
0x68: {  	_ =	shalt  }
0x69: {  	_ =	shalt  }
0x6a: {  	_ =	shalt  }
0x6b: {  	_ =	shalt  }
0x6c: {  	_ =	shalt  }
0x6d: {  	_ =	shalt  }
0x6e: {  	_ =	shalt  }
0x6f: {  	_ =	shalt  }
0x70: {  	_ =	shalt  }
0x71: {  	_ =	shalt  }
0x72: {  	_ =	shalt  }
0x73: {  	_ =	shalt  }
0x74: {  	_ =	shalt  }
0x75: {  	_ =	shalt  }
0x76: {  	_ =	shalt  }
0x77: {  	_ =	shalt  }
0x78: {  	_ =	shalt  }
0x79: {  	_ =	shalt  }
0x7a: {  	_ =	shalt  }
0x7b: {  	_ =	shalt  }
0x7c: {  	_ =	shalt  }
0x7d: {  	_ =	shalt  }
0x7e: {  	_ =	shalt  }
0x7f: {  	_ =	shalt  }
0x80: {  	_ =	shalt  }
0x81: {  	_ =	shalt  }
0x82: {  	_ =	shalt  }
0x83: {  	_ =	shalt  }
0x84: {  	_ =	shalt  }
0x85: {  	_ =	shalt  }
0x86: {  	_ =	shalt  }
0x87: {  	_ =	shalt  }
.Lfunc_end0:
.L_simem_size_0:
called_computation_lowered:
.L_overlay_start_0:
0x88: {  	s2 =	sld [smem:$0x3FD9]  }
0x89: {  	s3 =	sld [smem:$0x3FFE];
	_ =	sdelay $0x1  }
0x8a: {  	s1 =	srdreg.scid  }
0x8b: {  	s0 =	sand.u32 $0x1, s1  }
0x8c: {  	s17 =	sshll.u32 s0, $0xA;
	s2 =	sadd.s32 s3, s2  }
0x8d: {  	s2 =	sadd.s32 s2, s17  }
0x8e: {  	[smem:$0x3FC6] =	sst s2  }
0x8f: {  	_ = 	snop  }
0x90: {  	s2 =	sld [smem:$0x3FC9]  }
0x91: {  	s18 =	sld [smem:$0x3FD0];
	(tm) =	ssettm $0x1  }
0x92: {  	s4 =	sld [smem:$0x3FFB];
	_ =	sdelay $0x3  }
0x93: {  	_ =	strace s4  }
0x94: {  	s4 =	sld [smem:$0x3FFC];
	_ =	sdelay $0x3  }
0x95: {  	_ =	strace s4  }
0x96: {  	s4 =	sld [smem:$0x3FFD];
	_ =	sdelay $0x3  }
0x97: {  	_ =	strace s4  }
0x98: {  	_ =	strace $0x8FFFFFFF  }
0x99: {  	s19 =	sld [smem:$0x3FDB];
	_ =	sdelay $0x1  }
0x9a: {  	s5 =	simm.s32 $_scs_section_size  }
0x9b: {  	s6 =	simm.s32 $_size__tile_overlayer_lowered;
	s7 =	simm.s32 $_tile_overlayer_lowered  }
0x9c: {  	s22 =	simm.s32 $0x1BFF;
	s21 =	sshll.u32 s7, $0x1;
	s4 =	sadd.s32 s5, s19  }
0x9d: {  	s8 =	simm.s32 $0x0;
	s20 =	sshll.u32 s6, $0x1;
	s6 =	sadd.s32 s21, s4  }
0x9e: {  	[timem:s8], [sflag:s22] =	dma.local [hbm:s6], s20  }
0x9f: {  	_ =	swait.ge [sflag:s22], s20  }
0xa0: {  	s5 =	ssub.s32 $0x0, s20;
	[sflag:s22] =	ssyncset.done $0x0  }
0xa1: {  	[sflag:s22] =	ssyncadd.s32 s5;
	_ =	sdelay $0x1  }
0xa2: {  	s23 =	simm.s32 $0x1B8B  }
0xa3: {  	_ =	swait.ge [sflag:s23], $0x1  }
0xa4: {  	[sflag:s23] =	ssyncset.done $0x0  }
0xa5: {  	s25 =	simm.s32 $0x1B8E;
	s24 =	sld [smem:$0x3FFE];
	[sflag:s23] =	ssyncadd.s32 $0xFFFFFFFF  }
0xa6: {  	s26 =	simm.s32 $execute0_lowered;
	[smem:$0x3FD2] =	sst s25  }
0xa7: {  	s6 =	sshll.u32 s26, $0x1;
	_ =	strace $0x80000046;
	[dreg:$0x1] =	wrdreg $0xFFFFFFFF  }
0xa8: {  	s28 =	simm.s32 $_size_execute0_lowered;
	s4 =	sadd.s32 s4, s6;
	[dreg:$0x0] =	wrdreg $0x0  }
0xa9: {  	s6 =	sshll.u32 s28, $0x1;
	[dreg:$0x2] =	wrdreg s4  }
0xaa: {  	[dreg:$0x3] =	wrdreg s6  }
0xab: {  	[dreg:$0x4] =	wrdreg $0xC0  }
0xac: {  	_ =	task [dreg:s8], $0x5FFFF  }
0xad: {  	[dreg:$0x1] =	wrdreg $0xFFFFFFFF  }
0xae: {  	[dreg:$0x0] =	wrdreg $0x60  }
0xaf: {  	[dreg:$0x2] =	wrdreg s2  }
0xb0: {  	[dreg:$0x3] =	wrdreg s18  }
0xb1: {  	[dreg:$0x4] =	wrdreg s24  }
0xb2: {  	[dreg:$0x5] =	wrdreg $0x9  }
0xb3: {  	_ =	task.clear_ibuf [dreg:s8], $0x6FFFF;
	_ =	strace $0x90000046  }
0xb4: {  	s29 =	simm.s32 $0x9;
	_ =	strace $0x80000048  }
0xb5: {  	_ =	swait.ge [sflag:s29], $0x1  }
0xb6: {  	[sflag:s29] =	ssyncadd.s32 $0xFFFFFFFF  }
0xb7: {  	_ =	strace $0x90000048  }
0xb8: {  	_ =	sfence  }
0xb9: {  	s30 =	sld [smem:$0x0];
	_ =	sdelay $0x2  }
0xba: {  	s31 =	sshll.u32 s1, $0xD;
	s1 =	sshrl.u32 s1, $0x2  }
0xbb: {  	s3 =	sand.u32 $0x4000, s31;
	s1 =	sadd.s32 s1, s30  }
0xbc: {  	s0 =	sor.u32 s3, s0;
	s1 =	sshll.u32 s1, $0x11  }
0xbd: {  	s0 =	sor.u32 s1, s0  }
0xbe: {  	s0 =	sadd.s32 $0x8F2B, s0  }
0xbf: {  	[sflag:s0] =	ssyncadd.remote.s32 $0x1  }
0xc0: {  	_ =	sfence.sel $0xFFFF  }
0xc1: {  	[dreg:$0x0] =	wrdreg $0xFFFFFFFF;
	(pc) =	sbr.abs _section_cstart, $3  }
0xc2: {  	[dreg:$0x1] =	wrdreg $0xFFFFFFFF  }
0xc3: {  	_ =	task.clear_ibuf [dreg:s8], $0x2FFFF;
	_ =	strace $0x9FFFFFFF  }
0xc4: {  	(tm) =	ssettm $0x7FFFFFFF  }
0xc5: {  	_ =	shalt  }
tec
execute0_lowered:
.L_overlay_start_1:
0x0: {  	(tag) =	ssettag $0x1  }
0x1: {  	s1 =	rddreg [dreg:$0x0]  }
0x2: {  	s2 =	rddreg [dreg:$0x1]  }
0x3: {  	s0 =	rddreg [dreg:$0x2]  }
0x4: {  	s3 =	simm.s32 $0x0;
	s4 =	srdreg.scid;
	s7 =	stileid.u32  }
0x5: {  	s17 =	simm.s32 $0x1AB80;
	s19 =	simm.s32 $0x1D000;
	s20 =	simm.s32 $0x1D100  }
0x6: {  	s21 =	simm.s32 $0x1D200;
	s28 =	simm.s32 $0x1D800;
	s29 =	simm.s32 $0x1D900  }
0x7: {  	s30 =	simm.s32 $0x1DA00;
	s31 =	simm.s32 $0x1DB00;
	s12 =	simm.s32 $0xAB00  }
0x8: {  	s10 =	simm.s32 $0x0;
	[smem:$0x7FF] =	sst s3;
	s4 =	sand.u32 $0x1, s4  }
0x9: {  	s0 =	sadd.s32 $0x800, s0;
	s6 =	sshll.u32 s7, $0x9;
	s9 =	sshrl.u32 s7, $0x1  }
0xa: {  	s24 =	sadd.s32 $0x800, s2;
	s25 =	sadd.s32 $0x800, s1;
	_ =	strace $0x80000047  }
0xb: {  	s5 =	ssub.s32 $0x2, s4;
	[dreg:$0x4] =	wrdreg s0;
	s4 =	sshll.u32 s4, $0x8  }
0xc: {  	s6 =	sand.u32 $0x200, s6;
	s23 =	sshll.u32 s9, $0x13;
	[dreg:$0x6] =	wrdreg s24  }
0xd: {  	[dreg:$0x7] =	wrdreg s25;
	s26 =	smul.u32 $0x2AC00, s9;
	s24 =	simm.s32 $0x1D500  }
0xe: {  	s25 =	simm.s32 $0x1D600;
	s22 =	sshrl.u32 s5, $0x1;
	[dreg:$0x5] =	wrdreg s23  }
0xf: {  	s7 =	sor.u32 s4, s6;
	s23 =	simm.s32 $0x1D400;
	s4 =	simm.s32 $0x5580  }
0x10: {  	s6 =	simm.s32 $0x2;
	s0 =	ssub.s32 s5, s22;
	s8 =	sor.u32 $0x80, s7  }
0x11: {  	[dreg:$0x8] =	wrdreg s26;
	s22 =	simm.s32 $0x1D300;
	s0 =	smax.u32 s0, $0x1  }
0x12: {  	v16 =	vimm.f32 $0.0e+00;
	v17 =	vimm.f32 $1.000000000e+00;
	s26 =	simm.s32 $0x1D700;
	[dreg:$0x9] =	wrdreg s0;
	s0 =	simm.s32 $0x1  }
.LBB2_1:
0x13: {  	[dreg:$0xa] =	wrdreg s10;
	s5 =	simm.s32 $0x40  }
0x14: {  	[tilespmem:s5+$0xFFFFFFD0] =	vst v16  }
0x15: {  	[tilespmem:s5+$0x0] =	vst v16  }
0x16: {  	[tilespmem:s5+$0xFFFFFFC0] =	vst v16  }
0x17: {  	[tilespmem:s5+$0x30] =	vst v16  }
0x18: {  	[tilespmem:s5+$0xFFFFFFF0] =	vst v16  }
0x19: {  	[tilespmem:s5+$0xFFFFFFE0] =	vst v16  }
0x1a: {  	[tilespmem:s5+$0x10] =	vst v16  }
0x1b: {  	s11 =	simm.s32 $0x55C0;
	[tilespmem:s5+$0x20] =	vst v16  }
0x1c: {  	[tilespmem:s11+$0xFFFFFFC0] =	vst v16  }
0x1d: {  	[tilespmem:s11+$0x30] =	vst v16  }
0x1e: {  	[tilespmem:s11+$0x0] =	vst v16  }
0x1f: {  	[tilespmem:s11+$0x20] =	vst v16  }
0x20: {  	[tilespmem:s11+$0x10] =	vst v16  }
0x21: {  	[tilespmem:s11+$0xFFFFFFD0] =	vst v16  }
0x22: {  	[tilespmem:s11+$0xFFFFFFE0] =	vst v16  }
0x23: {  	s10 =	simm.s32 $0xAB40;
	[tilespmem:s11+$0xFFFFFFF0] =	vst v16  }
0x24: {  	[tilespmem:s10+$0xFFFFFFC0] =	vst v16  }
0x25: {  	[tilespmem:s10+$0x30] =	vst v16  }
0x26: {  	[tilespmem:s10+$0x20] =	vst v16  }
0x27: {  	[tilespmem:s10+$0x10] =	vst v16  }
0x28: {  	s13 =	simm.s32 $0x0;
	s14 =	simm.s32 $0xABC0;
	[tilespmem:s10+$0xFFFFFFD0] =	vst v16  }
.LBB2_2:
0x29: {  	s13 =	sadd.s32 $0x8, s13;
	[tilespmem:s10+$0xFFFFFFE0] =	vst v16;
	s5 =	sadd.s32 $0x80, s5;
	s11 =	sadd.s32 $0x80, s11  }
0x2a: {  	p0 =	slt.u32 s13, $0x550;
	[tilespmem:s10+$0x0] =	vst v16  }
0x2b: {  	[tilespmem:s10+$0xFFFFFFF0] =	vst v16;
	s10 =	smov.u32 s14  }
0x2c: {  	[tilespmem:s5+$0xFFFFFFD0] =	vst v16  }
0x2d: {  	[tilespmem:s5+$0x0] =	vst v16  }
0x2e: {  	[tilespmem:s5+$0xFFFFFFC0] =	vst v16  }
0x2f: {  	[tilespmem:s11+$0xFFFFFFC0] =	vst v16  }
0x30: {  	[tilespmem:s14+$0xFFFFFFC0] =	vst v16  }
0x31: {  	[tilespmem:s5+$0x30] =	vst v16  }
0x32: {  	[tilespmem:s11+$0x30] =	vst v16  }
0x33: {  	[tilespmem:s14+$0x30] =	vst v16  }
0x34: {  	[tilespmem:s11+$0x0] =	vst v16  }
0x35: {  	[tilespmem:s5+$0xFFFFFFF0] =	vst v16  }
0x36: {  	[tilespmem:s5+$0xFFFFFFE0] =	vst v16  }
0x37: {  	[tilespmem:s5+$0x10] =	vst v16  }
0x38: {  	[tilespmem:s5+$0x20] =	vst v16  }
0x39: {  	[tilespmem:s11+$0x20] =	vst v16  }
0x3a: {  	[tilespmem:s14+$0x20] =	vst v16  }
0x3b: {  	[tilespmem:s11+$0x10] =	vst v16  }
.Ltmp0:
0x3c: {  	[tilespmem:s14+$0x10] =	vst v16;
	(pc) =	sbr.rel @p0 .LBB2_2-.Ltmp0, $4  }
0x3d: {  	[tilespmem:s11+$0xFFFFFFD0] =	vst v16  }
0x3e: {  	[tilespmem:s11+$0xFFFFFFE0] =	vst v16  }
0x3f: {  	[tilespmem:s14+$0xFFFFFFD0] =	vst v16  }
0x40: {  	s9 =	simm.s32 $0x0;
	s14 =	sadd.s32 $0x80, s14;
	[tilespmem:s11+$0xFFFFFFF0] =	vst v16  }
0x41: {  	[tilespmem:s10+$0xFFFFFFE0] =	vst v16  }
0x42: {  	[tilespmem:s10+$0x0] =	vst v16  }
0x43: {  	[tilespmem:s10+$0xFFFFFFF0] =	vst v16;
	s18 =	simm.s32 $0x0  }
.LBB2_4:
0x44: {  	s5 =	sshll.u32 s18, $0x4  }
0x45: {  	s10 =	sadd.s32 s2, s5  }
0x46: {  	[tilespmem:s17], [sflag:$0x1] =	stream.linear.gather [hbm4b:s10+s9], $0x80, $0x38;
	[tilespmem:$0x1DB80] =	vst v63  }
0x47: {  	s13 =	simm.s32 $0x1AC80;
	s11 =	sadd.s32 $0x80, s10  }
0x48: {  	[tilespmem:s13], [sflag:$0x1] =	stream.linear.gather [hbm4b:s11+s9], $0x80, $0x38;
	[tilespmem:$0x1DB80] =	vst v63  }
0x49: {  	s16 =	simm.s32 $0x1AD80;
	s15 =	sadd.s32 $0x100, s10  }
0x4a: {  	[tilespmem:s16], [sflag:$0x1] =	stream.linear.gather [hbm4b:s15+s9], $0x80, $0x38;
	[tilespmem:$0x1DB80] =	vst v63  }
0x4b: {  	s14 =	simm.s32 $0x1AE80;
	s13 =	sadd.s32 $0x180, s10  }
0x4c: {  	[tilespmem:s14], [sflag:$0x1] =	stream.linear.gather [hbm4b:s13+s9], $0x80, $0x38;
	[tilespmem:$0x1DB80] =	vst v63  }
0x4d: {  	s15 =	sadd.s32 $0x200, s10;
	s16 =	simm.s32 $0x1AF80  }
0x4e: {  	[tilespmem:s16], [sflag:$0x1] =	stream.linear.gather [hbm4b:s15+s9], $0x80, $0x38;
	[tilespmem:$0x1DB80] =	vst v63  }
0x4f: {  	s13 =	sadd.s32 $0x280, s10;
	s14 =	simm.s32 $0x1B080  }
0x50: {  	[tilespmem:s14], [sflag:$0x1] =	stream.linear.gather [hbm4b:s13+s9], $0x80, $0x38;
	[tilespmem:$0x1DB80] =	vst v63  }
0x51: {  	s15 =	sadd.s32 $0x300, s10;
	s16 =	simm.s32 $0x1B180  }
0x52: {  	[tilespmem:s16], [sflag:$0x1] =	stream.linear.gather [hbm4b:s15+s9], $0x80, $0x38;
	[tilespmem:$0x1DB80] =	vst v63  }
0x53: {  	s13 =	sadd.s32 $0x380, s10;
	s14 =	simm.s32 $0x1B280  }
0x54: {  	[tilespmem:s14], [sflag:$0x1] =	stream.linear.gather [hbm4b:s13+s9], $0x80, $0x38;
	[tilespmem:$0x1DB80] =	vst v63  }
0x55: {  	s15 =	sadd.s32 $0x400, s10;
	s16 =	simm.s32 $0x1B380  }
0x56: {  	[tilespmem:s16], [sflag:$0x1] =	stream.linear.gather [hbm4b:s15+s9], $0x80, $0x38;
	[tilespmem:$0x1DB80] =	vst v63  }
0x57: {  	s13 =	sadd.s32 $0x480, s10;
	s14 =	simm.s32 $0x1B480  }
0x58: {  	[tilespmem:s14], [sflag:$0x1] =	stream.linear.gather [hbm4b:s13+s9], $0x80, $0x38;
	[tilespmem:$0x1DB80] =	vst v63  }
0x59: {  	s15 =	sadd.s32 $0x500, s10;
	s16 =	simm.s32 $0x1B580  }
0x5a: {  	[tilespmem:s16], [sflag:$0x1] =	stream.linear.gather [hbm4b:s15+s9], $0x80, $0x38;
	[tilespmem:$0x1DB80] =	vst v63  }
0x5b: {  	s13 =	sadd.s32 $0x580, s10;
	s14 =	simm.s32 $0x1B680  }
0x5c: {  	[tilespmem:s14], [sflag:$0x1] =	stream.linear.gather [hbm4b:s13+s9], $0x80, $0x38;
	[tilespmem:$0x1DB80] =	vst v63  }
0x5d: {  	s15 =	sadd.s32 $0x600, s10;
	s16 =	simm.s32 $0x1B780  }
0x5e: {  	[tilespmem:s16], [sflag:$0x1] =	stream.linear.gather [hbm4b:s15+s9], $0x80, $0x38;
	[tilespmem:$0x1DB80] =	vst v63  }
0x5f: {  	s13 =	sadd.s32 $0x680, s10;
	s14 =	simm.s32 $0x1B880  }
0x60: {  	[tilespmem:s14], [sflag:$0x1] =	stream.linear.gather [hbm4b:s13+s9], $0x80, $0x38;
	[tilespmem:$0x1DB80] =	vst v63  }
0x61: {  	s15 =	sadd.s32 $0x700, s10;
	s16 =	simm.s32 $0x1B980  }
0x62: {  	[tilespmem:s16], [sflag:$0x1] =	stream.linear.gather [hbm4b:s15+s9], $0x80, $0x38;
	[tilespmem:$0x1DB80] =	vst v63  }
0x63: {  	s14 =	sshll.u32 s18, $0x16;
	s15 =	rddreg [dreg:$0x5]  }
0x64: {  	s10 =	sadd.s32 $0x780, s10;
	s13 =	simm.s32 $0x1BA80;
	s11 =	sor.u32 s15, s14  }
0x65: {  	[tilespmem:s13], [sflag:$0x1] =	stream.linear.gather [hbm4b:s10+s9], $0x80, $0x38;
	[tilespmem:$0x1DB80] =	vst v63  }
0x66: {  	s10 =	sor.u32 s7, s11  }
0x67: {  	s10 =	sshrl.u32 s10, $0x3  }
0x68: {  	s14 =	simm.s32 $0x1BB80;
	s13 =	sadd.s32 s1, s10  }
0x69: {  	[tilespmem:s14], [sflag:$0x1] =	stream.linear.gather [hbm4b:s13+s9], $0x80, $0x38;
	[tilespmem:$0x1DB80] =	vst v63  }
0x6a: {  	s15 =	simm.s32 $0x1BC80;
	s16 =	sadd.s32 $0x80, s13  }
0x6b: {  	[tilespmem:s15], [sflag:$0x1] =	stream.linear.gather [hbm4b:s16+s9], $0x80, $0x38;
	[tilespmem:$0x1DB80] =	vst v63  }
0x6c: {  	s15 =	sadd.s32 $0x100, s13;
	s16 =	simm.s32 $0x1BD80  }
0x6d: {  	[tilespmem:s16], [sflag:$0x1] =	stream.linear.gather [hbm4b:s15+s9], $0x80, $0x38;
	[tilespmem:$0x1DB80] =	vst v63  }
0x6e: {  	s15 =	sadd.s32 $0x180, s13;
	s16 =	simm.s32 $0x1BE80  }
0x6f: {  	[tilespmem:s16], [sflag:$0x1] =	stream.linear.gather [hbm4b:s15+s9], $0x80, $0x38;
	[tilespmem:$0x1DB80] =	vst v63  }
0x70: {  	s15 =	sadd.s32 $0x200, s13;
	s16 =	simm.s32 $0x1BF80  }
0x71: {  	[tilespmem:s16], [sflag:$0x1] =	stream.linear.gather [hbm4b:s15+s9], $0x80, $0x38;
	[tilespmem:$0x1DB80] =	vst v63  }
0x72: {  	s15 =	sadd.s32 $0x280, s13;
	s16 =	simm.s32 $0x1C080  }
0x73: {  	[tilespmem:s16], [sflag:$0x1] =	stream.linear.gather [hbm4b:s15+s9], $0x80, $0x38;
	[tilespmem:$0x1DB80] =	vst v63  }
0x74: {  	s15 =	sadd.s32 $0x300, s13;
	s16 =	simm.s32 $0x1C180  }
0x75: {  	[tilespmem:s16], [sflag:$0x1] =	stream.linear.gather [hbm4b:s15+s9], $0x80, $0x38;
	[tilespmem:$0x1DB80] =	vst v63  }
0x76: {  	s15 =	sadd.s32 $0x380, s13;
	s16 =	simm.s32 $0x1C280  }
0x77: {  	[tilespmem:s16], [sflag:$0x1] =	stream.linear.gather [hbm4b:s15+s9], $0x80, $0x38;
	[tilespmem:$0x1DB80] =	vst v63  }
0x78: {  	s15 =	sadd.s32 $0x400, s13;
	s16 =	simm.s32 $0x1C380  }
0x79: {  	[tilespmem:s16], [sflag:$0x1] =	stream.linear.gather [hbm4b:s15+s9], $0x80, $0x38;
	[tilespmem:$0x1DB80] =	vst v63  }
0x7a: {  	s15 =	sadd.s32 $0x480, s13;
	s16 =	simm.s32 $0x1C480  }
0x7b: {  	[tilespmem:s16], [sflag:$0x1] =	stream.linear.gather [hbm4b:s15+s9], $0x80, $0x38;
	[tilespmem:$0x1DB80] =	vst v63  }
0x7c: {  	s15 =	sadd.s32 $0x500, s13;
	s16 =	simm.s32 $0x1C580  }
0x7d: {  	[tilespmem:s16], [sflag:$0x1] =	stream.linear.gather [hbm4b:s15+s9], $0x80, $0x38;
	[tilespmem:$0x1DB80] =	vst v63  }
0x7e: {  	s15 =	sadd.s32 $0x580, s13;
	s16 =	simm.s32 $0x1C680  }
0x7f: {  	[tilespmem:s16], [sflag:$0x1] =	stream.linear.gather [hbm4b:s15+s9], $0x80, $0x38;
	[tilespmem:$0x1DB80] =	vst v63  }
0x80: {  	s15 =	sadd.s32 $0x600, s13;
	s16 =	simm.s32 $0x1C780  }
0x81: {  	[tilespmem:s16], [sflag:$0x1] =	stream.linear.gather [hbm4b:s15+s9], $0x80, $0x38;
	[tilespmem:$0x1DB80] =	vst v63  }
0x82: {  	s15 =	sadd.s32 $0x680, s13;
	s16 =	simm.s32 $0x1C880  }
0x83: {  	[tilespmem:s16], [sflag:$0x1] =	stream.linear.gather [hbm4b:s15+s9], $0x80, $0x38;
	[tilespmem:$0x1DB80] =	vst v63  }
0x84: {  	s15 =	sadd.s32 $0x700, s13;
	s16 =	simm.s32 $0x1C980  }
0x85: {  	[tilespmem:s16], [sflag:$0x1] =	stream.linear.gather [hbm4b:s15+s9], $0x80, $0x38;
	[tilespmem:$0x1DB80] =	vst v63  }
0x86: {  	s13 =	sadd.s32 $0x780, s13;
	s16 =	simm.s32 $0x1CA80;
	s15 =	sor.u32 s8, s11  }
0x87: {  	[tilespmem:s16], [sflag:$0x1] =	stream.linear.gather [hbm4b:s13+s9], $0x80, $0x38;
	[tilespmem:$0x1DB80] =	vst v63  }
0x88: {  	s13 =	sshrl.u32 s15, $0x3  }
0x89: {  	s16 =	simm.s32 $0x1BC00;
	s14 =	sadd.s32 s1, s13  }
0x8a: {  	[tilespmem:s16], [sflag:$0x1] =	stream.linear.gather [hbm4b:s14+s9], $0x80, $0x38;
	[tilespmem:$0x1DB80] =	vst v63  }
0x8b: {  	s15 =	sadd.s32 $0x80, s14;
	s16 =	simm.s32 $0x1BD00  }
0x8c: {  	[tilespmem:s16], [sflag:$0x1] =	stream.linear.gather [hbm4b:s15+s9], $0x80, $0x38;
	[tilespmem:$0x1DB80] =	vst v63  }
0x8d: {  	s15 =	sadd.s32 $0x100, s14;
	s16 =	simm.s32 $0x1BE00  }
0x8e: {  	[tilespmem:s16], [sflag:$0x1] =	stream.linear.gather [hbm4b:s15+s9], $0x80, $0x38;
	[tilespmem:$0x1DB80] =	vst v63  }
0x8f: {  	s15 =	sadd.s32 $0x180, s14;
	s16 =	simm.s32 $0x1BF00  }
0x90: {  	[tilespmem:s16], [sflag:$0x1] =	stream.linear.gather [hbm4b:s15+s9], $0x80, $0x38;
	[tilespmem:$0x1DB80] =	vst v63  }
0x91: {  	s15 =	sadd.s32 $0x200, s14;
	s16 =	simm.s32 $0x1C000  }
0x92: {  	[tilespmem:s16], [sflag:$0x1] =	stream.linear.gather [hbm4b:s15+s9], $0x80, $0x38;
	[tilespmem:$0x1DB80] =	vst v63  }
0x93: {  	s15 =	sadd.s32 $0x280, s14;
	s16 =	simm.s32 $0x1C100  }
0x94: {  	[tilespmem:s16], [sflag:$0x1] =	stream.linear.gather [hbm4b:s15+s9], $0x80, $0x38;
	[tilespmem:$0x1DB80] =	vst v63  }
0x95: {  	s15 =	sadd.s32 $0x300, s14;
	s16 =	simm.s32 $0x1C200  }
0x96: {  	[tilespmem:s16], [sflag:$0x1] =	stream.linear.gather [hbm4b:s15+s9], $0x80, $0x38;
	[tilespmem:$0x1DB80] =	vst v63  }
0x97: {  	s15 =	sadd.s32 $0x380, s14;
	s16 =	simm.s32 $0x1C300  }
0x98: {  	[tilespmem:s16], [sflag:$0x1] =	stream.linear.gather [hbm4b:s15+s9], $0x80, $0x38;
	[tilespmem:$0x1DB80] =	vst v63  }
0x99: {  	s15 =	sadd.s32 $0x400, s14;
	s16 =	simm.s32 $0x1C400  }
0x9a: {  	[tilespmem:s16], [sflag:$0x1] =	stream.linear.gather [hbm4b:s15+s9], $0x80, $0x38;
	[tilespmem:$0x1DB80] =	vst v63  }
0x9b: {  	s15 =	sadd.s32 $0x480, s14;
	s16 =	simm.s32 $0x1C500  }
0x9c: {  	[tilespmem:s16], [sflag:$0x1] =	stream.linear.gather [hbm4b:s15+s9], $0x80, $0x38;
	[tilespmem:$0x1DB80] =	vst v63  }
0x9d: {  	s15 =	sadd.s32 $0x500, s14;
	s16 =	simm.s32 $0x1C600  }
0x9e: {  	[tilespmem:s16], [sflag:$0x1] =	stream.linear.gather [hbm4b:s15+s9], $0x80, $0x38;
	[tilespmem:$0x1DB80] =	vst v63  }
0x9f: {  	s15 =	sadd.s32 $0x580, s14;
	s16 =	simm.s32 $0x1C700  }
0xa0: {  	[tilespmem:s16], [sflag:$0x1] =	stream.linear.gather [hbm4b:s15+s9], $0x80, $0x38;
	[tilespmem:$0x1DB80] =	vst v63  }
0xa1: {  	s15 =	sadd.s32 $0x600, s14;
	s16 =	simm.s32 $0x1C800  }
0xa2: {  	[tilespmem:s16], [sflag:$0x1] =	stream.linear.gather [hbm4b:s15+s9], $0x80, $0x38;
	[tilespmem:$0x1DB80] =	vst v63  }
0xa3: {  	s15 =	sadd.s32 $0x680, s14;
	s16 =	simm.s32 $0x1C900  }
0xa4: {  	[tilespmem:s16], [sflag:$0x1] =	stream.linear.gather [hbm4b:s15+s9], $0x80, $0x38;
	[tilespmem:$0x1DB80] =	vst v63  }
0xa5: {  	s15 =	sadd.s32 $0x700, s14;
	s16 =	simm.s32 $0x1CA00  }
0xa6: {  	[tilespmem:s16], [sflag:$0x1] =	stream.linear.gather [hbm4b:s15+s9], $0x80, $0x38;
	[tilespmem:$0x1DB80] =	vst v63  }
0xa7: {  	s14 =	sadd.s32 $0x780, s14;
	s16 =	simm.s32 $0x1CB00;
	s15 =	rddreg [dreg:$0x6]  }
0xa8: {  	[tilespmem:s16], [sflag:$0x1] =	stream.linear.gather [hbm4b:s14+s9], $0x80, $0x38;
	[tilespmem:$0x1DB80] =	vst v63  }
0xa9: {  	s5 =	sadd.s32 s5, s15;
	s16 =	simm.s32 $0x1AC00  }
0xaa: {  	[tilespmem:s16], [sflag:$0x2] =	stream.linear.gather [hbm4b:s5+s9], $0x80, $0x38;
	[tilespmem:$0x1DB80] =	vst v63  }
0xab: {  	s15 =	sadd.s32 $0x80, s5;
	s16 =	simm.s32 $0x1AD00  }
0xac: {  	[tilespmem:s16], [sflag:$0x2] =	stream.linear.gather [hbm4b:s15+s9], $0x80, $0x38;
	[tilespmem:$0x1DB80] =	vst v63  }
0xad: {  	s15 =	sadd.s32 $0x100, s5;
	s16 =	simm.s32 $0x1AE00  }
0xae: {  	[tilespmem:s16], [sflag:$0x2] =	stream.linear.gather [hbm4b:s15+s9], $0x80, $0x38;
	[tilespmem:$0x1DB80] =	vst v63  }
0xaf: {  	s15 =	sadd.s32 $0x180, s5;
	s16 =	simm.s32 $0x1AF00  }
0xb0: {  	[tilespmem:s16], [sflag:$0x2] =	stream.linear.gather [hbm4b:s15+s9], $0x80, $0x38;
	[tilespmem:$0x1DB80] =	vst v63  }
0xb1: {  	s15 =	sadd.s32 $0x200, s5;
	s16 =	simm.s32 $0x1B000  }
0xb2: {  	[tilespmem:s16], [sflag:$0x2] =	stream.linear.gather [hbm4b:s15+s9], $0x80, $0x38;
	[tilespmem:$0x1DB80] =	vst v63  }
0xb3: {  	s15 =	sadd.s32 $0x280, s5;
	s16 =	simm.s32 $0x1B100  }
0xb4: {  	[tilespmem:s16], [sflag:$0x2] =	stream.linear.gather [hbm4b:s15+s9], $0x80, $0x38;
	[tilespmem:$0x1DB80] =	vst v63  }
0xb5: {  	s15 =	sadd.s32 $0x300, s5;
	s16 =	simm.s32 $0x1B200  }
0xb6: {  	[tilespmem:s16], [sflag:$0x2] =	stream.linear.gather [hbm4b:s15+s9], $0x80, $0x38;
	[tilespmem:$0x1DB80] =	vst v63  }
0xb7: {  	s15 =	sadd.s32 $0x380, s5;
	s16 =	simm.s32 $0x1B300  }
0xb8: {  	[tilespmem:s16], [sflag:$0x2] =	stream.linear.gather [hbm4b:s15+s9], $0x80, $0x38;
	[tilespmem:$0x1DB80] =	vst v63  }
0xb9: {  	s15 =	sadd.s32 $0x400, s5;
	s16 =	simm.s32 $0x1B400  }
0xba: {  	[tilespmem:s16], [sflag:$0x2] =	stream.linear.gather [hbm4b:s15+s9], $0x80, $0x38;
	[tilespmem:$0x1DB80] =	vst v63  }
0xbb: {  	s15 =	sadd.s32 $0x480, s5;
	s16 =	simm.s32 $0x1B500  }
0xbc: {  	[tilespmem:s16], [sflag:$0x2] =	stream.linear.gather [hbm4b:s15+s9], $0x80, $0x38;
	[tilespmem:$0x1DB80] =	vst v63  }
0xbd: {  	s15 =	sadd.s32 $0x500, s5;
	s16 =	simm.s32 $0x1B600  }
0xbe: {  	[tilespmem:s16], [sflag:$0x2] =	stream.linear.gather [hbm4b:s15+s9], $0x80, $0x38;
	[tilespmem:$0x1DB80] =	vst v63  }
0xbf: {  	s15 =	sadd.s32 $0x580, s5;
	s16 =	simm.s32 $0x1B700  }
0xc0: {  	[tilespmem:s16], [sflag:$0x2] =	stream.linear.gather [hbm4b:s15+s9], $0x80, $0x38;
	[tilespmem:$0x1DB80] =	vst v63  }
0xc1: {  	s15 =	sadd.s32 $0x600, s5;
	s16 =	simm.s32 $0x1B800  }
0xc2: {  	[tilespmem:s16], [sflag:$0x2] =	stream.linear.gather [hbm4b:s15+s9], $0x80, $0x38;
	[tilespmem:$0x1DB80] =	vst v63  }
0xc3: {  	s15 =	sadd.s32 $0x680, s5;
	s16 =	simm.s32 $0x1B900  }
0xc4: {  	[tilespmem:s16], [sflag:$0x2] =	stream.linear.gather [hbm4b:s15+s9], $0x80, $0x38;
	[tilespmem:$0x1DB80] =	vst v63  }
0xc5: {  	s15 =	sadd.s32 $0x700, s5;
	s16 =	simm.s32 $0x1BA00  }
0xc6: {  	[tilespmem:s16], [sflag:$0x2] =	stream.linear.gather [hbm4b:s15+s9], $0x80, $0x38;
	[tilespmem:$0x1DB80] =	vst v63  }
0xc7: {  	s14 =	rddreg [dreg:$0x7];
	s5 =	sadd.s32 $0x780, s5;
	s15 =	simm.s32 $0x1BB00  }
0xc8: {  	[tilespmem:s15], [sflag:$0x2] =	stream.linear.gather [hbm4b:s5+s9], $0x80, $0x38;
	[tilespmem:$0x1DB80] =	vst v63  }
0xc9: {  	s16 =	simm.s32 $0x1CB80;
	s5 =	sadd.s32 s10, s14  }
0xca: {  	[tilespmem:s16], [sflag:$0x2] =	stream.linear.gather [hbm4b:s5+s9], $0x80, $0x38;
	[tilespmem:$0x1DB80] =	vst v63  }
0xcb: {  	s15 =	sadd.s32 $0x80, s5;
	s16 =	simm.s32 $0x1CC80  }
0xcc: {  	[tilespmem:s16], [sflag:$0x2] =	stream.linear.gather [hbm4b:s15+s9], $0x80, $0x38;
	[tilespmem:$0x1DB80] =	vst v63  }
0xcd: {  	s15 =	sadd.s32 $0x100, s5;
	s16 =	simm.s32 $0x1CD80  }
0xce: {  	[tilespmem:s16], [sflag:$0x2] =	stream.linear.gather [hbm4b:s15+s9], $0x80, $0x38;
	[tilespmem:$0x1DB80] =	vst v63  }
0xcf: {  	s15 =	sadd.s32 $0x180, s5;
	s16 =	simm.s32 $0x1CE80  }
0xd0: {  	[tilespmem:s16], [sflag:$0x2] =	stream.linear.gather [hbm4b:s15+s9], $0x80, $0x38;
	[tilespmem:$0x1DB80] =	vst v63  }
0xd1: {  	s15 =	sadd.s32 $0x200, s5;
	s16 =	simm.s32 $0x1CF80  }
0xd2: {  	[tilespmem:s16], [sflag:$0x2] =	stream.linear.gather [hbm4b:s15+s9], $0x80, $0x38;
	[tilespmem:$0x1DB80] =	vst v63  }
0xd3: {  	s15 =	sadd.s32 $0x280, s5;
	s16 =	simm.s32 $0x1D080  }
0xd4: {  	[tilespmem:s16], [sflag:$0x2] =	stream.linear.gather [hbm4b:s15+s9], $0x80, $0x38;
	[tilespmem:$0x1DB80] =	vst v63  }
0xd5: {  	s15 =	sadd.s32 $0x300, s5;
	s16 =	simm.s32 $0x1D180  }
0xd6: {  	[tilespmem:s16], [sflag:$0x2] =	stream.linear.gather [hbm4b:s15+s9], $0x80, $0x38;
	[tilespmem:$0x1DB80] =	vst v63  }
0xd7: {  	s15 =	sadd.s32 $0x380, s5;
	s16 =	simm.s32 $0x1D280  }
0xd8: {  	[tilespmem:s16], [sflag:$0x2] =	stream.linear.gather [hbm4b:s15+s9], $0x80, $0x38;
	[tilespmem:$0x1DB80] =	vst v63  }
0xd9: {  	s15 =	sadd.s32 $0x400, s5;
	s16 =	simm.s32 $0x1D380  }
0xda: {  	[tilespmem:s16], [sflag:$0x2] =	stream.linear.gather [hbm4b:s15+s9], $0x80, $0x38;
	[tilespmem:$0x1DB80] =	vst v63  }
0xdb: {  	s15 =	sadd.s32 $0x480, s5;
	s16 =	simm.s32 $0x1D480  }
0xdc: {  	[tilespmem:s16], [sflag:$0x2] =	stream.linear.gather [hbm4b:s15+s9], $0x80, $0x38;
	[tilespmem:$0x1DB80] =	vst v63  }
0xdd: {  	s15 =	sadd.s32 $0x500, s5;
	s16 =	simm.s32 $0x1D580  }
0xde: {  	[tilespmem:s16], [sflag:$0x2] =	stream.linear.gather [hbm4b:s15+s9], $0x80, $0x38;
	[tilespmem:$0x1DB80] =	vst v63  }
0xdf: {  	s15 =	sadd.s32 $0x580, s5;
	s16 =	simm.s32 $0x1D680  }
0xe0: {  	[tilespmem:s16], [sflag:$0x2] =	stream.linear.gather [hbm4b:s15+s9], $0x80, $0x38;
	[tilespmem:$0x1DB80] =	vst v63  }
0xe1: {  	s15 =	sadd.s32 $0x600, s5;
	s16 =	simm.s32 $0x1D780  }
0xe2: {  	[tilespmem:s16], [sflag:$0x2] =	stream.linear.gather [hbm4b:s15+s9], $0x80, $0x38;
	[tilespmem:$0x1DB80] =	vst v63  }
0xe3: {  	s15 =	sadd.s32 $0x680, s5;
	s16 =	simm.s32 $0x1D880  }
0xe4: {  	[tilespmem:s16], [sflag:$0x2] =	stream.linear.gather [hbm4b:s15+s9], $0x80, $0x38;
	[tilespmem:$0x1DB80] =	vst v63  }
0xe5: {  	s15 =	sadd.s32 $0x700, s5;
	s16 =	simm.s32 $0x1D980  }
0xe6: {  	[tilespmem:s16], [sflag:$0x2] =	stream.linear.gather [hbm4b:s15+s9], $0x80, $0x38;
	[tilespmem:$0x1DB80] =	vst v63  }
0xe7: {  	s5 =	sadd.s32 $0x780, s5;
	s16 =	simm.s32 $0x1DA80  }
0xe8: {  	[tilespmem:s16], [sflag:$0x2] =	stream.linear.gather [hbm4b:s5+s9], $0x80, $0x38;
	[tilespmem:$0x1DB80] =	vst v63  }
0xe9: {  	s5 =	sadd.s32 s13, s14;
	s14 =	simm.s32 $0x1CC00  }
0xea: {  	[tilespmem:s14], [sflag:$0x2] =	stream.linear.gather [hbm4b:s5+s9], $0x80, $0x38;
	[tilespmem:$0x1DB80] =	vst v63  }
0xeb: {  	s16 =	simm.s32 $0x1CD00;
	s15 =	sadd.s32 $0x80, s5  }
0xec: {  	[tilespmem:s16], [sflag:$0x2] =	stream.linear.gather [hbm4b:s15+s9], $0x80, $0x38;
	[tilespmem:$0x1DB80] =	vst v63  }
0xed: {  	s13 =	sadd.s32 $0x100, s5;
	s14 =	simm.s32 $0x1CE00  }
0xee: {  	[tilespmem:s14], [sflag:$0x2] =	stream.linear.gather [hbm4b:s13+s9], $0x80, $0x38;
	[tilespmem:$0x1DB80] =	vst v63  }
0xef: {  	s15 =	sadd.s32 $0x180, s5;
	s16 =	simm.s32 $0x1CF00  }
0xf0: {  	[tilespmem:s16], [sflag:$0x2] =	stream.linear.gather [hbm4b:s15+s9], $0x80, $0x38;
	[tilespmem:$0x1DB80] =	vst v63  }
0xf1: {  	s14 =	sadd.s32 $0x200, s5  }
0xf2: {  	[tilespmem:s19], [sflag:$0x2] =	stream.linear.gather [hbm4b:s14+s9], $0x80, $0x38;
	[tilespmem:$0x1DB80] =	vst v63  }
0xf3: {  	s15 =	sadd.s32 $0x280, s5  }
0xf4: {  	[tilespmem:s20], [sflag:$0x2] =	stream.linear.gather [hbm4b:s15+s9], $0x80, $0x38;
	[tilespmem:$0x1DB80] =	vst v63  }
0xf5: {  	s16 =	sadd.s32 $0x300, s5  }
0xf6: {  	[tilespmem:s21], [sflag:$0x2] =	stream.linear.gather [hbm4b:s16+s9], $0x80, $0x38;
	[tilespmem:$0x1DB80] =	vst v63  }
0xf7: {  	s13 =	sadd.s32 $0x380, s5  }
0xf8: {  	[tilespmem:s22], [sflag:$0x2] =	stream.linear.gather [hbm4b:s13+s9], $0x80, $0x38;
	[tilespmem:$0x1DB80] =	vst v63  }
0xf9: {  	s14 =	sadd.s32 $0x400, s5  }
0xfa: {  	[tilespmem:s23], [sflag:$0x2] =	stream.linear.gather [hbm4b:s14+s9], $0x80, $0x38;
	[tilespmem:$0x1DB80] =	vst v63  }
0xfb: {  	s15 =	sadd.s32 $0x480, s5  }
0xfc: {  	[tilespmem:s24], [sflag:$0x2] =	stream.linear.gather [hbm4b:s15+s9], $0x80, $0x38;
	[tilespmem:$0x1DB80] =	vst v63  }
0xfd: {  	s16 =	sadd.s32 $0x500, s5  }
0xfe: {  	[tilespmem:s25], [sflag:$0x2] =	stream.linear.gather [hbm4b:s16+s9], $0x80, $0x38;
	[tilespmem:$0x1DB80] =	vst v63  }
0xff: {  	s13 =	sadd.s32 $0x580, s5  }
0x100: {  	[tilespmem:s26], [sflag:$0x2] =	stream.linear.gather [hbm4b:s13+s9], $0x80, $0x38;
	[tilespmem:$0x1DB80] =	vst v63  }
0x101: {  	s14 =	sadd.s32 $0x600, s5  }
0x102: {  	[tilespmem:s28], [sflag:$0x2] =	stream.linear.gather [hbm4b:s14+s9], $0x80, $0x38;
	[tilespmem:$0x1DB80] =	vst v63  }
0x103: {  	s15 =	sadd.s32 $0x680, s5  }
0x104: {  	[tilespmem:s29], [sflag:$0x2] =	stream.linear.gather [hbm4b:s15+s9], $0x80, $0x38;
	[tilespmem:$0x1DB80] =	vst v63  }
0x105: {  	s16 =	sadd.s32 $0x700, s5  }
0x106: {  	[tilespmem:s30], [sflag:$0x2] =	stream.linear.gather [hbm4b:s16+s9], $0x80, $0x38;
	[tilespmem:$0x1DB80] =	vst v63  }
0x107: {  	s5 =	sadd.s32 $0x780, s5  }
0x108: {  	[tilespmem:s31], [sflag:$0x2] =	stream.linear.gather [hbm4b:s5+s9], $0x80, $0x38;
	[tilespmem:$0x1DB80] =	vst v63  }
0x109: {  	[dreg:$0xb] =	wrdreg s18;
	s10 =	simm.s32 $0x0;
	s5 =	sshll.u32 s18, $0x7  }
.LBB2_5:
0x10a: {  	_ =	swait.ge [sflag:s0], $0x800  }
0x10b: {  	[sflag:s0] =	ssyncset.done $0x0  }
0x10c: {  	[sflag:s0] =	ssyncadd.s32 $0xFFFFF800  }
0x10d: {  	_ =	swait.ge [sflag:s0], $0x800  }
0x10e: {  	[sflag:s0] =	ssyncset.done $0x0  }
0x10f: {  	[sflag:s0] =	ssyncadd.s32 $0xFFFFF800  }
0x110: {  	_ =	swait.ge [sflag:s0], $0x800  }
0x111: {  	[sflag:s0] =	ssyncset.done $0x0  }
0x112: {  	s14 =	simm.s32 $0x1AD80;
	[sflag:s0] =	ssyncadd.s32 $0xFFFFF800  }
0x113: {  	s13 =	simm.s32 $0x1BD80;
	v0 =	vld [tilespmem:s14+$0x170]  }
0x114: {  	v1 =	vld [tilespmem:s13+$0x170]  }
0x115: {  	v2 =	vld [tilespmem:s14+$0xFFFFFE10]  }
0x116: {  	v3 =	vld [tilespmem:s13+$0x1F0]  }
0x117: {  	v4 =	vld [tilespmem:s14+$0xFFFFFE00]  }
0x118: {  	v5 =	vld [tilespmem:s14+$0xFFFFFE20]  }
0x119: {  	v25 =	vld [tilespmem:s13+$0xFFFFFE00]  }
0x11a: {  	v26 =	vld [tilespmem:s13+$0xFFFFFE80]  }
0x11b: {  	v27 =	vld [tilespmem:s14+$0xFFFFFE30]  }
0x11c: {  	v28 =	vld [tilespmem:s13+$0xFFFFFE10]  }
0x11d: {  	v29 =	vld [tilespmem:s13+$0xFFFFFE90]  }
0x11e: {  	v30 =	vld [tilespmem:s14+$0xFFFFFE40]  }
0x11f: {  	v31 =	vld [tilespmem:s13+$0xFFFFFE20]  }
0x120: {  	v32 =	vld [tilespmem:s13+$0xFFFFFEA0]  }
0x121: {  	v33 =	vld [tilespmem:s14+$0xFFFFFE50]  }
0x122: {  	v34 =	vld [tilespmem:s13+$0xFFFFFE30]  }
0x123: {  	v35 =	vld [tilespmem:s13+$0xFFFFFEB0]  }
0x124: {  	v36 =	vld [tilespmem:s14+$0xFFFFFE60]  }
0x125: {  	v37 =	vld [tilespmem:s13+$0xFFFFFE40]  }
0x126: {  	v38 =	vld [tilespmem:s13+$0xFFFFFEC0]  }
0x127: {  	v39 =	vld [tilespmem:s14+$0xFFFFFE70]  }
0x128: {  	v40 =	vld [tilespmem:s13+$0xFFFFFE50]  }
0x129: {  	v41 =	vld [tilespmem:s13+$0xFFFFFED0]  }
0x12a: {  	v42 =	vld [tilespmem:s14+$0xFFFFFF00]  }
0x12b: {  	v43 =	vld [tilespmem:s13+$0xFFFFFE60]  }
0x12c: {  	v44 =	vld [tilespmem:s13+$0xFFFFFEE0]  }
0x12d: {  	v45 =	vld [tilespmem:s14+$0xFFFFFF10]  }
0x12e: {  	v46 =	vld [tilespmem:s13+$0xFFFFFE70]  }
0x12f: {  	v47 =	vld [tilespmem:s13+$0xFFFFFEF0]  }
0x130: {  	v48 =	vld [tilespmem:s14+$0xFFFFFF20]  }
0x131: {  	v49 =	vld [tilespmem:s13+$0xFFFFFF00]  }
0x132: {  	v50 =	vld [tilespmem:s13+$0xFFFFFF80]  }
0x133: {  	v51 =	vld [tilespmem:s14+$0xFFFFFF30]  }
0x134: {  	v52 =	vld [tilespmem:s13+$0xFFFFFF10]  }
0x135: {  	v53 =	vld [tilespmem:s13+$0xFFFFFF90]  }
0x136: {  	v54 =	vld [tilespmem:s14+$0xFFFFFF40]  }
0x137: {  	v55 =	vld [tilespmem:s13+$0xFFFFFF20]  }
0x138: {  	v56 =	vld [tilespmem:s13+$0xFFFFFFA0]  }
0x139: {  	v57 =	vld [tilespmem:s14+$0xFFFFFF50]  }
0x13a: {  	v58 =	vld [tilespmem:s13+$0xFFFFFF30]  }
0x13b: {  	v59 =	vld [tilespmem:s13+$0xFFFFFFB0]  }
0x13c: {  	v60 =	vld [tilespmem:s14+$0xFFFFFF60]  }
0x13d: {  	v61 =	vld [tilespmem:s13+$0xFFFFFF40]  }
0x13e: {  	v62 =	vld [tilespmem:s13+$0xFFFFFFC0]  }
0x13f: {  	v63 =	vld [tilespmem:s14+$0xFFFFFF70]  }
0x140: {  	v8 =	vld [tilespmem:s13+$0xFFFFFF50]  }
0x141: {  	v9 =	vld [tilespmem:s13+$0xFFFFFFD0]  }
0x142: {  	v10 =	vld [tilespmem:s14+$0x0]  }
0x143: {  	v11 =	vld [tilespmem:s13+$0xFFFFFF60]  }
0x144: {  	v12 =	vld [tilespmem:s13+$0xFFFFFFE0]  }
0x145: {  	v13 =	vld [tilespmem:s14+$0x10]  }
0x146: {  	v14 =	vld [tilespmem:s13+$0xFFFFFF70]  }
0x147: {  	v20 =	vld [tilespmem:s13+$0xFFFFFFF0]  }
0x148: {  	v21 =	vld [tilespmem:s14+$0x20]  }
0x149: {  	v22 =	vld [tilespmem:s13+$0x0]  }
0x14a: {  	v23 =	vld [tilespmem:s13+$0x80]  }
0x14b: {  	v24 =	vld [tilespmem:s14+$0x30]  }
0x14c: {  	[tilespmem:v0+s3+$0x0] =	vst.idx.add.f32.msk $0xffff, v1  }
0x14d: {  	[tilespmem:v4+s3+$0x0] =	vst.idx.add.f32.msk $0xffff, v25  }
0x14e: {  	[tilespmem:v2+s3+$0x0] =	vst.idx.add.f32.msk $0xffff, v28  }
0x14f: {  	[tilespmem:v5+s3+$0x0] =	vst.idx.add.f32.msk $0xffff, v31  }
0x150: {  	[tilespmem:v27+s3+$0x0] =	vst.idx.add.f32.msk $0xffff, v34  }
0x151: {  	[tilespmem:v30+s3+$0x0] =	vst.idx.add.f32.msk $0xffff, v37  }
0x152: {  	[tilespmem:v33+s3+$0x0] =	vst.idx.add.f32.msk $0xffff, v40  }
0x153: {  	[tilespmem:v36+s3+$0x0] =	vst.idx.add.f32.msk $0xffff, v43  }
0x154: {  	[tilespmem:v39+s3+$0x0] =	vst.idx.add.f32.msk $0xffff, v46  }
0x155: {  	[tilespmem:v42+s3+$0x0] =	vst.idx.add.f32.msk $0xffff, v49  }
0x156: {  	[tilespmem:v45+s3+$0x0] =	vst.idx.add.f32.msk $0xffff, v52  }
0x157: {  	[tilespmem:v48+s3+$0x0] =	vst.idx.add.f32.msk $0xffff, v55  }
0x158: {  	[tilespmem:v51+s3+$0x0] =	vst.idx.add.f32.msk $0xffff, v58  }
0x159: {  	[tilespmem:v54+s3+$0x0] =	vst.idx.add.f32.msk $0xffff, v61  }
0x15a: {  	[tilespmem:v57+s3+$0x0] =	vst.idx.add.f32.msk $0xffff, v8  }
0x15b: {  	[tilespmem:v60+s3+$0x0] =	vst.idx.add.f32.msk $0xffff, v11  }
0x15c: {  	[tilespmem:v63+s3+$0x0] =	vst.idx.add.f32.msk $0xffff, v14  }
0x15d: {  	[tilespmem:v10+s3+$0x0] =	vst.idx.add.f32.msk $0xffff, v22  }
0x15e: {  	v25 =	vld [tilespmem:s13+$0x10]  }
0x15f: {  	v28 =	vld [tilespmem:s13+$0x20]  }
0x160: {  	v31 =	vld [tilespmem:s13+$0x30]  }
0x161: {  	v34 =	vld [tilespmem:s13+$0x40]  }
0x162: {  	v37 =	vld [tilespmem:s13+$0x50]  }
0x163: {  	v40 =	vld [tilespmem:s13+$0x60]  }
0x164: {  	v43 =	vld [tilespmem:s13+$0x70]  }
0x165: {  	v46 =	vld [tilespmem:s13+$0x100]  }
0x166: {  	v49 =	vld [tilespmem:s13+$0x110]  }
0x167: {  	v52 =	vld [tilespmem:s13+$0x120]  }
0x168: {  	v55 =	vld [tilespmem:s13+$0x130]  }
0x169: {  	v58 =	vld [tilespmem:s13+$0x140]  }
0x16a: {  	v61 =	vld [tilespmem:s13+$0x1D0]  }
0x16b: {  	[tilespmem:v0+s4+$0x0] =	vst.idx.add.f32.msk $0xffff, v3  }
0x16c: {  	[tilespmem:v4+s4+$0x0] =	vst.idx.add.f32.msk $0xffff, v26  }
0x16d: {  	[tilespmem:v2+s4+$0x0] =	vst.idx.add.f32.msk $0xffff, v29  }
0x16e: {  	[tilespmem:v5+s4+$0x0] =	vst.idx.add.f32.msk $0xffff, v32  }
0x16f: {  	[tilespmem:v27+s4+$0x0] =	vst.idx.add.f32.msk $0xffff, v35  }
0x170: {  	[tilespmem:v30+s4+$0x0] =	vst.idx.add.f32.msk $0xffff, v38  }
0x171: {  	[tilespmem:v33+s4+$0x0] =	vst.idx.add.f32.msk $0xffff, v41  }
0x172: {  	[tilespmem:v36+s4+$0x0] =	vst.idx.add.f32.msk $0xffff, v44  }
0x173: {  	[tilespmem:v39+s4+$0x0] =	vst.idx.add.f32.msk $0xffff, v47  }
0x174: {  	[tilespmem:v42+s4+$0x0] =	vst.idx.add.f32.msk $0xffff, v50  }
0x175: {  	[tilespmem:v45+s4+$0x0] =	vst.idx.add.f32.msk $0xffff, v53  }
0x176: {  	[tilespmem:v48+s4+$0x0] =	vst.idx.add.f32.msk $0xffff, v56  }
0x177: {  	[tilespmem:v51+s4+$0x0] =	vst.idx.add.f32.msk $0xffff, v59  }
0x178: {  	[tilespmem:v54+s4+$0x0] =	vst.idx.add.f32.msk $0xffff, v62  }
0x179: {  	[tilespmem:v57+s4+$0x0] =	vst.idx.add.f32.msk $0xffff, v9  }
0x17a: {  	[tilespmem:v60+s4+$0x0] =	vst.idx.add.f32.msk $0xffff, v12  }
0x17b: {  	[tilespmem:v63+s4+$0x0] =	vst.idx.add.f32.msk $0xffff, v20  }
0x17c: {  	[tilespmem:v10+s4+$0x0] =	vst.idx.add.f32.msk $0xffff, v23  }
0x17d: {  	v26 =	vld [tilespmem:s13+$0x90]  }
0x17e: {  	v29 =	vld [tilespmem:s13+$0xA0]  }
0x17f: {  	v32 =	vld [tilespmem:s13+$0xB0]  }
0x180: {  	v35 =	vld [tilespmem:s13+$0xC0]  }
0x181: {  	v38 =	vld [tilespmem:s13+$0xD0]  }
0x182: {  	v41 =	vld [tilespmem:s13+$0xE0]  }
0x183: {  	v44 =	vld [tilespmem:s13+$0xF0]  }
0x184: {  	v47 =	vld [tilespmem:s13+$0x180]  }
0x185: {  	v50 =	vld [tilespmem:s13+$0x190]  }
0x186: {  	v53 =	vld [tilespmem:s13+$0x1A0]  }
0x187: {  	v56 =	vld [tilespmem:s13+$0x1B0]  }
0x188: {  	v59 =	vld [tilespmem:s13+$0x1C0]  }
0x189: {  	v62 =	vld [tilespmem:s13+$0x160]  }
0x18a: {  	[tilespmem:v0+s12+$0x0] =	vst.idx.add.f32.msk $0xffff, v17  }
0x18b: {  	[tilespmem:v4+s12+$0x0] =	vst.idx.add.f32.msk $0xffff, v17  }
0x18c: {  	[tilespmem:v2+s12+$0x0] =	vst.idx.add.f32.msk $0xffff, v17  }
0x18d: {  	[tilespmem:v5+s12+$0x0] =	vst.idx.add.f32.msk $0xffff, v17  }
0x18e: {  	[tilespmem:v27+s12+$0x0] =	vst.idx.add.f32.msk $0xffff, v17  }
0x18f: {  	[tilespmem:v30+s12+$0x0] =	vst.idx.add.f32.msk $0xffff, v17  }
0x190: {  	[tilespmem:v33+s12+$0x0] =	vst.idx.add.f32.msk $0xffff, v17  }
0x191: {  	[tilespmem:v36+s12+$0x0] =	vst.idx.add.f32.msk $0xffff, v17  }
0x192: {  	[tilespmem:v39+s12+$0x0] =	vst.idx.add.f32.msk $0xffff, v17  }
0x193: {  	[tilespmem:v42+s12+$0x0] =	vst.idx.add.f32.msk $0xffff, v17  }
0x194: {  	[tilespmem:v45+s12+$0x0] =	vst.idx.add.f32.msk $0xffff, v17  }
0x195: {  	[tilespmem:v48+s12+$0x0] =	vst.idx.add.f32.msk $0xffff, v17  }
0x196: {  	[tilespmem:v51+s12+$0x0] =	vst.idx.add.f32.msk $0xffff, v17  }
0x197: {  	[tilespmem:v54+s12+$0x0] =	vst.idx.add.f32.msk $0xffff, v17  }
0x198: {  	[tilespmem:v57+s12+$0x0] =	vst.idx.add.f32.msk $0xffff, v17  }
0x199: {  	[tilespmem:v60+s12+$0x0] =	vst.idx.add.f32.msk $0xffff, v17  }
0x19a: {  	[tilespmem:v63+s12+$0x0] =	vst.idx.add.f32.msk $0xffff, v17  }
0x19b: {  	[tilespmem:v10+s12+$0x0] =	vst.idx.add.f32.msk $0xffff, v17  }
0x19c: {  	v27 =	vld [tilespmem:s14+$0x40]  }
0x19d: {  	v30 =	vld [tilespmem:s14+$0x50]  }
0x19e: {  	v33 =	vld [tilespmem:s14+$0x60]  }
0x19f: {  	v36 =	vld [tilespmem:s14+$0x70]  }
0x1a0: {  	v39 =	vld [tilespmem:s14+$0x100]  }
0x1a1: {  	v42 =	vld [tilespmem:s14+$0x110]  }
0x1a2: {  	v45 =	vld [tilespmem:s14+$0x120]  }
0x1a3: {  	v48 =	vld [tilespmem:s14+$0x130]  }
0x1a4: {  	v51 =	vld [tilespmem:s14+$0x140]  }
0x1a5: {  	v54 =	vld [tilespmem:s14+$0x150]  }
0x1a6: {  	v57 =	vld [tilespmem:s14+$0x160]  }
0x1a7: {  	v60 =	vld [tilespmem:s13+$0x150]  }
0x1a8: {  	v63 =	vld [tilespmem:s13+$0x1E0]  }
0x1a9: {  	[tilespmem:v13+s3+$0x0] =	vst.idx.add.f32.msk $0xffff, v25  }
0x1aa: {  	[tilespmem:v21+s3+$0x0] =	vst.idx.add.f32.msk $0xffff, v28  }
0x1ab: {  	[tilespmem:v24+s3+$0x0] =	vst.idx.add.f32.msk $0xffff, v31  }
0x1ac: {  	[tilespmem:v13+s4+$0x0] =	vst.idx.add.f32.msk $0xffff, v26  }
0x1ad: {  	[tilespmem:v21+s4+$0x0] =	vst.idx.add.f32.msk $0xffff, v29  }
0x1ae: {  	[tilespmem:v24+s4+$0x0] =	vst.idx.add.f32.msk $0xffff, v32  }
0x1af: {  	[tilespmem:v13+s12+$0x0] =	vst.idx.add.f32.msk $0xffff, v17  }
0x1b0: {  	[tilespmem:v21+s12+$0x0] =	vst.idx.add.f32.msk $0xffff, v17  }
0x1b1: {  	[tilespmem:v24+s12+$0x0] =	vst.idx.add.f32.msk $0xffff, v17  }
0x1b2: {  	[tilespmem:v27+s3+$0x0] =	vst.idx.add.f32.msk $0xffff, v34  }
0x1b3: {  	[tilespmem:v30+s3+$0x0] =	vst.idx.add.f32.msk $0xffff, v37  }
0x1b4: {  	[tilespmem:v33+s3+$0x0] =	vst.idx.add.f32.msk $0xffff, v40  }
0x1b5: {  	[tilespmem:v36+s3+$0x0] =	vst.idx.add.f32.msk $0xffff, v43  }
0x1b6: {  	[tilespmem:v39+s3+$0x0] =	vst.idx.add.f32.msk $0xffff, v46  }
0x1b7: {  	[tilespmem:v42+s3+$0x0] =	vst.idx.add.f32.msk $0xffff, v49  }
0x1b8: {  	[tilespmem:v45+s3+$0x0] =	vst.idx.add.f32.msk $0xffff, v52  }
0x1b9: {  	[tilespmem:v48+s3+$0x0] =	vst.idx.add.f32.msk $0xffff, v55  }
0x1ba: {  	[tilespmem:v51+s3+$0x0] =	vst.idx.add.f32.msk $0xffff, v58  }
0x1bb: {  	[tilespmem:v54+s3+$0x0] =	vst.idx.add.f32.msk $0xffff, v60  }
0x1bc: {  	[tilespmem:v57+s3+$0x0] =	vst.idx.add.f32.msk $0xffff, v62  }
0x1bd: {  	[tilespmem:v27+s4+$0x0] =	vst.idx.add.f32.msk $0xffff, v35  }
0x1be: {  	[tilespmem:v30+s4+$0x0] =	vst.idx.add.f32.msk $0xffff, v38  }
0x1bf: {  	[tilespmem:v33+s4+$0x0] =	vst.idx.add.f32.msk $0xffff, v41  }
0x1c0: {  	[tilespmem:v36+s4+$0x0] =	vst.idx.add.f32.msk $0xffff, v44  }
0x1c1: {  	[tilespmem:v39+s4+$0x0] =	vst.idx.add.f32.msk $0xffff, v47  }
0x1c2: {  	[tilespmem:v42+s4+$0x0] =	vst.idx.add.f32.msk $0xffff, v50  }
0x1c3: {  	[tilespmem:v45+s4+$0x0] =	vst.idx.add.f32.msk $0xffff, v53  }
0x1c4: {  	[tilespmem:v48+s4+$0x0] =	vst.idx.add.f32.msk $0xffff, v56  }
0x1c5: {  	[tilespmem:v51+s4+$0x0] =	vst.idx.add.f32.msk $0xffff, v59  }
0x1c6: {  	[tilespmem:v54+s4+$0x0] =	vst.idx.add.f32.msk $0xffff, v61  }
0x1c7: {  	[tilespmem:v57+s4+$0x0] =	vst.idx.add.f32.msk $0xffff, v63  }
0x1c8: {  	[tilespmem:v27+s12+$0x0] =	vst.idx.add.f32.msk $0xffff, v17  }
0x1c9: {  	[tilespmem:v30+s12+$0x0] =	vst.idx.add.f32.msk $0xffff, v17  }
0x1ca: {  	[tilespmem:v33+s12+$0x0] =	vst.idx.add.f32.msk $0xffff, v17  }
0x1cb: {  	[tilespmem:v36+s12+$0x0] =	vst.idx.add.f32.msk $0xffff, v17  }
0x1cc: {  	[tilespmem:v39+s12+$0x0] =	vst.idx.add.f32.msk $0xffff, v17  }
0x1cd: {  	[tilespmem:v42+s12+$0x0] =	vst.idx.add.f32.msk $0xffff, v17  }
0x1ce: {  	[tilespmem:v45+s12+$0x0] =	vst.idx.add.f32.msk $0xffff, v17  }
0x1cf: {  	[tilespmem:v48+s12+$0x0] =	vst.idx.add.f32.msk $0xffff, v17  }
0x1d0: {  	[tilespmem:v51+s12+$0x0] =	vst.idx.add.f32.msk $0xffff, v17  }
0x1d1: {  	[tilespmem:v54+s12+$0x0] =	vst.idx.add.f32.msk $0xffff, v17  }
0x1d2: {  	s15 =	simm.s32 $0x1B180;
	s14 =	simm.s32 $0x0;
	[tilespmem:v57+s12+$0x0] =	vst.idx.add.f32.msk $0xffff, v17  }
.LBB2_6:
0x1d3: {  	v0 =	vld [tilespmem:s15+$0x170]  }
0x1d4: {  	v31 =	vld [tilespmem:s15+$0xFFFFFE10]  }
0x1d5: {  	v29 =	vld [tilespmem:s15+$0xFFFFFE20]  }
0x1d6: {  	v30 =	vld [tilespmem:s15+$0xFFFFFE30]  }
0x1d7: {  	v28 =	vld [tilespmem:s15+$0xFFFFFE40]  }
0x1d8: {  	v26 =	vld [tilespmem:s15+$0xFFFFFE50]  }
0x1d9: {  	v27 =	vld [tilespmem:s15+$0xFFFFFE60]  }
0x1da: {  	v25 =	vld [tilespmem:s15+$0xFFFFFE70]  }
0x1db: {  	v24 =	vld [tilespmem:s15+$0xFFFFFF00]  }
0x1dc: {  	v23 =	vld [tilespmem:s15+$0xFFFFFF10]  }
0x1dd: {  	v22 =	vld [tilespmem:s15+$0xFFFFFF20]  }
0x1de: {  	v21 =	vld [tilespmem:s15+$0xFFFFFF30]  }
0x1df: {  	v20 =	vld [tilespmem:s15+$0xFFFFFF40]  }
0x1e0: {  	v19 =	vld [tilespmem:s15+$0xFFFFFF50]  }
0x1e1: {  	v18 =	vld [tilespmem:s15+$0xFFFFFF60]  }
0x1e2: {  	v16 =	vld [tilespmem:s15+$0x0]  }
0x1e3: {  	v15 =	vld [tilespmem:s15+$0x10]  }
0x1e4: {  	v14 =	vld [tilespmem:s15+$0x20]  }
0x1e5: {  	v13 =	vld [tilespmem:s15+$0x30]  }
0x1e6: {  	v12 =	vld [tilespmem:s15+$0x40]  }
0x1e7: {  	v11 =	vld [tilespmem:s15+$0x50]  }
0x1e8: {  	v10 =	vld [tilespmem:s15+$0x60]  }
0x1e9: {  	v9 =	vld [tilespmem:s15+$0x70]  }
0x1ea: {  	v33 =	vld [tilespmem:s15+$0x100]  }
0x1eb: {  	v36 =	vld [tilespmem:s15+$0x110]  }
0x1ec: {  	v39 =	vld [tilespmem:s15+$0x120]  }
0x1ed: {  	v42 =	vld [tilespmem:s15+$0x130]  }
0x1ee: {  	v45 =	vld [tilespmem:s15+$0x140]  }
0x1ef: {  	v48 =	vld [tilespmem:s15+$0x150]  }
0x1f0: {  	s13 =	sadd.s32 $0x400, s13;
	v51 =	vld [tilespmem:s15+$0x160]  }
0x1f1: {  	v1 =	vld [tilespmem:s13+$0x170]  }
0x1f2: {  	v2 =	vld [tilespmem:s13+$0x1F0]  }
0x1f3: {  	v3 =	vld [tilespmem:s13+$0xFFFFFE00]  }
0x1f4: {  	v5 =	vld [tilespmem:s13+$0xFFFFFE10]  }
0x1f5: {  	v4 =	vld [tilespmem:s13+$0xFFFFFE90]  }
0x1f6: {  	v7 =	vld [tilespmem:s13+$0xFFFFFE20]  }
0x1f7: {  	v6 =	vld [tilespmem:s13+$0xFFFFFEA0]  }
0x1f8: {  	v32 =	vld [tilespmem:s13+$0xFFFFFE30]  }
0x1f9: {  	v8 =	vld [tilespmem:s13+$0xFFFFFEB0]  }
0x1fa: {  	v34 =	vld [tilespmem:s13+$0xFFFFFE40]  }
0x1fb: {  	v35 =	vld [tilespmem:s13+$0xFFFFFEC0]  }
0x1fc: {  	v37 =	vld [tilespmem:s13+$0xFFFFFE50]  }
0x1fd: {  	v38 =	vld [tilespmem:s13+$0xFFFFFED0]  }
0x1fe: {  	v40 =	vld [tilespmem:s13+$0xFFFFFE60]  }
0x1ff: {  	v41 =	vld [tilespmem:s13+$0xFFFFFEE0]  }
0x200: {  	v43 =	vld [tilespmem:s13+$0xFFFFFE70]  }
0x201: {  	v44 =	vld [tilespmem:s13+$0xFFFFFEF0]  }
0x202: {  	v46 =	vld [tilespmem:s13+$0xFFFFFF00]  }
0x203: {  	v47 =	vld [tilespmem:s13+$0xFFFFFF80]  }
0x204: {  	v49 =	vld [tilespmem:s13+$0xFFFFFF10]  }
0x205: {  	v50 =	vld [tilespmem:s13+$0xFFFFFF90]  }
0x206: {  	v52 =	vld [tilespmem:s13+$0xFFFFFF20]  }
0x207: {  	v53 =	vld [tilespmem:s13+$0xFFFFFFA0]  }
0x208: {  	v54 =	vld [tilespmem:s13+$0xFFFFFF30]  }
0x209: {  	v55 =	vld [tilespmem:s13+$0xFFFFFFB0]  }
0x20a: {  	v56 =	vld [tilespmem:s13+$0xFFFFFF40]  }
0x20b: {  	v57 =	vld [tilespmem:s13+$0xFFFFFFC0]  }
0x20c: {  	v58 =	vld [tilespmem:s13+$0xFFFFFF50]  }
0x20d: {  	v62 =	vld [tilespmem:s13+$0xFFFFFF70]  }
0x20e: {  	v59 =	vld [tilespmem:s13+$0xFFFFFFD0]  }
0x20f: {  	v60 =	vld [tilespmem:s13+$0xFFFFFF60]  }
0x210: {  	v61 =	vld [tilespmem:s13+$0xFFFFFFE0]  }
0x211: {  	v63 =	vld [tilespmem:s13+$0xFFFFFFF0]  }
0x212: {  	[tilespmem:$0x1FE20] =	vst v62;
	v62 =	vld [tilespmem:s13+$0x0]  }
0x213: {  	[tilespmem:v0+s3+$0x0] =	vst.idx.add.f32.msk $0xffff, v1  }
0x214: {  	v1 =	vld [tilespmem:s15+$0xFFFFFE00]  }
0x215: {  	[tilespmem:v31+s3+$0x0] =	vst.idx.add.f32.msk $0xffff, v5  }
0x216: {  	[tilespmem:v29+s3+$0x0] =	vst.idx.add.f32.msk $0xffff, v7  }
0x217: {  	[tilespmem:v30+s3+$0x0] =	vst.idx.add.f32.msk $0xffff, v32  }
0x218: {  	[tilespmem:v28+s3+$0x0] =	vst.idx.add.f32.msk $0xffff, v34  }
0x219: {  	[tilespmem:v26+s3+$0x0] =	vst.idx.add.f32.msk $0xffff, v37  }
0x21a: {  	[tilespmem:v27+s3+$0x0] =	vst.idx.add.f32.msk $0xffff, v40  }
0x21b: {  	[tilespmem:v25+s3+$0x0] =	vst.idx.add.f32.msk $0xffff, v43  }
0x21c: {  	[tilespmem:v24+s3+$0x0] =	vst.idx.add.f32.msk $0xffff, v46  }
0x21d: {  	[tilespmem:$0x1FE30] =	vst v62;
	v62 =	vld [tilespmem:s13+$0x80]  }
0x21e: {  	[tilespmem:v23+s3+$0x0] =	vst.idx.add.f32.msk $0xffff, v49  }
0x21f: {  	[tilespmem:v22+s3+$0x0] =	vst.idx.add.f32.msk $0xffff, v52  }
0x220: {  	[tilespmem:v21+s3+$0x0] =	vst.idx.add.f32.msk $0xffff, v54  }
0x221: {  	[tilespmem:v20+s3+$0x0] =	vst.idx.add.f32.msk $0xffff, v56  }
0x222: {  	[tilespmem:$0x1FE40] =	vst v62;
	v62 =	vld [tilespmem:s13+$0x10]  }
0x223: {  	[tilespmem:v19+s3+$0x0] =	vst.idx.add.f32.msk $0xffff, v58  }
0x224: {  	[tilespmem:v18+s3+$0x0] =	vst.idx.add.f32.msk $0xffff, v60  }
0x225: {  	[tilespmem:v0+s4+$0x0] =	vst.idx.add.f32.msk $0xffff, v2  }
0x226: {  	v2 =	vld [tilespmem:s13+$0xFFFFFE80]  }
0x227: {  	[tilespmem:$0x1FE50] =	vst v62;
	v62 =	vld [tilespmem:s13+$0x90]  }
0x228: {  	[tilespmem:v31+s4+$0x0] =	vst.idx.add.f32.msk $0xffff, v4  }
0x229: {  	[tilespmem:v29+s4+$0x0] =	vst.idx.add.f32.msk $0xffff, v6  }
0x22a: {  	[tilespmem:v30+s4+$0x0] =	vst.idx.add.f32.msk $0xffff, v8  }
0x22b: {  	[tilespmem:v28+s4+$0x0] =	vst.idx.add.f32.msk $0xffff, v35  }
0x22c: {  	[tilespmem:$0x1FE60] =	vst v62;
	v62 =	vld [tilespmem:s13+$0x20]  }
0x22d: {  	[tilespmem:v26+s4+$0x0] =	vst.idx.add.f32.msk $0xffff, v38  }
0x22e: {  	[tilespmem:v27+s4+$0x0] =	vst.idx.add.f32.msk $0xffff, v41  }
0x22f: {  	[tilespmem:v25+s4+$0x0] =	vst.idx.add.f32.msk $0xffff, v44  }
0x230: {  	[tilespmem:v24+s4+$0x0] =	vst.idx.add.f32.msk $0xffff, v47  }
0x231: {  	[tilespmem:$0x1FE70] =	vst v62;
	v62 =	vld [tilespmem:s13+$0xA0]  }
0x232: {  	[tilespmem:v23+s4+$0x0] =	vst.idx.add.f32.msk $0xffff, v50  }
0x233: {  	[tilespmem:v22+s4+$0x0] =	vst.idx.add.f32.msk $0xffff, v53  }
0x234: {  	[tilespmem:v21+s4+$0x0] =	vst.idx.add.f32.msk $0xffff, v55  }
0x235: {  	[tilespmem:v20+s4+$0x0] =	vst.idx.add.f32.msk $0xffff, v57  }
0x236: {  	[tilespmem:$0x1FE80] =	vst v62;
	v62 =	vld [tilespmem:s13+$0x30]  }
0x237: {  	[tilespmem:v19+s4+$0x0] =	vst.idx.add.f32.msk $0xffff, v59  }
0x238: {  	[tilespmem:v18+s4+$0x0] =	vst.idx.add.f32.msk $0xffff, v61  }
0x239: {  	[tilespmem:v0+s12+$0x0] =	vst.idx.add.f32.msk $0xffff, v17  }
0x23a: {  	v17 =	vld [tilespmem:s15+$0xFFFFFF70]  }
0x23b: {  	v0 =	vimm.f32 $1.000000000e+00;
	[tilespmem:$0x1FE90] =	vst v62;
	v62 =	vld [tilespmem:s13+$0xB0]  }
0x23c: {  	[tilespmem:v31+s12+$0x0] =	vst.idx.add.f32.msk $0xffff, v0  }
0x23d: {  	[tilespmem:v29+s12+$0x0] =	vst.idx.add.f32.msk $0xffff, v0  }
0x23e: {  	[tilespmem:v30+s12+$0x0] =	vst.idx.add.f32.msk $0xffff, v0  }
0x23f: {  	[tilespmem:v28+s12+$0x0] =	vst.idx.add.f32.msk $0xffff, v0  }
0x240: {  	[tilespmem:$0x1FEA0] =	vst v62;
	v62 =	vld [tilespmem:s13+$0x40]  }
0x241: {  	[tilespmem:v26+s12+$0x0] =	vst.idx.add.f32.msk $0xffff, v0  }
0x242: {  	[tilespmem:v27+s12+$0x0] =	vst.idx.add.f32.msk $0xffff, v0  }
0x243: {  	[tilespmem:v25+s12+$0x0] =	vst.idx.add.f32.msk $0xffff, v0  }
0x244: {  	[tilespmem:v24+s12+$0x0] =	vst.idx.add.f32.msk $0xffff, v0  }
0x245: {  	[tilespmem:$0x1FEB0] =	vst v62;
	v62 =	vld [tilespmem:s13+$0xC0]  }
0x246: {  	[tilespmem:v23+s12+$0x0] =	vst.idx.add.f32.msk $0xffff, v0  }
0x247: {  	[tilespmem:v22+s12+$0x0] =	vst.idx.add.f32.msk $0xffff, v0  }
0x248: {  	[tilespmem:v21+s12+$0x0] =	vst.idx.add.f32.msk $0xffff, v0  }
0x249: {  	[tilespmem:v20+s12+$0x0] =	vst.idx.add.f32.msk $0xffff, v0  }
0x24a: {  	[tilespmem:$0x1FEC0] =	vst v62;
	v62 =	vld [tilespmem:s13+$0x50]  }
0x24b: {  	[tilespmem:v19+s12+$0x0] =	vst.idx.add.f32.msk $0xffff, v0  }
0x24c: {  	[tilespmem:v18+s12+$0x0] =	vst.idx.add.f32.msk $0xffff, v0  }
0x24d: {  	v27 =	vld [tilespmem:$0x1FE30]  }
0x24e: {  	v26 =	vld [tilespmem:$0x1FE20]  }
0x24f: {  	[tilespmem:$0x1FED0] =	vst v62;
	v62 =	vld [tilespmem:s13+$0xD0]  }
0x250: {  	[tilespmem:v1+s3+$0x0] =	vst.idx.add.f32.msk $0xffff, v3  }
0x251: {  	[tilespmem:v1+s4+$0x0] =	vst.idx.add.f32.msk $0xffff, v2  }
0x252: {  	[tilespmem:v16+s3+$0x0] =	vst.idx.add.f32.msk $0xffff, v27  }
0x253: {  	v28 =	vld [tilespmem:$0x1FE40]  }
0x254: {  	[tilespmem:$0x1FEE0] =	vst v62;
	v62 =	vld [tilespmem:s13+$0x60]  }
0x255: {  	[tilespmem:v1+s12+$0x0] =	vst.idx.add.f32.msk $0xffff, v0  }
0x256: {  	[tilespmem:v17+s3+$0x0] =	vst.idx.add.f32.msk $0xffff, v26  }
0x257: {  	[tilespmem:v17+s4+$0x0] =	vst.idx.add.f32.msk $0xffff, v63  }
0x258: {  	[tilespmem:v17+s12+$0x0] =	vst.idx.add.f32.msk $0xffff, v0  }
0x259: {  	[tilespmem:$0x1FEF0] =	vst v62;
	v62 =	vld [tilespmem:s13+$0xE0]  }
0x25a: {  	v29 =	vld [tilespmem:$0x1FE50]  }
0x25b: {  	[tilespmem:v16+s4+$0x0] =	vst.idx.add.f32.msk $0xffff, v28  }
0x25c: {  	v17 =	vimm.f32 $1.000000000e+00;
	v30 =	vld [tilespmem:$0x1FE60]  }
0x25d: {  	[tilespmem:v16+s12+$0x0] =	vst.idx.add.f32.msk $0xffff, v17  }
0x25e: {  	[tilespmem:$0x1FF00] =	vst v62;
	v62 =	vld [tilespmem:s13+$0x70]  }
0x25f: {  	[tilespmem:v15+s3+$0x0] =	vst.idx.add.f32.msk $0xffff, v29  }
0x260: {  	v31 =	vld [tilespmem:$0x1FE70]  }
0x261: {  	[tilespmem:v15+s4+$0x0] =	vst.idx.add.f32.msk $0xffff, v30  }
0x262: {  	v32 =	vld [tilespmem:$0x1FE80]  }
0x263: {  	[tilespmem:$0x1FF10] =	vst v62;
	v62 =	vld [tilespmem:s13+$0xF0]  }
0x264: {  	[tilespmem:v15+s12+$0x0] =	vst.idx.add.f32.msk $0xffff, v17  }
0x265: {  	[tilespmem:v14+s3+$0x0] =	vst.idx.add.f32.msk $0xffff, v31  }
0x266: {  	v34 =	vld [tilespmem:$0x1FE90]  }
0x267: {  	[tilespmem:v14+s4+$0x0] =	vst.idx.add.f32.msk $0xffff, v32  }
0x268: {  	[tilespmem:$0x1FF20] =	vst v62;
	v62 =	vld [tilespmem:s13+$0x100]  }
0x269: {  	v35 =	vld [tilespmem:$0x1FEA0]  }
0x26a: {  	[tilespmem:v14+s12+$0x0] =	vst.idx.add.f32.msk $0xffff, v17  }
0x26b: {  	[tilespmem:v13+s3+$0x0] =	vst.idx.add.f32.msk $0xffff, v34  }
0x26c: {  	v37 =	vld [tilespmem:$0x1FEB0]  }
0x26d: {  	[tilespmem:$0x1FF30] =	vst v62;
	v62 =	vld [tilespmem:s13+$0x180]  }
0x26e: {  	[tilespmem:v13+s4+$0x0] =	vst.idx.add.f32.msk $0xffff, v35  }
0x26f: {  	v38 =	vld [tilespmem:$0x1FEC0]  }
0x270: {  	[tilespmem:v13+s12+$0x0] =	vst.idx.add.f32.msk $0xffff, v17  }
0x271: {  	[tilespmem:v12+s3+$0x0] =	vst.idx.add.f32.msk $0xffff, v37  }
0x272: {  	[tilespmem:$0x1FF40] =	vst v62;
	v62 =	vld [tilespmem:s13+$0x110]  }
0x273: {  	v40 =	vld [tilespmem:$0x1FED0]  }
0x274: {  	[tilespmem:v12+s4+$0x0] =	vst.idx.add.f32.msk $0xffff, v38  }
0x275: {  	v41 =	vld [tilespmem:$0x1FEE0]  }
0x276: {  	[tilespmem:v12+s12+$0x0] =	vst.idx.add.f32.msk $0xffff, v17  }
0x277: {  	[tilespmem:$0x1FF50] =	vst v62;
	v62 =	vld [tilespmem:s13+$0x190]  }
0x278: {  	[tilespmem:v11+s3+$0x0] =	vst.idx.add.f32.msk $0xffff, v40  }
0x279: {  	v43 =	vld [tilespmem:$0x1FEF0]  }
0x27a: {  	[tilespmem:v11+s4+$0x0] =	vst.idx.add.f32.msk $0xffff, v41  }
0x27b: {  	v44 =	vld [tilespmem:$0x1FF00]  }
0x27c: {  	[tilespmem:$0x1FF60] =	vst v62;
	v62 =	vld [tilespmem:s13+$0x120]  }
0x27d: {  	[tilespmem:v11+s12+$0x0] =	vst.idx.add.f32.msk $0xffff, v17  }
0x27e: {  	[tilespmem:v10+s3+$0x0] =	vst.idx.add.f32.msk $0xffff, v43  }
0x27f: {  	v46 =	vld [tilespmem:$0x1FF10]  }
0x280: {  	[tilespmem:v10+s4+$0x0] =	vst.idx.add.f32.msk $0xffff, v44  }
0x281: {  	[tilespmem:$0x1FF70] =	vst v62;
	v62 =	vld [tilespmem:s13+$0x1A0]  }
0x282: {  	v47 =	vld [tilespmem:$0x1FF20]  }
0x283: {  	[tilespmem:v10+s12+$0x0] =	vst.idx.add.f32.msk $0xffff, v17  }
0x284: {  	[tilespmem:v9+s3+$0x0] =	vst.idx.add.f32.msk $0xffff, v46  }
0x285: {  	v49 =	vld [tilespmem:$0x1FF30]  }
0x286: {  	[tilespmem:$0x1FF80] =	vst v62;
	v62 =	vld [tilespmem:s13+$0x130]  }
0x287: {  	[tilespmem:v9+s4+$0x0] =	vst.idx.add.f32.msk $0xffff, v47  }
0x288: {  	v50 =	vld [tilespmem:$0x1FF40]  }
0x289: {  	[tilespmem:v9+s12+$0x0] =	vst.idx.add.f32.msk $0xffff, v17  }
0x28a: {  	[tilespmem:v33+s3+$0x0] =	vst.idx.add.f32.msk $0xffff, v49  }
0x28b: {  	[tilespmem:$0x1FF90] =	vst v62;
	v62 =	vld [tilespmem:s13+$0x1B0]  }
0x28c: {  	v52 =	vld [tilespmem:$0x1FF50]  }
0x28d: {  	[tilespmem:v33+s4+$0x0] =	vst.idx.add.f32.msk $0xffff, v50  }
0x28e: {  	v53 =	vld [tilespmem:$0x1FF60]  }
0x28f: {  	[tilespmem:v33+s12+$0x0] =	vst.idx.add.f32.msk $0xffff, v17  }
0x290: {  	[tilespmem:$0x1FFA0] =	vst v62;
	v62 =	vld [tilespmem:s13+$0x140]  }
0x291: {  	[tilespmem:v36+s3+$0x0] =	vst.idx.add.f32.msk $0xffff, v52  }
0x292: {  	v54 =	vld [tilespmem:$0x1FF70]  }
0x293: {  	[tilespmem:v36+s4+$0x0] =	vst.idx.add.f32.msk $0xffff, v53  }
0x294: {  	v55 =	vld [tilespmem:$0x1FF80]  }
0x295: {  	[tilespmem:$0x1FFB0] =	vst v62;
	v62 =	vld [tilespmem:s13+$0x1C0]  }
0x296: {  	[tilespmem:v36+s12+$0x0] =	vst.idx.add.f32.msk $0xffff, v17  }
0x297: {  	[tilespmem:v39+s3+$0x0] =	vst.idx.add.f32.msk $0xffff, v54  }
0x298: {  	v56 =	vld [tilespmem:$0x1FF90]  }
0x299: {  	[tilespmem:v39+s4+$0x0] =	vst.idx.add.f32.msk $0xffff, v55  }
0x29a: {  	[tilespmem:$0x1FFC0] =	vst v62;
	v62 =	vld [tilespmem:s13+$0x150]  }
0x29b: {  	[tilespmem:v39+s12+$0x0] =	vst.idx.add.f32.msk $0xffff, v17  }
0x29c: {  	v57 =	vld [tilespmem:$0x1FFA0]  }
0x29d: {  	[tilespmem:v42+s3+$0x0] =	vst.idx.add.f32.msk $0xffff, v56  }
0x29e: {  	v58 =	vld [tilespmem:$0x1FFB0]  }
0x29f: {  	[tilespmem:$0x1FFD0] =	vst v62;
	v62 =	vld [tilespmem:s13+$0x1D0]  }
0x2a0: {  	v59 =	vld [tilespmem:$0x1FFC0]  }
0x2a1: {  	[tilespmem:v42+s4+$0x0] =	vst.idx.add.f32.msk $0xffff, v57  }
0x2a2: {  	[tilespmem:v42+s12+$0x0] =	vst.idx.add.f32.msk $0xffff, v17  }
0x2a3: {  	[tilespmem:v45+s3+$0x0] =	vst.idx.add.f32.msk $0xffff, v58  }
0x2a4: {  	[tilespmem:$0x1FFE0] =	vst v62;
	v62 =	vld [tilespmem:s13+$0x160]  }
0x2a5: {  	[tilespmem:v45+s4+$0x0] =	vst.idx.add.f32.msk $0xffff, v59  }
0x2a6: {  	v60 =	vld [tilespmem:$0x1FFD0]  }
0x2a7: {  	[tilespmem:v45+s12+$0x0] =	vst.idx.add.f32.msk $0xffff, v17  }
0x2a8: {  	v61 =	vld [tilespmem:$0x1FFE0]  }
0x2a9: {  	[tilespmem:$0x1FFF0] =	vst v62  }
0x2aa: {  	v63 =	vld [tilespmem:$0x1FFF0]  }
0x2ab: {  	s14 =	sadd.s32 $0x20, s14;
	v62 =	vld [tilespmem:s13+$0x1E0]  }
0x2ac: {  	p0 =	slt.u32 s14, $0x60;
	[tilespmem:v48+s3+$0x0] =	vst.idx.add.f32.msk $0xffff, v60  }
.Ltmp1:
0x2ad: {  	[tilespmem:v48+s4+$0x0] =	vst.idx.add.f32.msk $0xffff, v61;
	(pc) =	sbr.rel @p0 .LBB2_6-.Ltmp1, $4  }
0x2ae: {  	[tilespmem:v48+s12+$0x0] =	vst.idx.add.f32.msk $0xffff, v17  }
0x2af: {  	[tilespmem:v51+s3+$0x0] =	vst.idx.add.f32.msk $0xffff, v63  }
0x2b0: {  	[tilespmem:v51+s4+$0x0] =	vst.idx.add.f32.msk $0xffff, v62  }
0x2b1: {  	s15 =	sadd.s32 $0x400, s15;
	[tilespmem:v51+s12+$0x0] =	vst.idx.add.f32.msk $0xffff, v17  }
0x2b2: {  	s10 =	sadd.s32 $0x1, s10  }
0x2b3: {  	s13 =	sshll.u32 s10, $0xF  }
0x2b4: {  	s14 =	sor.u32 s5, s13  }
0x2b5: {  	s14 =	sshrl.u32 s14, $0x3  }
0x2b6: {  	s14 =	sadd.s32 s2, s14  }
0x2b7: {  	[tilespmem:s17], [sflag:$0x1] =	stream.linear.gather [hbm4b:s14+s3], $0x80, $0x38;
	[tilespmem:$0x1DB80] =	vst v63  }
0x2b8: {  	s16 =	simm.s32 $0x1AC80;
	s15 =	sadd.s32 $0x80, s14  }
0x2b9: {  	[tilespmem:s16], [sflag:$0x1] =	stream.linear.gather [hbm4b:s15+s3], $0x80, $0x38;
	[tilespmem:$0x1DB80] =	vst v63  }
0x2ba: {  	s18 =	simm.s32 $0x1AD80;
	s16 =	sadd.s32 $0x100, s14  }
0x2bb: {  	[tilespmem:s18], [sflag:$0x1] =	stream.linear.gather [hbm4b:s16+s3], $0x80, $0x38;
	[tilespmem:$0x1DB80] =	vst v63  }
0x2bc: {  	s16 =	sadd.s32 $0x180, s14;
	s18 =	simm.s32 $0x1AE80  }
0x2bd: {  	[tilespmem:s18], [sflag:$0x1] =	stream.linear.gather [hbm4b:s16+s3], $0x80, $0x38;
	[tilespmem:$0x1DB80] =	vst v63  }
0x2be: {  	s16 =	sadd.s32 $0x200, s14;
	s18 =	simm.s32 $0x1AF80  }
0x2bf: {  	[tilespmem:s18], [sflag:$0x1] =	stream.linear.gather [hbm4b:s16+s3], $0x80, $0x38;
	[tilespmem:$0x1DB80] =	vst v63  }
0x2c0: {  	s16 =	sadd.s32 $0x280, s14;
	s18 =	simm.s32 $0x1B080  }
0x2c1: {  	[tilespmem:s18], [sflag:$0x1] =	stream.linear.gather [hbm4b:s16+s3], $0x80, $0x38;
	[tilespmem:$0x1DB80] =	vst v63  }
0x2c2: {  	s16 =	sadd.s32 $0x300, s14;
	s18 =	simm.s32 $0x1B180  }
0x2c3: {  	[tilespmem:s18], [sflag:$0x1] =	stream.linear.gather [hbm4b:s16+s3], $0x80, $0x38;
	[tilespmem:$0x1DB80] =	vst v63  }
0x2c4: {  	s16 =	sadd.s32 $0x380, s14;
	s18 =	simm.s32 $0x1B280  }
0x2c5: {  	[tilespmem:s18], [sflag:$0x1] =	stream.linear.gather [hbm4b:s16+s3], $0x80, $0x38;
	[tilespmem:$0x1DB80] =	vst v63  }
0x2c6: {  	s16 =	sadd.s32 $0x400, s14;
	s18 =	simm.s32 $0x1B380  }
0x2c7: {  	[tilespmem:s18], [sflag:$0x1] =	stream.linear.gather [hbm4b:s16+s3], $0x80, $0x38;
	[tilespmem:$0x1DB80] =	vst v63  }
0x2c8: {  	s16 =	sadd.s32 $0x480, s14;
	s18 =	simm.s32 $0x1B480  }
0x2c9: {  	[tilespmem:s18], [sflag:$0x1] =	stream.linear.gather [hbm4b:s16+s3], $0x80, $0x38;
	[tilespmem:$0x1DB80] =	vst v63  }
0x2ca: {  	s16 =	sadd.s32 $0x500, s14;
	s18 =	simm.s32 $0x1B580  }
0x2cb: {  	[tilespmem:s18], [sflag:$0x1] =	stream.linear.gather [hbm4b:s16+s3], $0x80, $0x38;
	[tilespmem:$0x1DB80] =	vst v63  }
0x2cc: {  	s16 =	sadd.s32 $0x580, s14;
	s18 =	simm.s32 $0x1B680  }
0x2cd: {  	[tilespmem:s18], [sflag:$0x1] =	stream.linear.gather [hbm4b:s16+s3], $0x80, $0x38;
	[tilespmem:$0x1DB80] =	vst v63  }
0x2ce: {  	s16 =	sadd.s32 $0x600, s14;
	s18 =	simm.s32 $0x1B780  }
0x2cf: {  	[tilespmem:s18], [sflag:$0x1] =	stream.linear.gather [hbm4b:s16+s3], $0x80, $0x38;
	[tilespmem:$0x1DB80] =	vst v63  }
0x2d0: {  	s16 =	sadd.s32 $0x680, s14;
	s18 =	simm.s32 $0x1B880  }
0x2d1: {  	[tilespmem:s18], [sflag:$0x1] =	stream.linear.gather [hbm4b:s16+s3], $0x80, $0x38;
	[tilespmem:$0x1DB80] =	vst v63  }
0x2d2: {  	s16 =	sadd.s32 $0x700, s14;
	s18 =	simm.s32 $0x1B980  }
0x2d3: {  	[tilespmem:s18], [sflag:$0x1] =	stream.linear.gather [hbm4b:s16+s3], $0x80, $0x38;
	[tilespmem:$0x1DB80] =	vst v63  }
0x2d4: {  	s14 =	sadd.s32 $0x780, s14;
	s18 =	simm.s32 $0x1BA80  }
0x2d5: {  	[tilespmem:s18], [sflag:$0x1] =	stream.linear.gather [hbm4b:s14+s3], $0x80, $0x38;
	[tilespmem:$0x1DB80] =	vst v63  }
0x2d6: {  	s14 =	sadd.s32 s11, s13  }
0x2d7: {  	s16 =	sor.u32 s7, s14  }
0x2d8: {  	s15 =	sshrl.u32 s16, $0x3  }
0x2d9: {  	s18 =	simm.s32 $0x1BB80;
	s15 =	sadd.s32 s1, s15  }
0x2da: {  	[tilespmem:s18], [sflag:$0x1] =	stream.linear.gather [hbm4b:s15+s3], $0x80, $0x38;
	[tilespmem:$0x1DB80] =	vst v63  }
0x2db: {  	s16 =	sadd.s32 $0x80, s15;
	s18 =	simm.s32 $0x1BC80  }
0x2dc: {  	[tilespmem:s18], [sflag:$0x1] =	stream.linear.gather [hbm4b:s16+s3], $0x80, $0x38;
	[tilespmem:$0x1DB80] =	vst v63  }
0x2dd: {  	s16 =	sadd.s32 $0x100, s15;
	s18 =	simm.s32 $0x1BD80  }
0x2de: {  	[tilespmem:s18], [sflag:$0x1] =	stream.linear.gather [hbm4b:s16+s3], $0x80, $0x38;
	[tilespmem:$0x1DB80] =	vst v63  }
0x2df: {  	s16 =	sadd.s32 $0x180, s15;
	s18 =	simm.s32 $0x1BE80  }
0x2e0: {  	[tilespmem:s18], [sflag:$0x1] =	stream.linear.gather [hbm4b:s16+s3], $0x80, $0x38;
	[tilespmem:$0x1DB80] =	vst v63  }
0x2e1: {  	s16 =	sadd.s32 $0x200, s15;
	s18 =	simm.s32 $0x1BF80  }
0x2e2: {  	[tilespmem:s18], [sflag:$0x1] =	stream.linear.gather [hbm4b:s16+s3], $0x80, $0x38;
	[tilespmem:$0x1DB80] =	vst v63  }
0x2e3: {  	s16 =	sadd.s32 $0x280, s15;
	s18 =	simm.s32 $0x1C080  }
0x2e4: {  	[tilespmem:s18], [sflag:$0x1] =	stream.linear.gather [hbm4b:s16+s3], $0x80, $0x38;
	[tilespmem:$0x1DB80] =	vst v63  }
0x2e5: {  	s16 =	sadd.s32 $0x300, s15;
	s18 =	simm.s32 $0x1C180  }
0x2e6: {  	[tilespmem:s18], [sflag:$0x1] =	stream.linear.gather [hbm4b:s16+s3], $0x80, $0x38;
	[tilespmem:$0x1DB80] =	vst v63  }
0x2e7: {  	s16 =	sadd.s32 $0x380, s15;
	s18 =	simm.s32 $0x1C280  }
0x2e8: {  	[tilespmem:s18], [sflag:$0x1] =	stream.linear.gather [hbm4b:s16+s3], $0x80, $0x38;
	[tilespmem:$0x1DB80] =	vst v63  }
0x2e9: {  	s16 =	sadd.s32 $0x400, s15;
	s18 =	simm.s32 $0x1C380  }
0x2ea: {  	[tilespmem:s18], [sflag:$0x1] =	stream.linear.gather [hbm4b:s16+s3], $0x80, $0x38;
	[tilespmem:$0x1DB80] =	vst v63  }
0x2eb: {  	s16 =	sadd.s32 $0x480, s15;
	s18 =	simm.s32 $0x1C480  }
0x2ec: {  	[tilespmem:s18], [sflag:$0x1] =	stream.linear.gather [hbm4b:s16+s3], $0x80, $0x38;
	[tilespmem:$0x1DB80] =	vst v63  }
0x2ed: {  	s16 =	sadd.s32 $0x500, s15;
	s18 =	simm.s32 $0x1C580  }
0x2ee: {  	[tilespmem:s18], [sflag:$0x1] =	stream.linear.gather [hbm4b:s16+s3], $0x80, $0x38;
	[tilespmem:$0x1DB80] =	vst v63  }
0x2ef: {  	s16 =	sadd.s32 $0x580, s15;
	s18 =	simm.s32 $0x1C680  }
0x2f0: {  	[tilespmem:s18], [sflag:$0x1] =	stream.linear.gather [hbm4b:s16+s3], $0x80, $0x38;
	[tilespmem:$0x1DB80] =	vst v63  }
0x2f1: {  	s16 =	sadd.s32 $0x600, s15;
	s18 =	simm.s32 $0x1C780  }
0x2f2: {  	[tilespmem:s18], [sflag:$0x1] =	stream.linear.gather [hbm4b:s16+s3], $0x80, $0x38;
	[tilespmem:$0x1DB80] =	vst v63  }
0x2f3: {  	s16 =	sadd.s32 $0x680, s15;
	s18 =	simm.s32 $0x1C880  }
0x2f4: {  	[tilespmem:s18], [sflag:$0x1] =	stream.linear.gather [hbm4b:s16+s3], $0x80, $0x38;
	[tilespmem:$0x1DB80] =	vst v63  }
0x2f5: {  	s14 =	sor.u32 s8, s14;
	s16 =	sadd.s32 $0x700, s15;
	s18 =	simm.s32 $0x1C980  }
0x2f6: {  	[tilespmem:s18], [sflag:$0x1] =	stream.linear.gather [hbm4b:s16+s3], $0x80, $0x38;
	[tilespmem:$0x1DB80] =	vst v63  }
0x2f7: {  	s14 =	sshrl.u32 s14, $0x3;
	s15 =	sadd.s32 $0x780, s15;
	s18 =	simm.s32 $0x1CA80  }
0x2f8: {  	[tilespmem:s18], [sflag:$0x1] =	stream.linear.gather [hbm4b:s15+s3], $0x80, $0x38;
	[tilespmem:$0x1DB80] =	vst v63  }
0x2f9: {  	s14 =	sadd.s32 s1, s14;
	s18 =	simm.s32 $0x1BC00  }
0x2fa: {  	[tilespmem:s18], [sflag:$0x1] =	stream.linear.gather [hbm4b:s14+s3], $0x80, $0x38;
	[tilespmem:$0x1DB80] =	vst v63  }
0x2fb: {  	s16 =	sadd.s32 $0x80, s14;
	s18 =	simm.s32 $0x1BD00  }
0x2fc: {  	[tilespmem:s18], [sflag:$0x1] =	stream.linear.gather [hbm4b:s16+s3], $0x80, $0x38;
	[tilespmem:$0x1DB80] =	vst v63  }
0x2fd: {  	s16 =	sadd.s32 $0x100, s14;
	s18 =	simm.s32 $0x1BE00  }
0x2fe: {  	[tilespmem:s18], [sflag:$0x1] =	stream.linear.gather [hbm4b:s16+s3], $0x80, $0x38;
	[tilespmem:$0x1DB80] =	vst v63  }
0x2ff: {  	s16 =	sadd.s32 $0x180, s14;
	s18 =	simm.s32 $0x1BF00  }
0x300: {  	[tilespmem:s18], [sflag:$0x1] =	stream.linear.gather [hbm4b:s16+s3], $0x80, $0x38;
	[tilespmem:$0x1DB80] =	vst v63  }
0x301: {  	s16 =	sadd.s32 $0x200, s14;
	s18 =	simm.s32 $0x1C000  }
0x302: {  	[tilespmem:s18], [sflag:$0x1] =	stream.linear.gather [hbm4b:s16+s3], $0x80, $0x38;
	[tilespmem:$0x1DB80] =	vst v63  }
0x303: {  	s16 =	sadd.s32 $0x280, s14;
	s18 =	simm.s32 $0x1C100  }
0x304: {  	[tilespmem:s18], [sflag:$0x1] =	stream.linear.gather [hbm4b:s16+s3], $0x80, $0x38;
	[tilespmem:$0x1DB80] =	vst v63  }
0x305: {  	s16 =	sadd.s32 $0x300, s14;
	s18 =	simm.s32 $0x1C200  }
0x306: {  	[tilespmem:s18], [sflag:$0x1] =	stream.linear.gather [hbm4b:s16+s3], $0x80, $0x38;
	[tilespmem:$0x1DB80] =	vst v63  }
0x307: {  	s16 =	sadd.s32 $0x380, s14;
	s18 =	simm.s32 $0x1C300  }
0x308: {  	[tilespmem:s18], [sflag:$0x1] =	stream.linear.gather [hbm4b:s16+s3], $0x80, $0x38;
	[tilespmem:$0x1DB80] =	vst v63  }
0x309: {  	s16 =	sadd.s32 $0x400, s14;
	s18 =	simm.s32 $0x1C400  }
0x30a: {  	[tilespmem:s18], [sflag:$0x1] =	stream.linear.gather [hbm4b:s16+s3], $0x80, $0x38;
	[tilespmem:$0x1DB80] =	vst v63  }
0x30b: {  	s16 =	sadd.s32 $0x480, s14;
	s18 =	simm.s32 $0x1C500  }
0x30c: {  	[tilespmem:s18], [sflag:$0x1] =	stream.linear.gather [hbm4b:s16+s3], $0x80, $0x38;
	[tilespmem:$0x1DB80] =	vst v63  }
0x30d: {  	s16 =	sadd.s32 $0x500, s14;
	s18 =	simm.s32 $0x1C600  }
0x30e: {  	[tilespmem:s18], [sflag:$0x1] =	stream.linear.gather [hbm4b:s16+s3], $0x80, $0x38;
	[tilespmem:$0x1DB80] =	vst v63  }
0x30f: {  	s16 =	sadd.s32 $0x580, s14;
	s18 =	simm.s32 $0x1C700  }
0x310: {  	[tilespmem:s18], [sflag:$0x1] =	stream.linear.gather [hbm4b:s16+s3], $0x80, $0x38;
	[tilespmem:$0x1DB80] =	vst v63  }
0x311: {  	s16 =	sadd.s32 $0x600, s14;
	s18 =	simm.s32 $0x1C800  }
0x312: {  	[tilespmem:s18], [sflag:$0x1] =	stream.linear.gather [hbm4b:s16+s3], $0x80, $0x38;
	[tilespmem:$0x1DB80] =	vst v63  }
0x313: {  	s16 =	sadd.s32 $0x680, s14;
	s18 =	simm.s32 $0x1C900  }
0x314: {  	[tilespmem:s18], [sflag:$0x1] =	stream.linear.gather [hbm4b:s16+s3], $0x80, $0x38;
	[tilespmem:$0x1DB80] =	vst v63  }
0x315: {  	s16 =	sadd.s32 $0x700, s14;
	s18 =	simm.s32 $0x1CA00  }
0x316: {  	[tilespmem:s18], [sflag:$0x1] =	stream.linear.gather [hbm4b:s16+s3], $0x80, $0x38;
	[tilespmem:$0x1DB80] =	vst v63  }
0x317: {  	s14 =	sadd.s32 $0x780, s14;
	s16 =	simm.s32 $0x1CB00  }
0x318: {  	[tilespmem:s16], [sflag:$0x1] =	stream.linear.gather [hbm4b:s14+s3], $0x80, $0x38;
	[tilespmem:$0x1DB80] =	vst v63  }
0x319: {  	_ =	swait.ge [sflag:s6], $0x800  }
0x31a: {  	[sflag:s6] =	ssyncset.done $0x0  }
0x31b: {  	[sflag:s6] =	ssyncadd.s32 $0xFFFFF800  }
0x31c: {  	_ =	swait.ge [sflag:s6], $0x800  }
0x31d: {  	[sflag:s6] =	ssyncset.done $0x0  }
0x31e: {  	[sflag:s6] =	ssyncadd.s32 $0xFFFFF800  }
0x31f: {  	_ =	swait.ge [sflag:s6], $0x800  }
0x320: {  	[sflag:s6] =	ssyncset.done $0x0  }
0x321: {  	s18 =	simm.s32 $0x1AE00;
	[sflag:s6] =	ssyncadd.s32 $0xFFFFF800  }
0x322: {  	s14 =	simm.s32 $0x1CF70;
	v0 =	vld [tilespmem:s18+$0x170]  }
0x323: {  	v1 =	vld [tilespmem:s14+$0xFFFFFF80]  }
0x324: {  	v2 =	vld [tilespmem:s18+$0xFFFFFE10]  }
0x325: {  	v3 =	vld [tilespmem:s14+$0x0]  }
0x326: {  	v4 =	vld [tilespmem:s18+$0xFFFFFE00]  }
0x327: {  	v5 =	vld [tilespmem:s18+$0xFFFFFE20]  }
0x328: {  	v25 =	vld [tilespmem:s14+$0xFFFFFC10]  }
0x329: {  	v26 =	vld [tilespmem:s14+$0xFFFFFC90]  }
0x32a: {  	v27 =	vld [tilespmem:s18+$0xFFFFFE30]  }
0x32b: {  	v28 =	vld [tilespmem:s14+$0xFFFFFC20]  }
0x32c: {  	v29 =	vld [tilespmem:s14+$0xFFFFFCA0]  }
0x32d: {  	v30 =	vld [tilespmem:s18+$0xFFFFFE40]  }
0x32e: {  	v31 =	vld [tilespmem:s14+$0xFFFFFC30]  }
0x32f: {  	v32 =	vld [tilespmem:s14+$0xFFFFFCB0]  }
0x330: {  	v33 =	vld [tilespmem:s18+$0xFFFFFE50]  }
0x331: {  	v34 =	vld [tilespmem:s14+$0xFFFFFC40]  }
0x332: {  	v35 =	vld [tilespmem:s14+$0xFFFFFCC0]  }
0x333: {  	v36 =	vld [tilespmem:s18+$0xFFFFFE60]  }
0x334: {  	v37 =	vld [tilespmem:s14+$0xFFFFFC50]  }
0x335: {  	v38 =	vld [tilespmem:s14+$0xFFFFFCD0]  }
0x336: {  	v39 =	vld [tilespmem:s18+$0xFFFFFE70]  }
0x337: {  	v40 =	vld [tilespmem:s14+$0xFFFFFC60]  }
0x338: {  	v41 =	vld [tilespmem:s14+$0xFFFFFCE0]  }
0x339: {  	v42 =	vld [tilespmem:s18+$0xFFFFFF00]  }
0x33a: {  	v43 =	vld [tilespmem:s14+$0xFFFFFC70]  }
0x33b: {  	v44 =	vld [tilespmem:s14+$0xFFFFFCF0]  }
0x33c: {  	v45 =	vld [tilespmem:s18+$0xFFFFFF10]  }
0x33d: {  	v46 =	vld [tilespmem:s14+$0xFFFFFC80]  }
0x33e: {  	v47 =	vld [tilespmem:s14+$0xFFFFFD00]  }
0x33f: {  	v48 =	vld [tilespmem:s18+$0xFFFFFF20]  }
0x340: {  	v49 =	vld [tilespmem:s14+$0xFFFFFD10]  }
0x341: {  	v50 =	vld [tilespmem:s14+$0xFFFFFD90]  }
0x342: {  	v51 =	vld [tilespmem:s18+$0xFFFFFF30]  }
0x343: {  	v52 =	vld [tilespmem:s14+$0xFFFFFD20]  }
0x344: {  	v53 =	vld [tilespmem:s14+$0xFFFFFDA0]  }
0x345: {  	v54 =	vld [tilespmem:s18+$0xFFFFFF40]  }
0x346: {  	v55 =	vld [tilespmem:s14+$0xFFFFFD30]  }
0x347: {  	v56 =	vld [tilespmem:s14+$0xFFFFFDB0]  }
0x348: {  	v57 =	vld [tilespmem:s18+$0xFFFFFF50]  }
0x349: {  	v58 =	vld [tilespmem:s14+$0xFFFFFD40]  }
0x34a: {  	v59 =	vld [tilespmem:s14+$0xFFFFFDC0]  }
0x34b: {  	v60 =	vld [tilespmem:s18+$0xFFFFFF60]  }
0x34c: {  	v61 =	vld [tilespmem:s14+$0xFFFFFD50]  }
0x34d: {  	v62 =	vld [tilespmem:s14+$0xFFFFFDD0]  }
0x34e: {  	v63 =	vld [tilespmem:s18+$0xFFFFFF70]  }
0x34f: {  	v8 =	vld [tilespmem:s14+$0xFFFFFD60]  }
0x350: {  	v9 =	vld [tilespmem:s14+$0xFFFFFDE0]  }
0x351: {  	v10 =	vld [tilespmem:s18+$0x0]  }
0x352: {  	v11 =	vld [tilespmem:s14+$0xFFFFFD70]  }
0x353: {  	v12 =	vld [tilespmem:s14+$0xFFFFFDF0]  }
0x354: {  	v13 =	vld [tilespmem:s18+$0x10]  }
0x355: {  	v14 =	vld [tilespmem:s14+$0xFFFFFD80]  }
0x356: {  	v20 =	vld [tilespmem:s14+$0xFFFFFE00]  }
0x357: {  	v21 =	vld [tilespmem:s18+$0x20]  }
0x358: {  	v22 =	vld [tilespmem:s14+$0xFFFFFE10]  }
0x359: {  	v23 =	vld [tilespmem:s14+$0xFFFFFE90]  }
0x35a: {  	v24 =	vld [tilespmem:s18+$0x30]  }
0x35b: {  	[tilespmem:v0+s3+$0x0] =	vst.idx.add.f32.msk $0xffff, v1  }
0x35c: {  	[tilespmem:v4+s3+$0x0] =	vst.idx.add.f32.msk $0xffff, v25  }
0x35d: {  	[tilespmem:v2+s3+$0x0] =	vst.idx.add.f32.msk $0xffff, v28  }
0x35e: {  	[tilespmem:v5+s3+$0x0] =	vst.idx.add.f32.msk $0xffff, v31  }
0x35f: {  	[tilespmem:v27+s3+$0x0] =	vst.idx.add.f32.msk $0xffff, v34  }
0x360: {  	[tilespmem:v30+s3+$0x0] =	vst.idx.add.f32.msk $0xffff, v37  }
0x361: {  	[tilespmem:v33+s3+$0x0] =	vst.idx.add.f32.msk $0xffff, v40  }
0x362: {  	[tilespmem:v36+s3+$0x0] =	vst.idx.add.f32.msk $0xffff, v43  }
0x363: {  	[tilespmem:v39+s3+$0x0] =	vst.idx.add.f32.msk $0xffff, v46  }
0x364: {  	[tilespmem:v42+s3+$0x0] =	vst.idx.add.f32.msk $0xffff, v49  }
0x365: {  	[tilespmem:v45+s3+$0x0] =	vst.idx.add.f32.msk $0xffff, v52  }
0x366: {  	[tilespmem:v48+s3+$0x0] =	vst.idx.add.f32.msk $0xffff, v55  }
0x367: {  	[tilespmem:v51+s3+$0x0] =	vst.idx.add.f32.msk $0xffff, v58  }
0x368: {  	[tilespmem:v54+s3+$0x0] =	vst.idx.add.f32.msk $0xffff, v61  }
0x369: {  	[tilespmem:v57+s3+$0x0] =	vst.idx.add.f32.msk $0xffff, v8  }
0x36a: {  	[tilespmem:v60+s3+$0x0] =	vst.idx.add.f32.msk $0xffff, v11  }
0x36b: {  	[tilespmem:v63+s3+$0x0] =	vst.idx.add.f32.msk $0xffff, v14  }
0x36c: {  	[tilespmem:v10+s3+$0x0] =	vst.idx.add.f32.msk $0xffff, v22  }
0x36d: {  	v25 =	vld [tilespmem:s14+$0xFFFFFE20]  }
0x36e: {  	v28 =	vld [tilespmem:s14+$0xFFFFFE30]  }
0x36f: {  	v31 =	vld [tilespmem:s14+$0xFFFFFE40]  }
0x370: {  	v34 =	vld [tilespmem:s14+$0xFFFFFE50]  }
0x371: {  	v37 =	vld [tilespmem:s14+$0xFFFFFE60]  }
0x372: {  	v40 =	vld [tilespmem:s14+$0xFFFFFE70]  }
0x373: {  	v43 =	vld [tilespmem:s14+$0xFFFFFE80]  }
0x374: {  	v46 =	vld [tilespmem:s14+$0xFFFFFF10]  }
0x375: {  	v49 =	vld [tilespmem:s14+$0xFFFFFF20]  }
0x376: {  	v52 =	vld [tilespmem:s14+$0xFFFFFF30]  }
0x377: {  	v55 =	vld [tilespmem:s14+$0xFFFFFF40]  }
0x378: {  	v58 =	vld [tilespmem:s14+$0xFFFFFF50]  }
0x379: {  	v61 =	vld [tilespmem:s14+$0xFFFFFFE0]  }
0x37a: {  	[tilespmem:v0+s4+$0x0] =	vst.idx.add.f32.msk $0xffff, v3  }
0x37b: {  	[tilespmem:v4+s4+$0x0] =	vst.idx.add.f32.msk $0xffff, v26  }
0x37c: {  	[tilespmem:v2+s4+$0x0] =	vst.idx.add.f32.msk $0xffff, v29  }
0x37d: {  	[tilespmem:v5+s4+$0x0] =	vst.idx.add.f32.msk $0xffff, v32  }
0x37e: {  	[tilespmem:v27+s4+$0x0] =	vst.idx.add.f32.msk $0xffff, v35  }
0x37f: {  	[tilespmem:v30+s4+$0x0] =	vst.idx.add.f32.msk $0xffff, v38  }
0x380: {  	[tilespmem:v33+s4+$0x0] =	vst.idx.add.f32.msk $0xffff, v41  }
0x381: {  	[tilespmem:v36+s4+$0x0] =	vst.idx.add.f32.msk $0xffff, v44  }
0x382: {  	[tilespmem:v39+s4+$0x0] =	vst.idx.add.f32.msk $0xffff, v47  }
0x383: {  	[tilespmem:v42+s4+$0x0] =	vst.idx.add.f32.msk $0xffff, v50  }
0x384: {  	[tilespmem:v45+s4+$0x0] =	vst.idx.add.f32.msk $0xffff, v53  }
0x385: {  	[tilespmem:v48+s4+$0x0] =	vst.idx.add.f32.msk $0xffff, v56  }
0x386: {  	[tilespmem:v51+s4+$0x0] =	vst.idx.add.f32.msk $0xffff, v59  }
0x387: {  	[tilespmem:v54+s4+$0x0] =	vst.idx.add.f32.msk $0xffff, v62  }
0x388: {  	[tilespmem:v57+s4+$0x0] =	vst.idx.add.f32.msk $0xffff, v9  }
0x389: {  	[tilespmem:v60+s4+$0x0] =	vst.idx.add.f32.msk $0xffff, v12  }
0x38a: {  	[tilespmem:v63+s4+$0x0] =	vst.idx.add.f32.msk $0xffff, v20  }
0x38b: {  	[tilespmem:v10+s4+$0x0] =	vst.idx.add.f32.msk $0xffff, v23  }
0x38c: {  	v26 =	vld [tilespmem:s14+$0xFFFFFEA0]  }
0x38d: {  	v29 =	vld [tilespmem:s14+$0xFFFFFEB0]  }
0x38e: {  	v32 =	vld [tilespmem:s14+$0xFFFFFEC0]  }
0x38f: {  	v35 =	vld [tilespmem:s14+$0xFFFFFED0]  }
0x390: {  	v38 =	vld [tilespmem:s14+$0xFFFFFEE0]  }
0x391: {  	v41 =	vld [tilespmem:s14+$0xFFFFFEF0]  }
0x392: {  	v44 =	vld [tilespmem:s14+$0xFFFFFF00]  }
0x393: {  	v47 =	vld [tilespmem:s14+$0xFFFFFF90]  }
0x394: {  	v50 =	vld [tilespmem:s14+$0xFFFFFFA0]  }
0x395: {  	v53 =	vld [tilespmem:s14+$0xFFFFFFB0]  }
0x396: {  	v56 =	vld [tilespmem:s14+$0xFFFFFFC0]  }
0x397: {  	v59 =	vld [tilespmem:s14+$0xFFFFFFD0]  }
0x398: {  	v62 =	vld [tilespmem:s14+$0xFFFFFF70]  }
0x399: {  	[tilespmem:v0+s12+$0x0] =	vst.idx.add.f32.msk $0xffff, v17  }
0x39a: {  	[tilespmem:v4+s12+$0x0] =	vst.idx.add.f32.msk $0xffff, v17  }
0x39b: {  	[tilespmem:v2+s12+$0x0] =	vst.idx.add.f32.msk $0xffff, v17  }
0x39c: {  	[tilespmem:v5+s12+$0x0] =	vst.idx.add.f32.msk $0xffff, v17  }
0x39d: {  	[tilespmem:v27+s12+$0x0] =	vst.idx.add.f32.msk $0xffff, v17  }
0x39e: {  	[tilespmem:v30+s12+$0x0] =	vst.idx.add.f32.msk $0xffff, v17  }
0x39f: {  	[tilespmem:v33+s12+$0x0] =	vst.idx.add.f32.msk $0xffff, v17  }
0x3a0: {  	[tilespmem:v36+s12+$0x0] =	vst.idx.add.f32.msk $0xffff, v17  }
0x3a1: {  	[tilespmem:v39+s12+$0x0] =	vst.idx.add.f32.msk $0xffff, v17  }
0x3a2: {  	[tilespmem:v42+s12+$0x0] =	vst.idx.add.f32.msk $0xffff, v17  }
0x3a3: {  	[tilespmem:v45+s12+$0x0] =	vst.idx.add.f32.msk $0xffff, v17  }
0x3a4: {  	[tilespmem:v48+s12+$0x0] =	vst.idx.add.f32.msk $0xffff, v17  }
0x3a5: {  	[tilespmem:v51+s12+$0x0] =	vst.idx.add.f32.msk $0xffff, v17  }
0x3a6: {  	[tilespmem:v54+s12+$0x0] =	vst.idx.add.f32.msk $0xffff, v17  }
0x3a7: {  	[tilespmem:v57+s12+$0x0] =	vst.idx.add.f32.msk $0xffff, v17  }
0x3a8: {  	[tilespmem:v60+s12+$0x0] =	vst.idx.add.f32.msk $0xffff, v17  }
0x3a9: {  	[tilespmem:v63+s12+$0x0] =	vst.idx.add.f32.msk $0xffff, v17  }
0x3aa: {  	[tilespmem:v10+s12+$0x0] =	vst.idx.add.f32.msk $0xffff, v17  }
0x3ab: {  	v27 =	vld [tilespmem:s18+$0x40]  }
0x3ac: {  	v30 =	vld [tilespmem:s18+$0x50]  }
0x3ad: {  	v33 =	vld [tilespmem:s18+$0x60]  }
0x3ae: {  	v36 =	vld [tilespmem:s18+$0x70]  }
0x3af: {  	v39 =	vld [tilespmem:s18+$0x100]  }
0x3b0: {  	v42 =	vld [tilespmem:s18+$0x110]  }
0x3b1: {  	v45 =	vld [tilespmem:s18+$0x120]  }
0x3b2: {  	v48 =	vld [tilespmem:s18+$0x130]  }
0x3b3: {  	v51 =	vld [tilespmem:s18+$0x140]  }
0x3b4: {  	v54 =	vld [tilespmem:s18+$0x150]  }
0x3b5: {  	v57 =	vld [tilespmem:s18+$0x160]  }
0x3b6: {  	v60 =	vld [tilespmem:s14+$0xFFFFFF60]  }
0x3b7: {  	v63 =	vld [tilespmem:s14+$0xFFFFFFF0]  }
0x3b8: {  	[tilespmem:v13+s3+$0x0] =	vst.idx.add.f32.msk $0xffff, v25  }
0x3b9: {  	[tilespmem:v21+s3+$0x0] =	vst.idx.add.f32.msk $0xffff, v28  }
0x3ba: {  	[tilespmem:v24+s3+$0x0] =	vst.idx.add.f32.msk $0xffff, v31  }
0x3bb: {  	[tilespmem:v13+s4+$0x0] =	vst.idx.add.f32.msk $0xffff, v26  }
0x3bc: {  	[tilespmem:v21+s4+$0x0] =	vst.idx.add.f32.msk $0xffff, v29  }
0x3bd: {  	[tilespmem:v24+s4+$0x0] =	vst.idx.add.f32.msk $0xffff, v32  }
0x3be: {  	[tilespmem:v13+s12+$0x0] =	vst.idx.add.f32.msk $0xffff, v17  }
0x3bf: {  	[tilespmem:v21+s12+$0x0] =	vst.idx.add.f32.msk $0xffff, v17  }
0x3c0: {  	[tilespmem:v24+s12+$0x0] =	vst.idx.add.f32.msk $0xffff, v17  }
0x3c1: {  	[tilespmem:v27+s3+$0x0] =	vst.idx.add.f32.msk $0xffff, v34  }
0x3c2: {  	[tilespmem:v30+s3+$0x0] =	vst.idx.add.f32.msk $0xffff, v37  }
0x3c3: {  	[tilespmem:v33+s3+$0x0] =	vst.idx.add.f32.msk $0xffff, v40  }
0x3c4: {  	[tilespmem:v36+s3+$0x0] =	vst.idx.add.f32.msk $0xffff, v43  }
0x3c5: {  	[tilespmem:v39+s3+$0x0] =	vst.idx.add.f32.msk $0xffff, v46  }
0x3c6: {  	[tilespmem:v42+s3+$0x0] =	vst.idx.add.f32.msk $0xffff, v49  }
0x3c7: {  	[tilespmem:v45+s3+$0x0] =	vst.idx.add.f32.msk $0xffff, v52  }
0x3c8: {  	[tilespmem:v48+s3+$0x0] =	vst.idx.add.f32.msk $0xffff, v55  }
0x3c9: {  	[tilespmem:v51+s3+$0x0] =	vst.idx.add.f32.msk $0xffff, v58  }
0x3ca: {  	[tilespmem:v54+s3+$0x0] =	vst.idx.add.f32.msk $0xffff, v60  }
0x3cb: {  	[tilespmem:v57+s3+$0x0] =	vst.idx.add.f32.msk $0xffff, v62  }
0x3cc: {  	[tilespmem:v27+s4+$0x0] =	vst.idx.add.f32.msk $0xffff, v35  }
0x3cd: {  	[tilespmem:v30+s4+$0x0] =	vst.idx.add.f32.msk $0xffff, v38  }
0x3ce: {  	[tilespmem:v33+s4+$0x0] =	vst.idx.add.f32.msk $0xffff, v41  }
0x3cf: {  	[tilespmem:v36+s4+$0x0] =	vst.idx.add.f32.msk $0xffff, v44  }
0x3d0: {  	[tilespmem:v39+s4+$0x0] =	vst.idx.add.f32.msk $0xffff, v47  }
0x3d1: {  	[tilespmem:v42+s4+$0x0] =	vst.idx.add.f32.msk $0xffff, v50  }
0x3d2: {  	[tilespmem:v45+s4+$0x0] =	vst.idx.add.f32.msk $0xffff, v53  }
0x3d3: {  	[tilespmem:v48+s4+$0x0] =	vst.idx.add.f32.msk $0xffff, v56  }
0x3d4: {  	[tilespmem:v51+s4+$0x0] =	vst.idx.add.f32.msk $0xffff, v59  }
0x3d5: {  	[tilespmem:v54+s4+$0x0] =	vst.idx.add.f32.msk $0xffff, v61  }
0x3d6: {  	[tilespmem:v57+s4+$0x0] =	vst.idx.add.f32.msk $0xffff, v63  }
0x3d7: {  	[tilespmem:v27+s12+$0x0] =	vst.idx.add.f32.msk $0xffff, v17  }
0x3d8: {  	[tilespmem:v30+s12+$0x0] =	vst.idx.add.f32.msk $0xffff, v17  }
0x3d9: {  	[tilespmem:v33+s12+$0x0] =	vst.idx.add.f32.msk $0xffff, v17  }
0x3da: {  	[tilespmem:v36+s12+$0x0] =	vst.idx.add.f32.msk $0xffff, v17  }
0x3db: {  	[tilespmem:v39+s12+$0x0] =	vst.idx.add.f32.msk $0xffff, v17  }
0x3dc: {  	[tilespmem:v42+s12+$0x0] =	vst.idx.add.f32.msk $0xffff, v17  }
0x3dd: {  	[tilespmem:v45+s12+$0x0] =	vst.idx.add.f32.msk $0xffff, v17  }
0x3de: {  	[tilespmem:v48+s12+$0x0] =	vst.idx.add.f32.msk $0xffff, v17  }
0x3df: {  	[tilespmem:v51+s12+$0x0] =	vst.idx.add.f32.msk $0xffff, v17  }
0x3e0: {  	[tilespmem:v54+s12+$0x0] =	vst.idx.add.f32.msk $0xffff, v17  }
0x3e1: {  	s15 =	simm.s32 $0x0;
	s16 =	simm.s32 $0x1B200;
	[tilespmem:v57+s12+$0x0] =	vst.idx.add.f32.msk $0xffff, v17  }
.LBB2_8:
0x3e2: {  	v0 =	vld [tilespmem:s16+$0x170]  }
0x3e3: {  	v31 =	vld [tilespmem:s16+$0xFFFFFE10]  }
0x3e4: {  	v29 =	vld [tilespmem:s16+$0xFFFFFE20]  }
0x3e5: {  	v30 =	vld [tilespmem:s16+$0xFFFFFE30]  }
0x3e6: {  	v28 =	vld [tilespmem:s16+$0xFFFFFE40]  }
0x3e7: {  	v26 =	vld [tilespmem:s16+$0xFFFFFE50]  }
0x3e8: {  	v27 =	vld [tilespmem:s16+$0xFFFFFE60]  }
0x3e9: {  	v25 =	vld [tilespmem:s16+$0xFFFFFE70]  }
0x3ea: {  	v24 =	vld [tilespmem:s16+$0xFFFFFF00]  }
0x3eb: {  	v23 =	vld [tilespmem:s16+$0xFFFFFF10]  }
0x3ec: {  	v22 =	vld [tilespmem:s16+$0xFFFFFF20]  }
0x3ed: {  	v21 =	vld [tilespmem:s16+$0xFFFFFF30]  }
0x3ee: {  	v20 =	vld [tilespmem:s16+$0xFFFFFF40]  }
0x3ef: {  	v19 =	vld [tilespmem:s16+$0xFFFFFF50]  }
0x3f0: {  	v18 =	vld [tilespmem:s16+$0xFFFFFF60]  }
0x3f1: {  	v16 =	vld [tilespmem:s16+$0x0]  }
0x3f2: {  	v15 =	vld [tilespmem:s16+$0x10]  }
0x3f3: {  	v14 =	vld [tilespmem:s16+$0x20]  }
0x3f4: {  	v13 =	vld [tilespmem:s16+$0x30]  }
0x3f5: {  	v12 =	vld [tilespmem:s16+$0x40]  }
0x3f6: {  	v11 =	vld [tilespmem:s16+$0x50]  }
0x3f7: {  	v10 =	vld [tilespmem:s16+$0x60]  }
0x3f8: {  	v9 =	vld [tilespmem:s16+$0x70]  }
0x3f9: {  	v33 =	vld [tilespmem:s16+$0x100]  }
0x3fa: {  	v36 =	vld [tilespmem:s16+$0x110]  }
0x3fb: {  	v39 =	vld [tilespmem:s16+$0x120]  }
0x3fc: {  	v42 =	vld [tilespmem:s16+$0x130]  }
0x3fd: {  	v45 =	vld [tilespmem:s16+$0x140]  }
0x3fe: {  	v48 =	vld [tilespmem:s16+$0x150]  }
0x3ff: {  	s14 =	sadd.s32 $0x400, s14;
	v51 =	vld [tilespmem:s16+$0x160]  }
0x400: {  	v1 =	vld [tilespmem:s14+$0xFFFFFF80]  }
0x401: {  	v2 =	vld [tilespmem:s14+$0x0]  }
0x402: {  	v3 =	vld [tilespmem:s14+$0xFFFFFC10]  }
0x403: {  	v5 =	vld [tilespmem:s14+$0xFFFFFC20]  }
0x404: {  	v4 =	vld [tilespmem:s14+$0xFFFFFCA0]  }
0x405: {  	v7 =	vld [tilespmem:s14+$0xFFFFFC30]  }
0x406: {  	v6 =	vld [tilespmem:s14+$0xFFFFFCB0]  }
0x407: {  	v32 =	vld [tilespmem:s14+$0xFFFFFC40]  }
0x408: {  	v8 =	vld [tilespmem:s14+$0xFFFFFCC0]  }
0x409: {  	v34 =	vld [tilespmem:s14+$0xFFFFFC50]  }
0x40a: {  	v35 =	vld [tilespmem:s14+$0xFFFFFCD0]  }
0x40b: {  	v37 =	vld [tilespmem:s14+$0xFFFFFC60]  }
0x40c: {  	v38 =	vld [tilespmem:s14+$0xFFFFFCE0]  }
0x40d: {  	v40 =	vld [tilespmem:s14+$0xFFFFFC70]  }
0x40e: {  	v41 =	vld [tilespmem:s14+$0xFFFFFCF0]  }
0x40f: {  	v43 =	vld [tilespmem:s14+$0xFFFFFC80]  }
0x410: {  	v44 =	vld [tilespmem:s14+$0xFFFFFD00]  }
0x411: {  	v46 =	vld [tilespmem:s14+$0xFFFFFD10]  }
0x412: {  	v47 =	vld [tilespmem:s14+$0xFFFFFD90]  }
0x413: {  	v49 =	vld [tilespmem:s14+$0xFFFFFD20]  }
0x414: {  	v50 =	vld [tilespmem:s14+$0xFFFFFDA0]  }
0x415: {  	v53 =	vld [tilespmem:s14+$0xFFFFFD30]  }
0x416: {  	v52 =	vld [tilespmem:s14+$0xFFFFFDB0]  }
0x417: {  	v55 =	vld [tilespmem:s14+$0xFFFFFD40]  }
0x418: {  	v54 =	vld [tilespmem:s14+$0xFFFFFDC0]  }
0x419: {  	v57 =	vld [tilespmem:s14+$0xFFFFFD50]  }
0x41a: {  	v56 =	vld [tilespmem:s14+$0xFFFFFDD0]  }
0x41b: {  	v59 =	vld [tilespmem:s14+$0xFFFFFD60]  }
0x41c: {  	v62 =	vld [tilespmem:s14+$0xFFFFFD80]  }
0x41d: {  	v58 =	vld [tilespmem:s14+$0xFFFFFDE0]  }
0x41e: {  	v60 =	vld [tilespmem:s14+$0xFFFFFD70]  }
0x41f: {  	v61 =	vld [tilespmem:s14+$0xFFFFFDF0]  }
0x420: {  	v63 =	vld [tilespmem:s14+$0xFFFFFE00]  }
0x421: {  	[tilespmem:$0x1FC40] =	vst v62;
	v62 =	vld [tilespmem:s14+$0xFFFFFE10]  }
0x422: {  	[tilespmem:v0+s3+$0x0] =	vst.idx.add.f32.msk $0xffff, v1  }
0x423: {  	v1 =	vld [tilespmem:s16+$0xFFFFFE00]  }
0x424: {  	[tilespmem:v31+s3+$0x0] =	vst.idx.add.f32.msk $0xffff, v5  }
0x425: {  	[tilespmem:v29+s3+$0x0] =	vst.idx.add.f32.msk $0xffff, v7  }
0x426: {  	[tilespmem:v30+s3+$0x0] =	vst.idx.add.f32.msk $0xffff, v32  }
0x427: {  	[tilespmem:v28+s3+$0x0] =	vst.idx.add.f32.msk $0xffff, v34  }
0x428: {  	[tilespmem:v26+s3+$0x0] =	vst.idx.add.f32.msk $0xffff, v37  }
0x429: {  	[tilespmem:v27+s3+$0x0] =	vst.idx.add.f32.msk $0xffff, v40  }
0x42a: {  	[tilespmem:v25+s3+$0x0] =	vst.idx.add.f32.msk $0xffff, v43  }
0x42b: {  	[tilespmem:v24+s3+$0x0] =	vst.idx.add.f32.msk $0xffff, v46  }
0x42c: {  	[tilespmem:$0x1FC50] =	vst v62;
	v62 =	vld [tilespmem:s14+$0xFFFFFE90]  }
0x42d: {  	[tilespmem:v23+s3+$0x0] =	vst.idx.add.f32.msk $0xffff, v49  }
0x42e: {  	[tilespmem:v22+s3+$0x0] =	vst.idx.add.f32.msk $0xffff, v53  }
0x42f: {  	[tilespmem:v21+s3+$0x0] =	vst.idx.add.f32.msk $0xffff, v55  }
0x430: {  	[tilespmem:v20+s3+$0x0] =	vst.idx.add.f32.msk $0xffff, v57  }
0x431: {  	[tilespmem:$0x1FC60] =	vst v62;
	v62 =	vld [tilespmem:s14+$0xFFFFFE20]  }
0x432: {  	[tilespmem:v19+s3+$0x0] =	vst.idx.add.f32.msk $0xffff, v59  }
0x433: {  	[tilespmem:v18+s3+$0x0] =	vst.idx.add.f32.msk $0xffff, v60  }
0x434: {  	[tilespmem:v0+s4+$0x0] =	vst.idx.add.f32.msk $0xffff, v2  }
0x435: {  	v2 =	vld [tilespmem:s14+$0xFFFFFC90]  }
0x436: {  	[tilespmem:$0x1FC70] =	vst v62;
	v62 =	vld [tilespmem:s14+$0xFFFFFEA0]  }
0x437: {  	[tilespmem:v31+s4+$0x0] =	vst.idx.add.f32.msk $0xffff, v4  }
0x438: {  	[tilespmem:v29+s4+$0x0] =	vst.idx.add.f32.msk $0xffff, v6  }
0x439: {  	[tilespmem:v30+s4+$0x0] =	vst.idx.add.f32.msk $0xffff, v8  }
0x43a: {  	[tilespmem:v28+s4+$0x0] =	vst.idx.add.f32.msk $0xffff, v35  }
0x43b: {  	[tilespmem:$0x1FC80] =	vst v62;
	v62 =	vld [tilespmem:s14+$0xFFFFFE30]  }
0x43c: {  	[tilespmem:v26+s4+$0x0] =	vst.idx.add.f32.msk $0xffff, v38  }
0x43d: {  	[tilespmem:v27+s4+$0x0] =	vst.idx.add.f32.msk $0xffff, v41  }
0x43e: {  	[tilespmem:v25+s4+$0x0] =	vst.idx.add.f32.msk $0xffff, v44  }
0x43f: {  	[tilespmem:v24+s4+$0x0] =	vst.idx.add.f32.msk $0xffff, v47  }
0x440: {  	[tilespmem:$0x1FC90] =	vst v62;
	v62 =	vld [tilespmem:s14+$0xFFFFFEB0]  }
0x441: {  	[tilespmem:v23+s4+$0x0] =	vst.idx.add.f32.msk $0xffff, v50  }
0x442: {  	[tilespmem:v22+s4+$0x0] =	vst.idx.add.f32.msk $0xffff, v52  }
0x443: {  	[tilespmem:v21+s4+$0x0] =	vst.idx.add.f32.msk $0xffff, v54  }
0x444: {  	[tilespmem:v20+s4+$0x0] =	vst.idx.add.f32.msk $0xffff, v56  }
0x445: {  	[tilespmem:$0x1FCA0] =	vst v62;
	v62 =	vld [tilespmem:s14+$0xFFFFFE40]  }
0x446: {  	[tilespmem:v19+s4+$0x0] =	vst.idx.add.f32.msk $0xffff, v58  }
0x447: {  	[tilespmem:v18+s4+$0x0] =	vst.idx.add.f32.msk $0xffff, v61  }
0x448: {  	[tilespmem:v0+s12+$0x0] =	vst.idx.add.f32.msk $0xffff, v17  }
0x449: {  	v17 =	vld [tilespmem:s16+$0xFFFFFF70]  }
0x44a: {  	v0 =	vimm.f32 $1.000000000e+00;
	[tilespmem:$0x1FCB0] =	vst v62;
	v62 =	vld [tilespmem:s14+$0xFFFFFEC0]  }
0x44b: {  	[tilespmem:v31+s12+$0x0] =	vst.idx.add.f32.msk $0xffff, v0  }
0x44c: {  	[tilespmem:v29+s12+$0x0] =	vst.idx.add.f32.msk $0xffff, v0  }
0x44d: {  	[tilespmem:v30+s12+$0x0] =	vst.idx.add.f32.msk $0xffff, v0  }
0x44e: {  	[tilespmem:v28+s12+$0x0] =	vst.idx.add.f32.msk $0xffff, v0  }
0x44f: {  	[tilespmem:$0x1FCC0] =	vst v62;
	v62 =	vld [tilespmem:s14+$0xFFFFFE50]  }
0x450: {  	[tilespmem:v26+s12+$0x0] =	vst.idx.add.f32.msk $0xffff, v0  }
0x451: {  	[tilespmem:v27+s12+$0x0] =	vst.idx.add.f32.msk $0xffff, v0  }
0x452: {  	[tilespmem:v25+s12+$0x0] =	vst.idx.add.f32.msk $0xffff, v0  }
0x453: {  	[tilespmem:v24+s12+$0x0] =	vst.idx.add.f32.msk $0xffff, v0  }
0x454: {  	[tilespmem:$0x1FCD0] =	vst v62;
	v62 =	vld [tilespmem:s14+$0xFFFFFED0]  }
0x455: {  	[tilespmem:v23+s12+$0x0] =	vst.idx.add.f32.msk $0xffff, v0  }
0x456: {  	[tilespmem:v22+s12+$0x0] =	vst.idx.add.f32.msk $0xffff, v0  }
0x457: {  	[tilespmem:v21+s12+$0x0] =	vst.idx.add.f32.msk $0xffff, v0  }
0x458: {  	[tilespmem:v20+s12+$0x0] =	vst.idx.add.f32.msk $0xffff, v0  }
0x459: {  	[tilespmem:$0x1FCE0] =	vst v62;
	v62 =	vld [tilespmem:s14+$0xFFFFFE60]  }
0x45a: {  	[tilespmem:v19+s12+$0x0] =	vst.idx.add.f32.msk $0xffff, v0  }
0x45b: {  	[tilespmem:v18+s12+$0x0] =	vst.idx.add.f32.msk $0xffff, v0  }
0x45c: {  	v27 =	vld [tilespmem:$0x1FC50]  }
0x45d: {  	v26 =	vld [tilespmem:$0x1FC40]  }
0x45e: {  	[tilespmem:$0x1FCF0] =	vst v62;
	v62 =	vld [tilespmem:s14+$0xFFFFFEE0]  }
0x45f: {  	[tilespmem:v1+s3+$0x0] =	vst.idx.add.f32.msk $0xffff, v3  }
0x460: {  	[tilespmem:v1+s4+$0x0] =	vst.idx.add.f32.msk $0xffff, v2  }
0x461: {  	[tilespmem:v16+s3+$0x0] =	vst.idx.add.f32.msk $0xffff, v27  }
0x462: {  	v28 =	vld [tilespmem:$0x1FC60]  }
0x463: {  	[tilespmem:$0x1FD00] =	vst v62;
	v62 =	vld [tilespmem:s14+$0xFFFFFE70]  }
0x464: {  	[tilespmem:v1+s12+$0x0] =	vst.idx.add.f32.msk $0xffff, v0  }
0x465: {  	[tilespmem:v17+s3+$0x0] =	vst.idx.add.f32.msk $0xffff, v26  }
0x466: {  	[tilespmem:v17+s4+$0x0] =	vst.idx.add.f32.msk $0xffff, v63  }
0x467: {  	[tilespmem:v17+s12+$0x0] =	vst.idx.add.f32.msk $0xffff, v0  }
0x468: {  	[tilespmem:$0x1FD10] =	vst v62;
	v62 =	vld [tilespmem:s14+$0xFFFFFEF0]  }
0x469: {  	v29 =	vld [tilespmem:$0x1FC70]  }
0x46a: {  	[tilespmem:v16+s4+$0x0] =	vst.idx.add.f32.msk $0xffff, v28  }
0x46b: {  	v17 =	vimm.f32 $1.000000000e+00;
	v30 =	vld [tilespmem:$0x1FC80]  }
0x46c: {  	[tilespmem:v16+s12+$0x0] =	vst.idx.add.f32.msk $0xffff, v17  }
0x46d: {  	[tilespmem:$0x1FD20] =	vst v62;
	v62 =	vld [tilespmem:s14+$0xFFFFFE80]  }
0x46e: {  	[tilespmem:v15+s3+$0x0] =	vst.idx.add.f32.msk $0xffff, v29  }
0x46f: {  	v31 =	vld [tilespmem:$0x1FC90]  }
0x470: {  	[tilespmem:v15+s4+$0x0] =	vst.idx.add.f32.msk $0xffff, v30  }
0x471: {  	v32 =	vld [tilespmem:$0x1FCA0]  }
0x472: {  	[tilespmem:$0x1FD30] =	vst v62;
	v62 =	vld [tilespmem:s14+$0xFFFFFF00]  }
0x473: {  	[tilespmem:v15+s12+$0x0] =	vst.idx.add.f32.msk $0xffff, v17  }
0x474: {  	[tilespmem:v14+s3+$0x0] =	vst.idx.add.f32.msk $0xffff, v31  }
0x475: {  	v34 =	vld [tilespmem:$0x1FCB0]  }
0x476: {  	[tilespmem:v14+s4+$0x0] =	vst.idx.add.f32.msk $0xffff, v32  }
0x477: {  	[tilespmem:$0x1FD40] =	vst v62;
	v62 =	vld [tilespmem:s14+$0xFFFFFF10]  }
0x478: {  	v35 =	vld [tilespmem:$0x1FCC0]  }
0x479: {  	[tilespmem:v14+s12+$0x0] =	vst.idx.add.f32.msk $0xffff, v17  }
0x47a: {  	[tilespmem:v13+s3+$0x0] =	vst.idx.add.f32.msk $0xffff, v34  }
0x47b: {  	v37 =	vld [tilespmem:$0x1FCD0]  }
0x47c: {  	[tilespmem:$0x1FD50] =	vst v62;
	v62 =	vld [tilespmem:s14+$0xFFFFFF90]  }
0x47d: {  	[tilespmem:v13+s4+$0x0] =	vst.idx.add.f32.msk $0xffff, v35  }
0x47e: {  	v38 =	vld [tilespmem:$0x1FCE0]  }
0x47f: {  	[tilespmem:v13+s12+$0x0] =	vst.idx.add.f32.msk $0xffff, v17  }
0x480: {  	[tilespmem:v12+s3+$0x0] =	vst.idx.add.f32.msk $0xffff, v37  }
0x481: {  	[tilespmem:$0x1FD60] =	vst v62;
	v62 =	vld [tilespmem:s14+$0xFFFFFF20]  }
0x482: {  	v40 =	vld [tilespmem:$0x1FCF0]  }
0x483: {  	[tilespmem:v12+s4+$0x0] =	vst.idx.add.f32.msk $0xffff, v38  }
0x484: {  	v41 =	vld [tilespmem:$0x1FD00]  }
0x485: {  	[tilespmem:v12+s12+$0x0] =	vst.idx.add.f32.msk $0xffff, v17  }
0x486: {  	[tilespmem:$0x1FD70] =	vst v62;
	v62 =	vld [tilespmem:s14+$0xFFFFFFA0]  }
0x487: {  	[tilespmem:v11+s3+$0x0] =	vst.idx.add.f32.msk $0xffff, v40  }
0x488: {  	v43 =	vld [tilespmem:$0x1FD10]  }
0x489: {  	[tilespmem:v11+s4+$0x0] =	vst.idx.add.f32.msk $0xffff, v41  }
0x48a: {  	v44 =	vld [tilespmem:$0x1FD20]  }
0x48b: {  	[tilespmem:$0x1FD80] =	vst v62;
	v62 =	vld [tilespmem:s14+$0xFFFFFF30]  }
0x48c: {  	[tilespmem:v11+s12+$0x0] =	vst.idx.add.f32.msk $0xffff, v17  }
0x48d: {  	[tilespmem:v10+s3+$0x0] =	vst.idx.add.f32.msk $0xffff, v43  }
0x48e: {  	v46 =	vld [tilespmem:$0x1FD30]  }
0x48f: {  	[tilespmem:v10+s4+$0x0] =	vst.idx.add.f32.msk $0xffff, v44  }
0x490: {  	[tilespmem:$0x1FD90] =	vst v62;
	v62 =	vld [tilespmem:s14+$0xFFFFFFB0]  }
0x491: {  	v47 =	vld [tilespmem:$0x1FD40]  }
0x492: {  	[tilespmem:v10+s12+$0x0] =	vst.idx.add.f32.msk $0xffff, v17  }
0x493: {  	[tilespmem:v9+s3+$0x0] =	vst.idx.add.f32.msk $0xffff, v46  }
0x494: {  	v49 =	vld [tilespmem:$0x1FD50]  }
0x495: {  	[tilespmem:$0x1FDA0] =	vst v62;
	v62 =	vld [tilespmem:s14+$0xFFFFFF40]  }
0x496: {  	[tilespmem:v9+s4+$0x0] =	vst.idx.add.f32.msk $0xffff, v47  }
0x497: {  	v50 =	vld [tilespmem:$0x1FD60]  }
0x498: {  	[tilespmem:v9+s12+$0x0] =	vst.idx.add.f32.msk $0xffff, v17  }
0x499: {  	[tilespmem:v33+s3+$0x0] =	vst.idx.add.f32.msk $0xffff, v49  }
0x49a: {  	[tilespmem:$0x1FDB0] =	vst v62;
	v62 =	vld [tilespmem:s14+$0xFFFFFFC0]  }
0x49b: {  	v52 =	vld [tilespmem:$0x1FD70]  }
0x49c: {  	[tilespmem:v33+s4+$0x0] =	vst.idx.add.f32.msk $0xffff, v50  }
0x49d: {  	v53 =	vld [tilespmem:$0x1FD80]  }
0x49e: {  	[tilespmem:v33+s12+$0x0] =	vst.idx.add.f32.msk $0xffff, v17  }
0x49f: {  	[tilespmem:$0x1FDC0] =	vst v62;
	v62 =	vld [tilespmem:s14+$0xFFFFFF50]  }
0x4a0: {  	[tilespmem:v36+s3+$0x0] =	vst.idx.add.f32.msk $0xffff, v52  }
0x4a1: {  	v54 =	vld [tilespmem:$0x1FD90]  }
0x4a2: {  	[tilespmem:v36+s4+$0x0] =	vst.idx.add.f32.msk $0xffff, v53  }
0x4a3: {  	v55 =	vld [tilespmem:$0x1FDA0]  }
0x4a4: {  	[tilespmem:$0x1FDD0] =	vst v62;
	v62 =	vld [tilespmem:s14+$0xFFFFFFD0]  }
0x4a5: {  	[tilespmem:v36+s12+$0x0] =	vst.idx.add.f32.msk $0xffff, v17  }
0x4a6: {  	[tilespmem:v39+s3+$0x0] =	vst.idx.add.f32.msk $0xffff, v54  }
0x4a7: {  	v56 =	vld [tilespmem:$0x1FDB0]  }
0x4a8: {  	[tilespmem:v39+s4+$0x0] =	vst.idx.add.f32.msk $0xffff, v55  }
0x4a9: {  	[tilespmem:$0x1FDE0] =	vst v62;
	v62 =	vld [tilespmem:s14+$0xFFFFFF60]  }
0x4aa: {  	[tilespmem:v39+s12+$0x0] =	vst.idx.add.f32.msk $0xffff, v17  }
0x4ab: {  	v57 =	vld [tilespmem:$0x1FDC0]  }
0x4ac: {  	[tilespmem:v42+s3+$0x0] =	vst.idx.add.f32.msk $0xffff, v56  }
0x4ad: {  	v58 =	vld [tilespmem:$0x1FDD0]  }
0x4ae: {  	[tilespmem:$0x1FDF0] =	vst v62;
	v62 =	vld [tilespmem:s14+$0xFFFFFFE0]  }
0x4af: {  	v59 =	vld [tilespmem:$0x1FDE0]  }
0x4b0: {  	[tilespmem:v42+s4+$0x0] =	vst.idx.add.f32.msk $0xffff, v57  }
0x4b1: {  	[tilespmem:v42+s12+$0x0] =	vst.idx.add.f32.msk $0xffff, v17  }
0x4b2: {  	[tilespmem:v45+s3+$0x0] =	vst.idx.add.f32.msk $0xffff, v58  }
0x4b3: {  	[tilespmem:$0x1FE00] =	vst v62;
	v62 =	vld [tilespmem:s14+$0xFFFFFF70]  }
0x4b4: {  	[tilespmem:v45+s4+$0x0] =	vst.idx.add.f32.msk $0xffff, v59  }
0x4b5: {  	v60 =	vld [tilespmem:$0x1FDF0]  }
0x4b6: {  	[tilespmem:v45+s12+$0x0] =	vst.idx.add.f32.msk $0xffff, v17  }
0x4b7: {  	v61 =	vld [tilespmem:$0x1FE00]  }
0x4b8: {  	[tilespmem:$0x1FE10] =	vst v62  }
0x4b9: {  	v63 =	vld [tilespmem:$0x1FE10]  }
0x4ba: {  	s15 =	sadd.s32 $0x20, s15;
	v62 =	vld [tilespmem:s14+$0xFFFFFFF0]  }
0x4bb: {  	p0 =	slt.u32 s15, $0x60;
	[tilespmem:v48+s3+$0x0] =	vst.idx.add.f32.msk $0xffff, v60  }
.Ltmp2:
0x4bc: {  	[tilespmem:v48+s4+$0x0] =	vst.idx.add.f32.msk $0xffff, v61;
	(pc) =	sbr.rel @p0 .LBB2_8-.Ltmp2, $4  }
0x4bd: {  	[tilespmem:v48+s12+$0x0] =	vst.idx.add.f32.msk $0xffff, v17  }
0x4be: {  	[tilespmem:v51+s3+$0x0] =	vst.idx.add.f32.msk $0xffff, v63  }
0x4bf: {  	[tilespmem:v51+s4+$0x0] =	vst.idx.add.f32.msk $0xffff, v62  }
0x4c0: {  	s16 =	sadd.s32 $0x400, s16;
	[tilespmem:v51+s12+$0x0] =	vst.idx.add.f32.msk $0xffff, v17  }
0x4c1: {  	s13 =	sor.u32 $0x4000, s13  }
0x4c2: {  	s14 =	sor.u32 s5, s13  }
0x4c3: {  	s14 =	sshrl.u32 s14, $0x3  }
0x4c4: {  	s15 =	simm.s32 $0x1AC00;
	s14 =	sadd.s32 s2, s14  }
0x4c5: {  	[tilespmem:s15], [sflag:$0x2] =	stream.linear.gather [hbm4b:s14+s3], $0x80, $0x38;
	[tilespmem:$0x1DB80] =	vst v63  }
0x4c6: {  	s16 =	simm.s32 $0x1AD00;
	s18 =	sadd.s32 $0x80, s14  }
0x4c7: {  	[tilespmem:s16], [sflag:$0x2] =	stream.linear.gather [hbm4b:s18+s3], $0x80, $0x38;
	[tilespmem:$0x1DB80] =	vst v63  }
0x4c8: {  	s16 =	sadd.s32 $0x100, s14;
	s18 =	simm.s32 $0x1AE00  }
0x4c9: {  	[tilespmem:s18], [sflag:$0x2] =	stream.linear.gather [hbm4b:s16+s3], $0x80, $0x38;
	[tilespmem:$0x1DB80] =	vst v63  }
0x4ca: {  	s16 =	sadd.s32 $0x180, s14;
	s18 =	simm.s32 $0x1AF00  }
0x4cb: {  	[tilespmem:s18], [sflag:$0x2] =	stream.linear.gather [hbm4b:s16+s3], $0x80, $0x38;
	[tilespmem:$0x1DB80] =	vst v63  }
0x4cc: {  	s16 =	sadd.s32 $0x200, s14;
	s18 =	simm.s32 $0x1B000  }
0x4cd: {  	[tilespmem:s18], [sflag:$0x2] =	stream.linear.gather [hbm4b:s16+s3], $0x80, $0x38;
	[tilespmem:$0x1DB80] =	vst v63  }
0x4ce: {  	s16 =	sadd.s32 $0x280, s14;
	s18 =	simm.s32 $0x1B100  }
0x4cf: {  	[tilespmem:s18], [sflag:$0x2] =	stream.linear.gather [hbm4b:s16+s3], $0x80, $0x38;
	[tilespmem:$0x1DB80] =	vst v63  }
0x4d0: {  	s16 =	sadd.s32 $0x300, s14;
	s18 =	simm.s32 $0x1B200  }
0x4d1: {  	[tilespmem:s18], [sflag:$0x2] =	stream.linear.gather [hbm4b:s16+s3], $0x80, $0x38;
	[tilespmem:$0x1DB80] =	vst v63  }
0x4d2: {  	s16 =	sadd.s32 $0x380, s14;
	s18 =	simm.s32 $0x1B300  }
0x4d3: {  	[tilespmem:s18], [sflag:$0x2] =	stream.linear.gather [hbm4b:s16+s3], $0x80, $0x38;
	[tilespmem:$0x1DB80] =	vst v63  }
0x4d4: {  	s16 =	sadd.s32 $0x400, s14;
	s18 =	simm.s32 $0x1B400  }
0x4d5: {  	[tilespmem:s18], [sflag:$0x2] =	stream.linear.gather [hbm4b:s16+s3], $0x80, $0x38;
	[tilespmem:$0x1DB80] =	vst v63  }
0x4d6: {  	s16 =	sadd.s32 $0x480, s14;
	s18 =	simm.s32 $0x1B500  }
0x4d7: {  	[tilespmem:s18], [sflag:$0x2] =	stream.linear.gather [hbm4b:s16+s3], $0x80, $0x38;
	[tilespmem:$0x1DB80] =	vst v63  }
0x4d8: {  	s16 =	sadd.s32 $0x500, s14;
	s18 =	simm.s32 $0x1B600  }
0x4d9: {  	[tilespmem:s18], [sflag:$0x2] =	stream.linear.gather [hbm4b:s16+s3], $0x80, $0x38;
	[tilespmem:$0x1DB80] =	vst v63  }
0x4da: {  	s16 =	sadd.s32 $0x580, s14;
	s18 =	simm.s32 $0x1B700  }
0x4db: {  	[tilespmem:s18], [sflag:$0x2] =	stream.linear.gather [hbm4b:s16+s3], $0x80, $0x38;
	[tilespmem:$0x1DB80] =	vst v63  }
0x4dc: {  	s16 =	sadd.s32 $0x600, s14;
	s18 =	simm.s32 $0x1B800  }
0x4dd: {  	[tilespmem:s18], [sflag:$0x2] =	stream.linear.gather [hbm4b:s16+s3], $0x80, $0x38;
	[tilespmem:$0x1DB80] =	vst v63  }
0x4de: {  	s16 =	sadd.s32 $0x680, s14;
	s18 =	simm.s32 $0x1B900  }
0x4df: {  	[tilespmem:s18], [sflag:$0x2] =	stream.linear.gather [hbm4b:s16+s3], $0x80, $0x38;
	[tilespmem:$0x1DB80] =	vst v63  }
0x4e0: {  	s13 =	sadd.s32 s11, s13;
	s16 =	sadd.s32 $0x700, s14;
	s18 =	simm.s32 $0x1BA00  }
0x4e1: {  	[tilespmem:s18], [sflag:$0x2] =	stream.linear.gather [hbm4b:s16+s3], $0x80, $0x38;
	[tilespmem:$0x1DB80] =	vst v63  }
0x4e2: {  	s14 =	sadd.s32 $0x780, s14;
	s18 =	simm.s32 $0x1BB00;
	s16 =	sor.u32 s7, s13  }
0x4e3: {  	[tilespmem:s18], [sflag:$0x2] =	stream.linear.gather [hbm4b:s14+s3], $0x80, $0x38;
	[tilespmem:$0x1DB80] =	vst v63  }
0x4e4: {  	s14 =	sshrl.u32 s16, $0x3  }
0x4e5: {  	s18 =	simm.s32 $0x1CB80;
	s14 =	sadd.s32 s1, s14  }
0x4e6: {  	[tilespmem:s18], [sflag:$0x2] =	stream.linear.gather [hbm4b:s14+s3], $0x80, $0x38;
	[tilespmem:$0x1DB80] =	vst v63  }
0x4e7: {  	s16 =	sadd.s32 $0x80, s14;
	s18 =	simm.s32 $0x1CC80  }
0x4e8: {  	[tilespmem:s18], [sflag:$0x2] =	stream.linear.gather [hbm4b:s16+s3], $0x80, $0x38;
	[tilespmem:$0x1DB80] =	vst v63  }
0x4e9: {  	s16 =	sadd.s32 $0x100, s14;
	s18 =	simm.s32 $0x1CD80  }
0x4ea: {  	[tilespmem:s18], [sflag:$0x2] =	stream.linear.gather [hbm4b:s16+s3], $0x80, $0x38;
	[tilespmem:$0x1DB80] =	vst v63  }
0x4eb: {  	s16 =	sadd.s32 $0x180, s14;
	s18 =	simm.s32 $0x1CE80  }
0x4ec: {  	[tilespmem:s18], [sflag:$0x2] =	stream.linear.gather [hbm4b:s16+s3], $0x80, $0x38;
	[tilespmem:$0x1DB80] =	vst v63  }
0x4ed: {  	s16 =	sadd.s32 $0x200, s14;
	s18 =	simm.s32 $0x1CF80  }
0x4ee: {  	[tilespmem:s18], [sflag:$0x2] =	stream.linear.gather [hbm4b:s16+s3], $0x80, $0x38;
	[tilespmem:$0x1DB80] =	vst v63  }
0x4ef: {  	s16 =	sadd.s32 $0x280, s14;
	s18 =	simm.s32 $0x1D080  }
0x4f0: {  	[tilespmem:s18], [sflag:$0x2] =	stream.linear.gather [hbm4b:s16+s3], $0x80, $0x38;
	[tilespmem:$0x1DB80] =	vst v63  }
0x4f1: {  	s16 =	sadd.s32 $0x300, s14;
	s18 =	simm.s32 $0x1D180  }
0x4f2: {  	[tilespmem:s18], [sflag:$0x2] =	stream.linear.gather [hbm4b:s16+s3], $0x80, $0x38;
	[tilespmem:$0x1DB80] =	vst v63  }
0x4f3: {  	s16 =	sadd.s32 $0x380, s14;
	s18 =	simm.s32 $0x1D280  }
0x4f4: {  	[tilespmem:s18], [sflag:$0x2] =	stream.linear.gather [hbm4b:s16+s3], $0x80, $0x38;
	[tilespmem:$0x1DB80] =	vst v63  }
0x4f5: {  	s16 =	sadd.s32 $0x400, s14;
	s18 =	simm.s32 $0x1D380  }
0x4f6: {  	[tilespmem:s18], [sflag:$0x2] =	stream.linear.gather [hbm4b:s16+s3], $0x80, $0x38;
	[tilespmem:$0x1DB80] =	vst v63  }
0x4f7: {  	s16 =	sadd.s32 $0x480, s14;
	s18 =	simm.s32 $0x1D480  }
0x4f8: {  	[tilespmem:s18], [sflag:$0x2] =	stream.linear.gather [hbm4b:s16+s3], $0x80, $0x38;
	[tilespmem:$0x1DB80] =	vst v63  }
0x4f9: {  	s16 =	sadd.s32 $0x500, s14;
	s18 =	simm.s32 $0x1D580  }
0x4fa: {  	[tilespmem:s18], [sflag:$0x2] =	stream.linear.gather [hbm4b:s16+s3], $0x80, $0x38;
	[tilespmem:$0x1DB80] =	vst v63  }
0x4fb: {  	s16 =	sadd.s32 $0x580, s14;
	s18 =	simm.s32 $0x1D680  }
0x4fc: {  	[tilespmem:s18], [sflag:$0x2] =	stream.linear.gather [hbm4b:s16+s3], $0x80, $0x38;
	[tilespmem:$0x1DB80] =	vst v63  }
0x4fd: {  	s16 =	sadd.s32 $0x600, s14;
	s18 =	simm.s32 $0x1D780  }
0x4fe: {  	[tilespmem:s18], [sflag:$0x2] =	stream.linear.gather [hbm4b:s16+s3], $0x80, $0x38;
	[tilespmem:$0x1DB80] =	vst v63  }
0x4ff: {  	s16 =	sadd.s32 $0x680, s14;
	s18 =	simm.s32 $0x1D880  }
0x500: {  	[tilespmem:s18], [sflag:$0x2] =	stream.linear.gather [hbm4b:s16+s3], $0x80, $0x38;
	[tilespmem:$0x1DB80] =	vst v63  }
0x501: {  	s13 =	sor.u32 s8, s13;
	s16 =	sadd.s32 $0x700, s14;
	s18 =	simm.s32 $0x1D980  }
0x502: {  	[tilespmem:s18], [sflag:$0x2] =	stream.linear.gather [hbm4b:s16+s3], $0x80, $0x38;
	[tilespmem:$0x1DB80] =	vst v63  }
0x503: {  	s13 =	sshrl.u32 s13, $0x3;
	s14 =	sadd.s32 $0x780, s14;
	s18 =	simm.s32 $0x1DA80  }
0x504: {  	[tilespmem:s18], [sflag:$0x2] =	stream.linear.gather [hbm4b:s14+s3], $0x80, $0x38;
	[tilespmem:$0x1DB80] =	vst v63  }
0x505: {  	s15 =	simm.s32 $0x1CC00;
	s13 =	sadd.s32 s1, s13  }
0x506: {  	[tilespmem:s15], [sflag:$0x2] =	stream.linear.gather [hbm4b:s13+s3], $0x80, $0x38;
	[tilespmem:$0x1DB80] =	vst v63  }
0x507: {  	s16 =	sadd.s32 $0x80, s13;
	s18 =	simm.s32 $0x1CD00  }
0x508: {  	[tilespmem:s18], [sflag:$0x2] =	stream.linear.gather [hbm4b:s16+s3], $0x80, $0x38;
	[tilespmem:$0x1DB80] =	vst v63  }
0x509: {  	s16 =	sadd.s32 $0x100, s13;
	s18 =	simm.s32 $0x1CE00  }
0x50a: {  	[tilespmem:s18], [sflag:$0x2] =	stream.linear.gather [hbm4b:s16+s3], $0x80, $0x38;
	[tilespmem:$0x1DB80] =	vst v63  }
0x50b: {  	s16 =	sadd.s32 $0x180, s13;
	s18 =	simm.s32 $0x1CF00  }
0x50c: {  	[tilespmem:s18], [sflag:$0x2] =	stream.linear.gather [hbm4b:s16+s3], $0x80, $0x38;
	[tilespmem:$0x1DB80] =	vst v63  }
0x50d: {  	s16 =	sadd.s32 $0x200, s13  }
0x50e: {  	[tilespmem:s19], [sflag:$0x2] =	stream.linear.gather [hbm4b:s16+s3], $0x80, $0x38;
	[tilespmem:$0x1DB80] =	vst v63  }
0x50f: {  	s18 =	sadd.s32 $0x280, s13  }
0x510: {  	[tilespmem:s20], [sflag:$0x2] =	stream.linear.gather [hbm4b:s18+s3], $0x80, $0x38;
	[tilespmem:$0x1DB80] =	vst v63  }
0x511: {  	s15 =	sadd.s32 $0x300, s13  }
0x512: {  	[tilespmem:s21], [sflag:$0x2] =	stream.linear.gather [hbm4b:s15+s3], $0x80, $0x38;
	[tilespmem:$0x1DB80] =	vst v63  }
0x513: {  	s16 =	sadd.s32 $0x380, s13  }
0x514: {  	[tilespmem:s22], [sflag:$0x2] =	stream.linear.gather [hbm4b:s16+s3], $0x80, $0x38;
	[tilespmem:$0x1DB80] =	vst v63  }
0x515: {  	s18 =	sadd.s32 $0x400, s13  }
0x516: {  	[tilespmem:s23], [sflag:$0x2] =	stream.linear.gather [hbm4b:s18+s3], $0x80, $0x38;
	[tilespmem:$0x1DB80] =	vst v63  }
0x517: {  	s15 =	sadd.s32 $0x480, s13  }
0x518: {  	[tilespmem:s24], [sflag:$0x2] =	stream.linear.gather [hbm4b:s15+s3], $0x80, $0x38;
	[tilespmem:$0x1DB80] =	vst v63  }
0x519: {  	s16 =	sadd.s32 $0x500, s13  }
0x51a: {  	[tilespmem:s25], [sflag:$0x2] =	stream.linear.gather [hbm4b:s16+s3], $0x80, $0x38;
	[tilespmem:$0x1DB80] =	vst v63  }
0x51b: {  	s18 =	sadd.s32 $0x580, s13  }
0x51c: {  	[tilespmem:s26], [sflag:$0x2] =	stream.linear.gather [hbm4b:s18+s3], $0x80, $0x38;
	[tilespmem:$0x1DB80] =	vst v63  }
0x51d: {  	s15 =	sadd.s32 $0x600, s13  }
0x51e: {  	[tilespmem:s28], [sflag:$0x2] =	stream.linear.gather [hbm4b:s15+s3], $0x80, $0x38;
	[tilespmem:$0x1DB80] =	vst v63  }
0x51f: {  	p0 =	sne.s32 s10, $0xF;
	s16 =	sadd.s32 $0x680, s13  }
0x520: {  	[tilespmem:s29], [sflag:$0x2] =	stream.linear.gather [hbm4b:s16+s3], $0x80, $0x38;
	[tilespmem:$0x1DB80] =	vst v63  }
.Ltmp3:
0x521: {  	_ = 	snop;
	(pc) =	sbr.rel @p0 .LBB2_5-.Ltmp3, $4  }
0x522: {  	s18 =	sadd.s32 $0x700, s13  }
0x523: {  	[tilespmem:s30], [sflag:$0x2] =	stream.linear.gather [hbm4b:s18+s3], $0x80, $0x38;
	[tilespmem:$0x1DB80] =	vst v63  }
0x524: {  	s13 =	sadd.s32 $0x780, s13  }
0x525: {  	[tilespmem:s31], [sflag:$0x2] =	stream.linear.gather [hbm4b:s13+s3], $0x80, $0x38;
	[tilespmem:$0x1DB80] =	vst v63  }
0x526: {  	_ =	swait.ge [sflag:s0], $0x800  }
0x527: {  	[sflag:s0] =	ssyncset.done $0x0  }
0x528: {  	[sflag:s0] =	ssyncadd.s32 $0xFFFFF800  }
0x529: {  	_ =	swait.ge [sflag:s0], $0x800  }
0x52a: {  	[sflag:s0] =	ssyncset.done $0x0  }
0x52b: {  	[sflag:s0] =	ssyncadd.s32 $0xFFFFF800  }
0x52c: {  	_ =	swait.ge [sflag:s0], $0x800  }
0x52d: {  	[sflag:s0] =	ssyncset.done $0x0  }
0x52e: {  	s10 =	simm.s32 $0x1AD80;
	[sflag:s0] =	ssyncadd.s32 $0xFFFFF800  }
0x52f: {  	s5 =	simm.s32 $0x1BD80;
	v0 =	vld [tilespmem:s10+$0x170]  }
0x530: {  	v1 =	vld [tilespmem:s5+$0x170]  }
0x531: {  	v2 =	vld [tilespmem:s10+$0xFFFFFE10]  }
0x532: {  	v3 =	vld [tilespmem:s5+$0x1F0]  }
0x533: {  	v4 =	vld [tilespmem:s10+$0xFFFFFE00]  }
0x534: {  	v5 =	vld [tilespmem:s10+$0xFFFFFE20]  }
0x535: {  	v25 =	vld [tilespmem:s5+$0xFFFFFE00]  }
0x536: {  	v26 =	vld [tilespmem:s5+$0xFFFFFE80]  }
0x537: {  	v27 =	vld [tilespmem:s10+$0xFFFFFE30]  }
0x538: {  	v28 =	vld [tilespmem:s5+$0xFFFFFE10]  }
0x539: {  	v29 =	vld [tilespmem:s5+$0xFFFFFE90]  }
0x53a: {  	v30 =	vld [tilespmem:s10+$0xFFFFFE40]  }
0x53b: {  	v31 =	vld [tilespmem:s5+$0xFFFFFE20]  }
0x53c: {  	v32 =	vld [tilespmem:s5+$0xFFFFFEA0]  }
0x53d: {  	v33 =	vld [tilespmem:s10+$0xFFFFFE50]  }
0x53e: {  	v34 =	vld [tilespmem:s5+$0xFFFFFE30]  }
0x53f: {  	v35 =	vld [tilespmem:s5+$0xFFFFFEB0]  }
0x540: {  	v36 =	vld [tilespmem:s10+$0xFFFFFE60]  }
0x541: {  	v37 =	vld [tilespmem:s5+$0xFFFFFE40]  }
0x542: {  	v38 =	vld [tilespmem:s5+$0xFFFFFEC0]  }
0x543: {  	v39 =	vld [tilespmem:s10+$0xFFFFFE70]  }
0x544: {  	v40 =	vld [tilespmem:s5+$0xFFFFFE50]  }
0x545: {  	v41 =	vld [tilespmem:s5+$0xFFFFFED0]  }
0x546: {  	v42 =	vld [tilespmem:s10+$0xFFFFFF00]  }
0x547: {  	v43 =	vld [tilespmem:s5+$0xFFFFFE60]  }
0x548: {  	v44 =	vld [tilespmem:s5+$0xFFFFFEE0]  }
0x549: {  	v45 =	vld [tilespmem:s10+$0xFFFFFF10]  }
0x54a: {  	v46 =	vld [tilespmem:s5+$0xFFFFFE70]  }
0x54b: {  	v47 =	vld [tilespmem:s5+$0xFFFFFEF0]  }
0x54c: {  	v48 =	vld [tilespmem:s10+$0xFFFFFF20]  }
0x54d: {  	v49 =	vld [tilespmem:s5+$0xFFFFFF00]  }
0x54e: {  	v50 =	vld [tilespmem:s5+$0xFFFFFF80]  }
0x54f: {  	v51 =	vld [tilespmem:s10+$0xFFFFFF30]  }
0x550: {  	v52 =	vld [tilespmem:s5+$0xFFFFFF10]  }
0x551: {  	v53 =	vld [tilespmem:s5+$0xFFFFFF90]  }
0x552: {  	v54 =	vld [tilespmem:s10+$0xFFFFFF40]  }
0x553: {  	v55 =	vld [tilespmem:s5+$0xFFFFFF20]  }
0x554: {  	v56 =	vld [tilespmem:s5+$0xFFFFFFA0]  }
0x555: {  	v57 =	vld [tilespmem:s10+$0xFFFFFF50]  }
0x556: {  	v58 =	vld [tilespmem:s5+$0xFFFFFF30]  }
0x557: {  	v59 =	vld [tilespmem:s5+$0xFFFFFFB0]  }
0x558: {  	v60 =	vld [tilespmem:s10+$0xFFFFFF60]  }
0x559: {  	v61 =	vld [tilespmem:s5+$0xFFFFFF40]  }
0x55a: {  	v62 =	vld [tilespmem:s5+$0xFFFFFFC0]  }
0x55b: {  	v63 =	vld [tilespmem:s10+$0xFFFFFF70]  }
0x55c: {  	v8 =	vld [tilespmem:s5+$0xFFFFFF50]  }
0x55d: {  	v9 =	vld [tilespmem:s5+$0xFFFFFFD0]  }
0x55e: {  	v10 =	vld [tilespmem:s10+$0x0]  }
0x55f: {  	v11 =	vld [tilespmem:s5+$0xFFFFFF60]  }
0x560: {  	v12 =	vld [tilespmem:s5+$0xFFFFFFE0]  }
0x561: {  	v13 =	vld [tilespmem:s10+$0x10]  }
0x562: {  	v14 =	vld [tilespmem:s5+$0xFFFFFF70]  }
0x563: {  	v20 =	vld [tilespmem:s5+$0xFFFFFFF0]  }
0x564: {  	v21 =	vld [tilespmem:s10+$0x20]  }
0x565: {  	v22 =	vld [tilespmem:s5+$0x0]  }
0x566: {  	v23 =	vld [tilespmem:s5+$0x80]  }
0x567: {  	v24 =	vld [tilespmem:s10+$0x30]  }
0x568: {  	[tilespmem:v0+s3+$0x0] =	vst.idx.add.f32.msk $0xffff, v1  }
0x569: {  	[tilespmem:v4+s3+$0x0] =	vst.idx.add.f32.msk $0xffff, v25  }
0x56a: {  	[tilespmem:v2+s3+$0x0] =	vst.idx.add.f32.msk $0xffff, v28  }
0x56b: {  	[tilespmem:v5+s3+$0x0] =	vst.idx.add.f32.msk $0xffff, v31  }
0x56c: {  	[tilespmem:v27+s3+$0x0] =	vst.idx.add.f32.msk $0xffff, v34  }
0x56d: {  	[tilespmem:v30+s3+$0x0] =	vst.idx.add.f32.msk $0xffff, v37  }
0x56e: {  	[tilespmem:v33+s3+$0x0] =	vst.idx.add.f32.msk $0xffff, v40  }
0x56f: {  	[tilespmem:v36+s3+$0x0] =	vst.idx.add.f32.msk $0xffff, v43  }
0x570: {  	[tilespmem:v39+s3+$0x0] =	vst.idx.add.f32.msk $0xffff, v46  }
0x571: {  	[tilespmem:v42+s3+$0x0] =	vst.idx.add.f32.msk $0xffff, v49  }
0x572: {  	[tilespmem:v45+s3+$0x0] =	vst.idx.add.f32.msk $0xffff, v52  }
0x573: {  	[tilespmem:v48+s3+$0x0] =	vst.idx.add.f32.msk $0xffff, v55  }
0x574: {  	[tilespmem:v51+s3+$0x0] =	vst.idx.add.f32.msk $0xffff, v58  }
0x575: {  	[tilespmem:v54+s3+$0x0] =	vst.idx.add.f32.msk $0xffff, v61  }
0x576: {  	[tilespmem:v57+s3+$0x0] =	vst.idx.add.f32.msk $0xffff, v8  }
0x577: {  	[tilespmem:v60+s3+$0x0] =	vst.idx.add.f32.msk $0xffff, v11  }
0x578: {  	[tilespmem:v63+s3+$0x0] =	vst.idx.add.f32.msk $0xffff, v14  }
0x579: {  	[tilespmem:v10+s3+$0x0] =	vst.idx.add.f32.msk $0xffff, v22  }
0x57a: {  	v25 =	vld [tilespmem:s5+$0x10]  }
0x57b: {  	v28 =	vld [tilespmem:s5+$0x20]  }
0x57c: {  	v31 =	vld [tilespmem:s5+$0x30]  }
0x57d: {  	v34 =	vld [tilespmem:s5+$0x40]  }
0x57e: {  	v37 =	vld [tilespmem:s5+$0x50]  }
0x57f: {  	v40 =	vld [tilespmem:s5+$0x60]  }
0x580: {  	v43 =	vld [tilespmem:s5+$0x70]  }
0x581: {  	v46 =	vld [tilespmem:s5+$0x100]  }
0x582: {  	v49 =	vld [tilespmem:s5+$0x110]  }
0x583: {  	v52 =	vld [tilespmem:s5+$0x120]  }
0x584: {  	v55 =	vld [tilespmem:s5+$0x130]  }
0x585: {  	v58 =	vld [tilespmem:s5+$0x140]  }
0x586: {  	v61 =	vld [tilespmem:s5+$0x1D0]  }
0x587: {  	[tilespmem:v0+s4+$0x0] =	vst.idx.add.f32.msk $0xffff, v3  }
0x588: {  	[tilespmem:v4+s4+$0x0] =	vst.idx.add.f32.msk $0xffff, v26  }
0x589: {  	[tilespmem:v2+s4+$0x0] =	vst.idx.add.f32.msk $0xffff, v29  }
0x58a: {  	[tilespmem:v5+s4+$0x0] =	vst.idx.add.f32.msk $0xffff, v32  }
0x58b: {  	[tilespmem:v27+s4+$0x0] =	vst.idx.add.f32.msk $0xffff, v35  }
0x58c: {  	[tilespmem:v30+s4+$0x0] =	vst.idx.add.f32.msk $0xffff, v38  }
0x58d: {  	[tilespmem:v33+s4+$0x0] =	vst.idx.add.f32.msk $0xffff, v41  }
0x58e: {  	[tilespmem:v36+s4+$0x0] =	vst.idx.add.f32.msk $0xffff, v44  }
0x58f: {  	[tilespmem:v39+s4+$0x0] =	vst.idx.add.f32.msk $0xffff, v47  }
0x590: {  	[tilespmem:v42+s4+$0x0] =	vst.idx.add.f32.msk $0xffff, v50  }
0x591: {  	[tilespmem:v45+s4+$0x0] =	vst.idx.add.f32.msk $0xffff, v53  }
0x592: {  	[tilespmem:v48+s4+$0x0] =	vst.idx.add.f32.msk $0xffff, v56  }
0x593: {  	[tilespmem:v51+s4+$0x0] =	vst.idx.add.f32.msk $0xffff, v59  }
0x594: {  	[tilespmem:v54+s4+$0x0] =	vst.idx.add.f32.msk $0xffff, v62  }
0x595: {  	[tilespmem:v57+s4+$0x0] =	vst.idx.add.f32.msk $0xffff, v9  }
0x596: {  	[tilespmem:v60+s4+$0x0] =	vst.idx.add.f32.msk $0xffff, v12  }
0x597: {  	[tilespmem:v63+s4+$0x0] =	vst.idx.add.f32.msk $0xffff, v20  }
0x598: {  	[tilespmem:v10+s4+$0x0] =	vst.idx.add.f32.msk $0xffff, v23  }
0x599: {  	v26 =	vld [tilespmem:s5+$0x90]  }
0x59a: {  	v29 =	vld [tilespmem:s5+$0xA0]  }
0x59b: {  	v32 =	vld [tilespmem:s5+$0xB0]  }
0x59c: {  	v35 =	vld [tilespmem:s5+$0xC0]  }
0x59d: {  	v38 =	vld [tilespmem:s5+$0xD0]  }
0x59e: {  	v41 =	vld [tilespmem:s5+$0xE0]  }
0x59f: {  	v44 =	vld [tilespmem:s5+$0xF0]  }
0x5a0: {  	v47 =	vld [tilespmem:s5+$0x180]  }
0x5a1: {  	v50 =	vld [tilespmem:s5+$0x190]  }
0x5a2: {  	v53 =	vld [tilespmem:s5+$0x1A0]  }
0x5a3: {  	v56 =	vld [tilespmem:s5+$0x1B0]  }
0x5a4: {  	v59 =	vld [tilespmem:s5+$0x1C0]  }
0x5a5: {  	v62 =	vld [tilespmem:s5+$0x160]  }
0x5a6: {  	[tilespmem:v0+s12+$0x0] =	vst.idx.add.f32.msk $0xffff, v17  }
0x5a7: {  	[tilespmem:v4+s12+$0x0] =	vst.idx.add.f32.msk $0xffff, v17  }
0x5a8: {  	[tilespmem:v2+s12+$0x0] =	vst.idx.add.f32.msk $0xffff, v17  }
0x5a9: {  	[tilespmem:v5+s12+$0x0] =	vst.idx.add.f32.msk $0xffff, v17  }
0x5aa: {  	[tilespmem:v27+s12+$0x0] =	vst.idx.add.f32.msk $0xffff, v17  }
0x5ab: {  	[tilespmem:v30+s12+$0x0] =	vst.idx.add.f32.msk $0xffff, v17  }
0x5ac: {  	[tilespmem:v33+s12+$0x0] =	vst.idx.add.f32.msk $0xffff, v17  }
0x5ad: {  	[tilespmem:v36+s12+$0x0] =	vst.idx.add.f32.msk $0xffff, v17  }
0x5ae: {  	[tilespmem:v39+s12+$0x0] =	vst.idx.add.f32.msk $0xffff, v17  }
0x5af: {  	[tilespmem:v42+s12+$0x0] =	vst.idx.add.f32.msk $0xffff, v17  }
0x5b0: {  	[tilespmem:v45+s12+$0x0] =	vst.idx.add.f32.msk $0xffff, v17  }
0x5b1: {  	[tilespmem:v48+s12+$0x0] =	vst.idx.add.f32.msk $0xffff, v17  }
0x5b2: {  	[tilespmem:v51+s12+$0x0] =	vst.idx.add.f32.msk $0xffff, v17  }
0x5b3: {  	[tilespmem:v54+s12+$0x0] =	vst.idx.add.f32.msk $0xffff, v17  }
0x5b4: {  	[tilespmem:v57+s12+$0x0] =	vst.idx.add.f32.msk $0xffff, v17  }
0x5b5: {  	[tilespmem:v60+s12+$0x0] =	vst.idx.add.f32.msk $0xffff, v17  }
0x5b6: {  	[tilespmem:v63+s12+$0x0] =	vst.idx.add.f32.msk $0xffff, v17  }
0x5b7: {  	[tilespmem:v10+s12+$0x0] =	vst.idx.add.f32.msk $0xffff, v17  }
0x5b8: {  	v27 =	vld [tilespmem:s10+$0x40]  }
0x5b9: {  	v30 =	vld [tilespmem:s10+$0x50]  }
0x5ba: {  	v33 =	vld [tilespmem:s10+$0x60]  }
0x5bb: {  	v36 =	vld [tilespmem:s10+$0x70]  }
0x5bc: {  	v39 =	vld [tilespmem:s10+$0x100]  }
0x5bd: {  	v42 =	vld [tilespmem:s10+$0x110]  }
0x5be: {  	v45 =	vld [tilespmem:s10+$0x120]  }
0x5bf: {  	v48 =	vld [tilespmem:s10+$0x130]  }
0x5c0: {  	v51 =	vld [tilespmem:s10+$0x140]  }
0x5c1: {  	v54 =	vld [tilespmem:s10+$0x150]  }
0x5c2: {  	v57 =	vld [tilespmem:s10+$0x160]  }
0x5c3: {  	v60 =	vld [tilespmem:s5+$0x150]  }
0x5c4: {  	v63 =	vld [tilespmem:s5+$0x1E0]  }
0x5c5: {  	[tilespmem:v13+s3+$0x0] =	vst.idx.add.f32.msk $0xffff, v25  }
0x5c6: {  	[tilespmem:v21+s3+$0x0] =	vst.idx.add.f32.msk $0xffff, v28  }
0x5c7: {  	[tilespmem:v24+s3+$0x0] =	vst.idx.add.f32.msk $0xffff, v31  }
0x5c8: {  	[tilespmem:v13+s4+$0x0] =	vst.idx.add.f32.msk $0xffff, v26  }
0x5c9: {  	[tilespmem:v21+s4+$0x0] =	vst.idx.add.f32.msk $0xffff, v29  }
0x5ca: {  	[tilespmem:v24+s4+$0x0] =	vst.idx.add.f32.msk $0xffff, v32  }
0x5cb: {  	[tilespmem:v13+s12+$0x0] =	vst.idx.add.f32.msk $0xffff, v17  }
0x5cc: {  	[tilespmem:v21+s12+$0x0] =	vst.idx.add.f32.msk $0xffff, v17  }
0x5cd: {  	[tilespmem:v24+s12+$0x0] =	vst.idx.add.f32.msk $0xffff, v17  }
0x5ce: {  	[tilespmem:v27+s3+$0x0] =	vst.idx.add.f32.msk $0xffff, v34  }
0x5cf: {  	[tilespmem:v30+s3+$0x0] =	vst.idx.add.f32.msk $0xffff, v37  }
0x5d0: {  	[tilespmem:v33+s3+$0x0] =	vst.idx.add.f32.msk $0xffff, v40  }
0x5d1: {  	[tilespmem:v36+s3+$0x0] =	vst.idx.add.f32.msk $0xffff, v43  }
0x5d2: {  	[tilespmem:v39+s3+$0x0] =	vst.idx.add.f32.msk $0xffff, v46  }
0x5d3: {  	[tilespmem:v42+s3+$0x0] =	vst.idx.add.f32.msk $0xffff, v49  }
0x5d4: {  	[tilespmem:v45+s3+$0x0] =	vst.idx.add.f32.msk $0xffff, v52  }
0x5d5: {  	[tilespmem:v48+s3+$0x0] =	vst.idx.add.f32.msk $0xffff, v55  }
0x5d6: {  	[tilespmem:v51+s3+$0x0] =	vst.idx.add.f32.msk $0xffff, v58  }
0x5d7: {  	[tilespmem:v54+s3+$0x0] =	vst.idx.add.f32.msk $0xffff, v60  }
0x5d8: {  	[tilespmem:v57+s3+$0x0] =	vst.idx.add.f32.msk $0xffff, v62  }
0x5d9: {  	[tilespmem:v27+s4+$0x0] =	vst.idx.add.f32.msk $0xffff, v35  }
0x5da: {  	[tilespmem:v30+s4+$0x0] =	vst.idx.add.f32.msk $0xffff, v38  }
0x5db: {  	[tilespmem:v33+s4+$0x0] =	vst.idx.add.f32.msk $0xffff, v41  }
0x5dc: {  	[tilespmem:v36+s4+$0x0] =	vst.idx.add.f32.msk $0xffff, v44  }
0x5dd: {  	[tilespmem:v39+s4+$0x0] =	vst.idx.add.f32.msk $0xffff, v47  }
0x5de: {  	[tilespmem:v42+s4+$0x0] =	vst.idx.add.f32.msk $0xffff, v50  }
0x5df: {  	[tilespmem:v45+s4+$0x0] =	vst.idx.add.f32.msk $0xffff, v53  }
0x5e0: {  	[tilespmem:v48+s4+$0x0] =	vst.idx.add.f32.msk $0xffff, v56  }
0x5e1: {  	[tilespmem:v51+s4+$0x0] =	vst.idx.add.f32.msk $0xffff, v59  }
0x5e2: {  	[tilespmem:v54+s4+$0x0] =	vst.idx.add.f32.msk $0xffff, v61  }
0x5e3: {  	[tilespmem:v57+s4+$0x0] =	vst.idx.add.f32.msk $0xffff, v63  }
0x5e4: {  	[tilespmem:v27+s12+$0x0] =	vst.idx.add.f32.msk $0xffff, v17  }
0x5e5: {  	[tilespmem:v30+s12+$0x0] =	vst.idx.add.f32.msk $0xffff, v17  }
0x5e6: {  	[tilespmem:v33+s12+$0x0] =	vst.idx.add.f32.msk $0xffff, v17  }
0x5e7: {  	[tilespmem:v36+s12+$0x0] =	vst.idx.add.f32.msk $0xffff, v17  }
0x5e8: {  	[tilespmem:v39+s12+$0x0] =	vst.idx.add.f32.msk $0xffff, v17  }
0x5e9: {  	[tilespmem:v42+s12+$0x0] =	vst.idx.add.f32.msk $0xffff, v17  }
0x5ea: {  	[tilespmem:v45+s12+$0x0] =	vst.idx.add.f32.msk $0xffff, v17  }
0x5eb: {  	[tilespmem:v48+s12+$0x0] =	vst.idx.add.f32.msk $0xffff, v17  }
0x5ec: {  	[tilespmem:v51+s12+$0x0] =	vst.idx.add.f32.msk $0xffff, v17  }
0x5ed: {  	[tilespmem:v54+s12+$0x0] =	vst.idx.add.f32.msk $0xffff, v17  }
0x5ee: {  	s11 =	simm.s32 $0x1B180;
	s10 =	simm.s32 $0x0;
	[tilespmem:v57+s12+$0x0] =	vst.idx.add.f32.msk $0xffff, v17  }
.LBB2_11:
0x5ef: {  	v0 =	vld [tilespmem:s11+$0x170]  }
0x5f0: {  	v31 =	vld [tilespmem:s11+$0xFFFFFE10]  }
0x5f1: {  	v29 =	vld [tilespmem:s11+$0xFFFFFE20]  }
0x5f2: {  	v30 =	vld [tilespmem:s11+$0xFFFFFE30]  }
0x5f3: {  	v28 =	vld [tilespmem:s11+$0xFFFFFE40]  }
0x5f4: {  	v26 =	vld [tilespmem:s11+$0xFFFFFE50]  }
0x5f5: {  	v27 =	vld [tilespmem:s11+$0xFFFFFE60]  }
0x5f6: {  	v25 =	vld [tilespmem:s11+$0xFFFFFE70]  }
0x5f7: {  	v24 =	vld [tilespmem:s11+$0xFFFFFF00]  }
0x5f8: {  	v23 =	vld [tilespmem:s11+$0xFFFFFF10]  }
0x5f9: {  	v22 =	vld [tilespmem:s11+$0xFFFFFF20]  }
0x5fa: {  	v21 =	vld [tilespmem:s11+$0xFFFFFF30]  }
0x5fb: {  	v20 =	vld [tilespmem:s11+$0xFFFFFF40]  }
0x5fc: {  	v19 =	vld [tilespmem:s11+$0xFFFFFF50]  }
0x5fd: {  	v18 =	vld [tilespmem:s11+$0xFFFFFF60]  }
0x5fe: {  	v16 =	vld [tilespmem:s11+$0x0]  }
0x5ff: {  	v15 =	vld [tilespmem:s11+$0x10]  }
0x600: {  	v14 =	vld [tilespmem:s11+$0x20]  }
0x601: {  	v13 =	vld [tilespmem:s11+$0x30]  }
0x602: {  	v12 =	vld [tilespmem:s11+$0x40]  }
0x603: {  	v11 =	vld [tilespmem:s11+$0x50]  }
0x604: {  	v10 =	vld [tilespmem:s11+$0x60]  }
0x605: {  	v9 =	vld [tilespmem:s11+$0x70]  }
0x606: {  	v33 =	vld [tilespmem:s11+$0x100]  }
0x607: {  	v36 =	vld [tilespmem:s11+$0x110]  }
0x608: {  	v39 =	vld [tilespmem:s11+$0x120]  }
0x609: {  	v42 =	vld [tilespmem:s11+$0x130]  }
0x60a: {  	v45 =	vld [tilespmem:s11+$0x140]  }
0x60b: {  	v48 =	vld [tilespmem:s11+$0x150]  }
0x60c: {  	s5 =	sadd.s32 $0x400, s5;
	v51 =	vld [tilespmem:s11+$0x160]  }
0x60d: {  	v1 =	vld [tilespmem:s5+$0x170]  }
0x60e: {  	v2 =	vld [tilespmem:s5+$0x1F0]  }
0x60f: {  	v3 =	vld [tilespmem:s5+$0xFFFFFE00]  }
0x610: {  	v5 =	vld [tilespmem:s5+$0xFFFFFE10]  }
0x611: {  	v4 =	vld [tilespmem:s5+$0xFFFFFE90]  }
0x612: {  	v7 =	vld [tilespmem:s5+$0xFFFFFE20]  }
0x613: {  	v6 =	vld [tilespmem:s5+$0xFFFFFEA0]  }
0x614: {  	v32 =	vld [tilespmem:s5+$0xFFFFFE30]  }
0x615: {  	v8 =	vld [tilespmem:s5+$0xFFFFFEB0]  }
0x616: {  	v34 =	vld [tilespmem:s5+$0xFFFFFE40]  }
0x617: {  	v35 =	vld [tilespmem:s5+$0xFFFFFEC0]  }
0x618: {  	v37 =	vld [tilespmem:s5+$0xFFFFFE50]  }
0x619: {  	v38 =	vld [tilespmem:s5+$0xFFFFFED0]  }
0x61a: {  	v40 =	vld [tilespmem:s5+$0xFFFFFE60]  }
0x61b: {  	v41 =	vld [tilespmem:s5+$0xFFFFFEE0]  }
0x61c: {  	v43 =	vld [tilespmem:s5+$0xFFFFFE70]  }
0x61d: {  	v44 =	vld [tilespmem:s5+$0xFFFFFEF0]  }
0x61e: {  	v46 =	vld [tilespmem:s5+$0xFFFFFF00]  }
0x61f: {  	v47 =	vld [tilespmem:s5+$0xFFFFFF80]  }
0x620: {  	v49 =	vld [tilespmem:s5+$0xFFFFFF10]  }
0x621: {  	v50 =	vld [tilespmem:s5+$0xFFFFFF90]  }
0x622: {  	v53 =	vld [tilespmem:s5+$0xFFFFFF20]  }
0x623: {  	v52 =	vld [tilespmem:s5+$0xFFFFFFA0]  }
0x624: {  	v55 =	vld [tilespmem:s5+$0xFFFFFF30]  }
0x625: {  	v54 =	vld [tilespmem:s5+$0xFFFFFFB0]  }
0x626: {  	v57 =	vld [tilespmem:s5+$0xFFFFFF40]  }
0x627: {  	v56 =	vld [tilespmem:s5+$0xFFFFFFC0]  }
0x628: {  	v59 =	vld [tilespmem:s5+$0xFFFFFF50]  }
0x629: {  	v62 =	vld [tilespmem:s5+$0xFFFFFF70]  }
0x62a: {  	v58 =	vld [tilespmem:s5+$0xFFFFFFD0]  }
0x62b: {  	v60 =	vld [tilespmem:s5+$0xFFFFFF60]  }
0x62c: {  	v61 =	vld [tilespmem:s5+$0xFFFFFFE0]  }
0x62d: {  	v63 =	vld [tilespmem:s5+$0xFFFFFFF0]  }
0x62e: {  	[tilespmem:$0x1FA60] =	vst v62;
	v62 =	vld [tilespmem:s5+$0x0]  }
0x62f: {  	[tilespmem:v0+s3+$0x0] =	vst.idx.add.f32.msk $0xffff, v1  }
0x630: {  	v1 =	vld [tilespmem:s11+$0xFFFFFE00]  }
0x631: {  	[tilespmem:v31+s3+$0x0] =	vst.idx.add.f32.msk $0xffff, v5  }
0x632: {  	[tilespmem:v29+s3+$0x0] =	vst.idx.add.f32.msk $0xffff, v7  }
0x633: {  	[tilespmem:v30+s3+$0x0] =	vst.idx.add.f32.msk $0xffff, v32  }
0x634: {  	[tilespmem:v28+s3+$0x0] =	vst.idx.add.f32.msk $0xffff, v34  }
0x635: {  	[tilespmem:v26+s3+$0x0] =	vst.idx.add.f32.msk $0xffff, v37  }
0x636: {  	[tilespmem:v27+s3+$0x0] =	vst.idx.add.f32.msk $0xffff, v40  }
0x637: {  	[tilespmem:v25+s3+$0x0] =	vst.idx.add.f32.msk $0xffff, v43  }
0x638: {  	[tilespmem:v24+s3+$0x0] =	vst.idx.add.f32.msk $0xffff, v46  }
0x639: {  	[tilespmem:$0x1FA70] =	vst v62;
	v62 =	vld [tilespmem:s5+$0x80]  }
0x63a: {  	[tilespmem:v23+s3+$0x0] =	vst.idx.add.f32.msk $0xffff, v49  }
0x63b: {  	[tilespmem:v22+s3+$0x0] =	vst.idx.add.f32.msk $0xffff, v53  }
0x63c: {  	[tilespmem:v21+s3+$0x0] =	vst.idx.add.f32.msk $0xffff, v55  }
0x63d: {  	[tilespmem:v20+s3+$0x0] =	vst.idx.add.f32.msk $0xffff, v57  }
0x63e: {  	[tilespmem:$0x1FA80] =	vst v62;
	v62 =	vld [tilespmem:s5+$0x10]  }
0x63f: {  	[tilespmem:v19+s3+$0x0] =	vst.idx.add.f32.msk $0xffff, v59  }
0x640: {  	[tilespmem:v18+s3+$0x0] =	vst.idx.add.f32.msk $0xffff, v60  }
0x641: {  	[tilespmem:v0+s4+$0x0] =	vst.idx.add.f32.msk $0xffff, v2  }
0x642: {  	v2 =	vld [tilespmem:s5+$0xFFFFFE80]  }
0x643: {  	[tilespmem:$0x1FA90] =	vst v62;
	v62 =	vld [tilespmem:s5+$0x90]  }
0x644: {  	[tilespmem:v31+s4+$0x0] =	vst.idx.add.f32.msk $0xffff, v4  }
0x645: {  	[tilespmem:v29+s4+$0x0] =	vst.idx.add.f32.msk $0xffff, v6  }
0x646: {  	[tilespmem:v30+s4+$0x0] =	vst.idx.add.f32.msk $0xffff, v8  }
0x647: {  	[tilespmem:v28+s4+$0x0] =	vst.idx.add.f32.msk $0xffff, v35  }
0x648: {  	[tilespmem:$0x1FAA0] =	vst v62;
	v62 =	vld [tilespmem:s5+$0x20]  }
0x649: {  	[tilespmem:v26+s4+$0x0] =	vst.idx.add.f32.msk $0xffff, v38  }
0x64a: {  	[tilespmem:v27+s4+$0x0] =	vst.idx.add.f32.msk $0xffff, v41  }
0x64b: {  	[tilespmem:v25+s4+$0x0] =	vst.idx.add.f32.msk $0xffff, v44  }
0x64c: {  	[tilespmem:v24+s4+$0x0] =	vst.idx.add.f32.msk $0xffff, v47  }
0x64d: {  	[tilespmem:$0x1FAB0] =	vst v62;
	v62 =	vld [tilespmem:s5+$0xA0]  }
0x64e: {  	[tilespmem:v23+s4+$0x0] =	vst.idx.add.f32.msk $0xffff, v50  }
0x64f: {  	[tilespmem:v22+s4+$0x0] =	vst.idx.add.f32.msk $0xffff, v52  }
0x650: {  	[tilespmem:v21+s4+$0x0] =	vst.idx.add.f32.msk $0xffff, v54  }
0x651: {  	[tilespmem:v20+s4+$0x0] =	vst.idx.add.f32.msk $0xffff, v56  }
0x652: {  	[tilespmem:$0x1FAC0] =	vst v62;
	v62 =	vld [tilespmem:s5+$0x30]  }
0x653: {  	[tilespmem:v19+s4+$0x0] =	vst.idx.add.f32.msk $0xffff, v58  }
0x654: {  	[tilespmem:v18+s4+$0x0] =	vst.idx.add.f32.msk $0xffff, v61  }
0x655: {  	[tilespmem:v0+s12+$0x0] =	vst.idx.add.f32.msk $0xffff, v17  }
0x656: {  	v17 =	vld [tilespmem:s11+$0xFFFFFF70]  }
0x657: {  	v0 =	vimm.f32 $1.000000000e+00;
	[tilespmem:$0x1FAD0] =	vst v62;
	v62 =	vld [tilespmem:s5+$0xB0]  }
0x658: {  	[tilespmem:v31+s12+$0x0] =	vst.idx.add.f32.msk $0xffff, v0  }
0x659: {  	[tilespmem:v29+s12+$0x0] =	vst.idx.add.f32.msk $0xffff, v0  }
0x65a: {  	[tilespmem:v30+s12+$0x0] =	vst.idx.add.f32.msk $0xffff, v0  }
0x65b: {  	[tilespmem:v28+s12+$0x0] =	vst.idx.add.f32.msk $0xffff, v0  }
0x65c: {  	[tilespmem:$0x1FAE0] =	vst v62;
	v62 =	vld [tilespmem:s5+$0x40]  }
0x65d: {  	[tilespmem:v26+s12+$0x0] =	vst.idx.add.f32.msk $0xffff, v0  }
0x65e: {  	[tilespmem:v27+s12+$0x0] =	vst.idx.add.f32.msk $0xffff, v0  }
0x65f: {  	[tilespmem:v25+s12+$0x0] =	vst.idx.add.f32.msk $0xffff, v0  }
0x660: {  	[tilespmem:v24+s12+$0x0] =	vst.idx.add.f32.msk $0xffff, v0  }
0x661: {  	[tilespmem:$0x1FAF0] =	vst v62;
	v62 =	vld [tilespmem:s5+$0xC0]  }
0x662: {  	[tilespmem:v23+s12+$0x0] =	vst.idx.add.f32.msk $0xffff, v0  }
0x663: {  	[tilespmem:v22+s12+$0x0] =	vst.idx.add.f32.msk $0xffff, v0  }
0x664: {  	[tilespmem:v21+s12+$0x0] =	vst.idx.add.f32.msk $0xffff, v0  }
0x665: {  	[tilespmem:v20+s12+$0x0] =	vst.idx.add.f32.msk $0xffff, v0  }
0x666: {  	[tilespmem:$0x1FB00] =	vst v62;
	v62 =	vld [tilespmem:s5+$0x50]  }
0x667: {  	[tilespmem:v19+s12+$0x0] =	vst.idx.add.f32.msk $0xffff, v0  }
0x668: {  	[tilespmem:v18+s12+$0x0] =	vst.idx.add.f32.msk $0xffff, v0  }
0x669: {  	v27 =	vld [tilespmem:$0x1FA70]  }
0x66a: {  	v26 =	vld [tilespmem:$0x1FA60]  }
0x66b: {  	[tilespmem:$0x1FB10] =	vst v62;
	v62 =	vld [tilespmem:s5+$0xD0]  }
0x66c: {  	[tilespmem:v1+s3+$0x0] =	vst.idx.add.f32.msk $0xffff, v3  }
0x66d: {  	[tilespmem:v1+s4+$0x0] =	vst.idx.add.f32.msk $0xffff, v2  }
0x66e: {  	[tilespmem:v16+s3+$0x0] =	vst.idx.add.f32.msk $0xffff, v27  }
0x66f: {  	v28 =	vld [tilespmem:$0x1FA80]  }
0x670: {  	[tilespmem:$0x1FB20] =	vst v62;
	v62 =	vld [tilespmem:s5+$0x60]  }
0x671: {  	[tilespmem:v1+s12+$0x0] =	vst.idx.add.f32.msk $0xffff, v0  }
0x672: {  	[tilespmem:v17+s3+$0x0] =	vst.idx.add.f32.msk $0xffff, v26  }
0x673: {  	[tilespmem:v17+s4+$0x0] =	vst.idx.add.f32.msk $0xffff, v63  }
0x674: {  	[tilespmem:v17+s12+$0x0] =	vst.idx.add.f32.msk $0xffff, v0  }
0x675: {  	[tilespmem:$0x1FB30] =	vst v62;
	v62 =	vld [tilespmem:s5+$0xE0]  }
0x676: {  	v29 =	vld [tilespmem:$0x1FA90]  }
0x677: {  	[tilespmem:v16+s4+$0x0] =	vst.idx.add.f32.msk $0xffff, v28  }
0x678: {  	v17 =	vimm.f32 $1.000000000e+00;
	v30 =	vld [tilespmem:$0x1FAA0]  }
0x679: {  	[tilespmem:v16+s12+$0x0] =	vst.idx.add.f32.msk $0xffff, v17  }
0x67a: {  	[tilespmem:$0x1FB40] =	vst v62;
	v62 =	vld [tilespmem:s5+$0x70]  }
0x67b: {  	[tilespmem:v15+s3+$0x0] =	vst.idx.add.f32.msk $0xffff, v29  }
0x67c: {  	v31 =	vld [tilespmem:$0x1FAB0]  }
0x67d: {  	[tilespmem:v15+s4+$0x0] =	vst.idx.add.f32.msk $0xffff, v30  }
0x67e: {  	v32 =	vld [tilespmem:$0x1FAC0]  }
0x67f: {  	[tilespmem:$0x1FB50] =	vst v62;
	v62 =	vld [tilespmem:s5+$0xF0]  }
0x680: {  	[tilespmem:v15+s12+$0x0] =	vst.idx.add.f32.msk $0xffff, v17  }
0x681: {  	[tilespmem:v14+s3+$0x0] =	vst.idx.add.f32.msk $0xffff, v31  }
0x682: {  	v34 =	vld [tilespmem:$0x1FAD0]  }
0x683: {  	[tilespmem:v14+s4+$0x0] =	vst.idx.add.f32.msk $0xffff, v32  }
0x684: {  	[tilespmem:$0x1FB60] =	vst v62;
	v62 =	vld [tilespmem:s5+$0x100]  }
0x685: {  	v35 =	vld [tilespmem:$0x1FAE0]  }
0x686: {  	[tilespmem:v14+s12+$0x0] =	vst.idx.add.f32.msk $0xffff, v17  }
0x687: {  	[tilespmem:v13+s3+$0x0] =	vst.idx.add.f32.msk $0xffff, v34  }
0x688: {  	v37 =	vld [tilespmem:$0x1FAF0]  }
0x689: {  	[tilespmem:$0x1FB70] =	vst v62;
	v62 =	vld [tilespmem:s5+$0x180]  }
0x68a: {  	[tilespmem:v13+s4+$0x0] =	vst.idx.add.f32.msk $0xffff, v35  }
0x68b: {  	v38 =	vld [tilespmem:$0x1FB00]  }
0x68c: {  	[tilespmem:v13+s12+$0x0] =	vst.idx.add.f32.msk $0xffff, v17  }
0x68d: {  	[tilespmem:v12+s3+$0x0] =	vst.idx.add.f32.msk $0xffff, v37  }
0x68e: {  	[tilespmem:$0x1FB80] =	vst v62;
	v62 =	vld [tilespmem:s5+$0x110]  }
0x68f: {  	v40 =	vld [tilespmem:$0x1FB10]  }
0x690: {  	[tilespmem:v12+s4+$0x0] =	vst.idx.add.f32.msk $0xffff, v38  }
0x691: {  	v41 =	vld [tilespmem:$0x1FB20]  }
0x692: {  	[tilespmem:v12+s12+$0x0] =	vst.idx.add.f32.msk $0xffff, v17  }
0x693: {  	[tilespmem:$0x1FB90] =	vst v62;
	v62 =	vld [tilespmem:s5+$0x190]  }
0x694: {  	[tilespmem:v11+s3+$0x0] =	vst.idx.add.f32.msk $0xffff, v40  }
0x695: {  	v43 =	vld [tilespmem:$0x1FB30]  }
0x696: {  	[tilespmem:v11+s4+$0x0] =	vst.idx.add.f32.msk $0xffff, v41  }
0x697: {  	v44 =	vld [tilespmem:$0x1FB40]  }
0x698: {  	[tilespmem:$0x1FBA0] =	vst v62;
	v62 =	vld [tilespmem:s5+$0x120]  }
0x699: {  	[tilespmem:v11+s12+$0x0] =	vst.idx.add.f32.msk $0xffff, v17  }
0x69a: {  	[tilespmem:v10+s3+$0x0] =	vst.idx.add.f32.msk $0xffff, v43  }
0x69b: {  	v46 =	vld [tilespmem:$0x1FB50]  }
0x69c: {  	[tilespmem:v10+s4+$0x0] =	vst.idx.add.f32.msk $0xffff, v44  }
0x69d: {  	[tilespmem:$0x1FBB0] =	vst v62;
	v62 =	vld [tilespmem:s5+$0x1A0]  }
0x69e: {  	v47 =	vld [tilespmem:$0x1FB60]  }
0x69f: {  	[tilespmem:v10+s12+$0x0] =	vst.idx.add.f32.msk $0xffff, v17  }
0x6a0: {  	[tilespmem:v9+s3+$0x0] =	vst.idx.add.f32.msk $0xffff, v46  }
0x6a1: {  	v49 =	vld [tilespmem:$0x1FB70]  }
0x6a2: {  	[tilespmem:$0x1FBC0] =	vst v62;
	v62 =	vld [tilespmem:s5+$0x130]  }
0x6a3: {  	[tilespmem:v9+s4+$0x0] =	vst.idx.add.f32.msk $0xffff, v47  }
0x6a4: {  	v50 =	vld [tilespmem:$0x1FB80]  }
0x6a5: {  	[tilespmem:v9+s12+$0x0] =	vst.idx.add.f32.msk $0xffff, v17  }
0x6a6: {  	[tilespmem:v33+s3+$0x0] =	vst.idx.add.f32.msk $0xffff, v49  }
0x6a7: {  	[tilespmem:$0x1FBD0] =	vst v62;
	v62 =	vld [tilespmem:s5+$0x1B0]  }
0x6a8: {  	v52 =	vld [tilespmem:$0x1FB90]  }
0x6a9: {  	[tilespmem:v33+s4+$0x0] =	vst.idx.add.f32.msk $0xffff, v50  }
0x6aa: {  	v53 =	vld [tilespmem:$0x1FBA0]  }
0x6ab: {  	[tilespmem:v33+s12+$0x0] =	vst.idx.add.f32.msk $0xffff, v17  }
0x6ac: {  	[tilespmem:$0x1FBE0] =	vst v62;
	v62 =	vld [tilespmem:s5+$0x140]  }
0x6ad: {  	[tilespmem:v36+s3+$0x0] =	vst.idx.add.f32.msk $0xffff, v52  }
0x6ae: {  	v54 =	vld [tilespmem:$0x1FBB0]  }
0x6af: {  	[tilespmem:v36+s4+$0x0] =	vst.idx.add.f32.msk $0xffff, v53  }
0x6b0: {  	v55 =	vld [tilespmem:$0x1FBC0]  }
0x6b1: {  	[tilespmem:$0x1FBF0] =	vst v62;
	v62 =	vld [tilespmem:s5+$0x1C0]  }
0x6b2: {  	[tilespmem:v36+s12+$0x0] =	vst.idx.add.f32.msk $0xffff, v17  }
0x6b3: {  	[tilespmem:v39+s3+$0x0] =	vst.idx.add.f32.msk $0xffff, v54  }
0x6b4: {  	v56 =	vld [tilespmem:$0x1FBD0]  }
0x6b5: {  	[tilespmem:v39+s4+$0x0] =	vst.idx.add.f32.msk $0xffff, v55  }
0x6b6: {  	[tilespmem:$0x1FC00] =	vst v62;
	v62 =	vld [tilespmem:s5+$0x150]  }
0x6b7: {  	[tilespmem:v39+s12+$0x0] =	vst.idx.add.f32.msk $0xffff, v17  }
0x6b8: {  	v57 =	vld [tilespmem:$0x1FBE0]  }
0x6b9: {  	[tilespmem:v42+s3+$0x0] =	vst.idx.add.f32.msk $0xffff, v56  }
0x6ba: {  	v58 =	vld [tilespmem:$0x1FBF0]  }
0x6bb: {  	[tilespmem:$0x1FC10] =	vst v62;
	v62 =	vld [tilespmem:s5+$0x1D0]  }
0x6bc: {  	v59 =	vld [tilespmem:$0x1FC00]  }
0x6bd: {  	[tilespmem:v42+s4+$0x0] =	vst.idx.add.f32.msk $0xffff, v57  }
0x6be: {  	[tilespmem:v42+s12+$0x0] =	vst.idx.add.f32.msk $0xffff, v17  }
0x6bf: {  	[tilespmem:v45+s3+$0x0] =	vst.idx.add.f32.msk $0xffff, v58  }
0x6c0: {  	[tilespmem:$0x1FC20] =	vst v62;
	v62 =	vld [tilespmem:s5+$0x160]  }
0x6c1: {  	[tilespmem:v45+s4+$0x0] =	vst.idx.add.f32.msk $0xffff, v59  }
0x6c2: {  	v60 =	vld [tilespmem:$0x1FC10]  }
0x6c3: {  	[tilespmem:v45+s12+$0x0] =	vst.idx.add.f32.msk $0xffff, v17  }
0x6c4: {  	v61 =	vld [tilespmem:$0x1FC20]  }
0x6c5: {  	[tilespmem:$0x1FC30] =	vst v62  }
0x6c6: {  	v63 =	vld [tilespmem:$0x1FC30]  }
0x6c7: {  	s10 =	sadd.s32 $0x20, s10;
	v62 =	vld [tilespmem:s5+$0x1E0]  }
0x6c8: {  	p0 =	slt.u32 s10, $0x60;
	[tilespmem:v48+s3+$0x0] =	vst.idx.add.f32.msk $0xffff, v60  }
.Ltmp4:
0x6c9: {  	[tilespmem:v48+s4+$0x0] =	vst.idx.add.f32.msk $0xffff, v61;
	(pc) =	sbr.rel @p0 .LBB2_11-.Ltmp4, $4  }
0x6ca: {  	[tilespmem:v48+s12+$0x0] =	vst.idx.add.f32.msk $0xffff, v17  }
0x6cb: {  	[tilespmem:v51+s3+$0x0] =	vst.idx.add.f32.msk $0xffff, v63  }
0x6cc: {  	[tilespmem:v51+s4+$0x0] =	vst.idx.add.f32.msk $0xffff, v62  }
0x6cd: {  	s11 =	sadd.s32 $0x400, s11;
	[tilespmem:v51+s12+$0x0] =	vst.idx.add.f32.msk $0xffff, v17  }
0x6ce: {  	_ =	swait.ge [sflag:s6], $0x800  }
0x6cf: {  	[sflag:s6] =	ssyncset.done $0x0  }
0x6d0: {  	[sflag:s6] =	ssyncadd.s32 $0xFFFFF800  }
0x6d1: {  	_ =	swait.ge [sflag:s6], $0x800  }
0x6d2: {  	[sflag:s6] =	ssyncset.done $0x0  }
0x6d3: {  	[sflag:s6] =	ssyncadd.s32 $0xFFFFF800  }
0x6d4: {  	_ =	swait.ge [sflag:s6], $0x800  }
0x6d5: {  	[sflag:s6] =	ssyncset.done $0x0  }
0x6d6: {  	s10 =	simm.s32 $0x1AE00;
	[sflag:s6] =	ssyncadd.s32 $0xFFFFF800  }
0x6d7: {  	s5 =	simm.s32 $0x1CF70;
	v0 =	vld [tilespmem:s10+$0x170]  }
0x6d8: {  	v1 =	vld [tilespmem:s5+$0xFFFFFF80]  }
0x6d9: {  	v2 =	vld [tilespmem:s10+$0xFFFFFE10]  }
0x6da: {  	v3 =	vld [tilespmem:s5+$0x0]  }
0x6db: {  	v4 =	vld [tilespmem:s10+$0xFFFFFE00]  }
0x6dc: {  	v5 =	vld [tilespmem:s10+$0xFFFFFE20]  }
0x6dd: {  	v25 =	vld [tilespmem:s5+$0xFFFFFC10]  }
0x6de: {  	v26 =	vld [tilespmem:s5+$0xFFFFFC90]  }
0x6df: {  	v27 =	vld [tilespmem:s10+$0xFFFFFE30]  }
0x6e0: {  	v28 =	vld [tilespmem:s5+$0xFFFFFC20]  }
0x6e1: {  	v29 =	vld [tilespmem:s5+$0xFFFFFCA0]  }
0x6e2: {  	v30 =	vld [tilespmem:s10+$0xFFFFFE40]  }
0x6e3: {  	v31 =	vld [tilespmem:s5+$0xFFFFFC30]  }
0x6e4: {  	v32 =	vld [tilespmem:s5+$0xFFFFFCB0]  }
0x6e5: {  	v33 =	vld [tilespmem:s10+$0xFFFFFE50]  }
0x6e6: {  	v34 =	vld [tilespmem:s5+$0xFFFFFC40]  }
0x6e7: {  	v35 =	vld [tilespmem:s5+$0xFFFFFCC0]  }
0x6e8: {  	v36 =	vld [tilespmem:s10+$0xFFFFFE60]  }
0x6e9: {  	v37 =	vld [tilespmem:s5+$0xFFFFFC50]  }
0x6ea: {  	v38 =	vld [tilespmem:s5+$0xFFFFFCD0]  }
0x6eb: {  	v39 =	vld [tilespmem:s10+$0xFFFFFE70]  }
0x6ec: {  	v40 =	vld [tilespmem:s5+$0xFFFFFC60]  }
0x6ed: {  	v41 =	vld [tilespmem:s5+$0xFFFFFCE0]  }
0x6ee: {  	v42 =	vld [tilespmem:s10+$0xFFFFFF00]  }
0x6ef: {  	v43 =	vld [tilespmem:s5+$0xFFFFFC70]  }
0x6f0: {  	v44 =	vld [tilespmem:s5+$0xFFFFFCF0]  }
0x6f1: {  	v45 =	vld [tilespmem:s10+$0xFFFFFF10]  }
0x6f2: {  	v46 =	vld [tilespmem:s5+$0xFFFFFC80]  }
0x6f3: {  	v47 =	vld [tilespmem:s5+$0xFFFFFD00]  }
0x6f4: {  	v48 =	vld [tilespmem:s10+$0xFFFFFF20]  }
0x6f5: {  	v49 =	vld [tilespmem:s5+$0xFFFFFD10]  }
0x6f6: {  	v50 =	vld [tilespmem:s5+$0xFFFFFD90]  }
0x6f7: {  	v51 =	vld [tilespmem:s10+$0xFFFFFF30]  }
0x6f8: {  	v52 =	vld [tilespmem:s5+$0xFFFFFD20]  }
0x6f9: {  	v53 =	vld [tilespmem:s5+$0xFFFFFDA0]  }
0x6fa: {  	v54 =	vld [tilespmem:s10+$0xFFFFFF40]  }
0x6fb: {  	v55 =	vld [tilespmem:s5+$0xFFFFFD30]  }
0x6fc: {  	v56 =	vld [tilespmem:s5+$0xFFFFFDB0]  }
0x6fd: {  	v57 =	vld [tilespmem:s10+$0xFFFFFF50]  }
0x6fe: {  	v58 =	vld [tilespmem:s5+$0xFFFFFD40]  }
0x6ff: {  	v59 =	vld [tilespmem:s5+$0xFFFFFDC0]  }
0x700: {  	v60 =	vld [tilespmem:s10+$0xFFFFFF60]  }
0x701: {  	v61 =	vld [tilespmem:s5+$0xFFFFFD50]  }
0x702: {  	v62 =	vld [tilespmem:s5+$0xFFFFFDD0]  }
0x703: {  	v63 =	vld [tilespmem:s10+$0xFFFFFF70]  }
0x704: {  	v8 =	vld [tilespmem:s5+$0xFFFFFD60]  }
0x705: {  	v9 =	vld [tilespmem:s5+$0xFFFFFDE0]  }
0x706: {  	v10 =	vld [tilespmem:s10+$0x0]  }
0x707: {  	v11 =	vld [tilespmem:s5+$0xFFFFFD70]  }
0x708: {  	v12 =	vld [tilespmem:s5+$0xFFFFFDF0]  }
0x709: {  	v13 =	vld [tilespmem:s10+$0x10]  }
0x70a: {  	v14 =	vld [tilespmem:s5+$0xFFFFFD80]  }
0x70b: {  	v20 =	vld [tilespmem:s5+$0xFFFFFE00]  }
0x70c: {  	v21 =	vld [tilespmem:s10+$0x20]  }
0x70d: {  	v22 =	vld [tilespmem:s5+$0xFFFFFE10]  }
0x70e: {  	v23 =	vld [tilespmem:s5+$0xFFFFFE90]  }
0x70f: {  	v24 =	vld [tilespmem:s10+$0x30]  }
0x710: {  	[tilespmem:v0+s3+$0x0] =	vst.idx.add.f32.msk $0xffff, v1  }
0x711: {  	[tilespmem:v4+s3+$0x0] =	vst.idx.add.f32.msk $0xffff, v25  }
0x712: {  	[tilespmem:v2+s3+$0x0] =	vst.idx.add.f32.msk $0xffff, v28  }
0x713: {  	[tilespmem:v5+s3+$0x0] =	vst.idx.add.f32.msk $0xffff, v31  }
0x714: {  	[tilespmem:v27+s3+$0x0] =	vst.idx.add.f32.msk $0xffff, v34  }
0x715: {  	[tilespmem:v30+s3+$0x0] =	vst.idx.add.f32.msk $0xffff, v37  }
0x716: {  	[tilespmem:v33+s3+$0x0] =	vst.idx.add.f32.msk $0xffff, v40  }
0x717: {  	[tilespmem:v36+s3+$0x0] =	vst.idx.add.f32.msk $0xffff, v43  }
0x718: {  	[tilespmem:v39+s3+$0x0] =	vst.idx.add.f32.msk $0xffff, v46  }
0x719: {  	[tilespmem:v42+s3+$0x0] =	vst.idx.add.f32.msk $0xffff, v49  }
0x71a: {  	[tilespmem:v45+s3+$0x0] =	vst.idx.add.f32.msk $0xffff, v52  }
0x71b: {  	[tilespmem:v48+s3+$0x0] =	vst.idx.add.f32.msk $0xffff, v55  }
0x71c: {  	[tilespmem:v51+s3+$0x0] =	vst.idx.add.f32.msk $0xffff, v58  }
0x71d: {  	[tilespmem:v54+s3+$0x0] =	vst.idx.add.f32.msk $0xffff, v61  }
0x71e: {  	[tilespmem:v57+s3+$0x0] =	vst.idx.add.f32.msk $0xffff, v8  }
0x71f: {  	[tilespmem:v60+s3+$0x0] =	vst.idx.add.f32.msk $0xffff, v11  }
0x720: {  	[tilespmem:v63+s3+$0x0] =	vst.idx.add.f32.msk $0xffff, v14  }
0x721: {  	[tilespmem:v10+s3+$0x0] =	vst.idx.add.f32.msk $0xffff, v22  }
0x722: {  	v25 =	vld [tilespmem:s5+$0xFFFFFE20]  }
0x723: {  	v28 =	vld [tilespmem:s5+$0xFFFFFE30]  }
0x724: {  	v31 =	vld [tilespmem:s5+$0xFFFFFE40]  }
0x725: {  	v34 =	vld [tilespmem:s5+$0xFFFFFE50]  }
0x726: {  	v37 =	vld [tilespmem:s5+$0xFFFFFE60]  }
0x727: {  	v40 =	vld [tilespmem:s5+$0xFFFFFE70]  }
0x728: {  	v43 =	vld [tilespmem:s5+$0xFFFFFE80]  }
0x729: {  	v46 =	vld [tilespmem:s5+$0xFFFFFF10]  }
0x72a: {  	v49 =	vld [tilespmem:s5+$0xFFFFFF20]  }
0x72b: {  	v52 =	vld [tilespmem:s5+$0xFFFFFF30]  }
0x72c: {  	v55 =	vld [tilespmem:s5+$0xFFFFFF40]  }
0x72d: {  	v58 =	vld [tilespmem:s5+$0xFFFFFF50]  }
0x72e: {  	v61 =	vld [tilespmem:s5+$0xFFFFFFE0]  }
0x72f: {  	[tilespmem:v0+s4+$0x0] =	vst.idx.add.f32.msk $0xffff, v3  }
0x730: {  	[tilespmem:v4+s4+$0x0] =	vst.idx.add.f32.msk $0xffff, v26  }
0x731: {  	[tilespmem:v2+s4+$0x0] =	vst.idx.add.f32.msk $0xffff, v29  }
0x732: {  	[tilespmem:v5+s4+$0x0] =	vst.idx.add.f32.msk $0xffff, v32  }
0x733: {  	[tilespmem:v27+s4+$0x0] =	vst.idx.add.f32.msk $0xffff, v35  }
0x734: {  	[tilespmem:v30+s4+$0x0] =	vst.idx.add.f32.msk $0xffff, v38  }
0x735: {  	[tilespmem:v33+s4+$0x0] =	vst.idx.add.f32.msk $0xffff, v41  }
0x736: {  	[tilespmem:v36+s4+$0x0] =	vst.idx.add.f32.msk $0xffff, v44  }
0x737: {  	[tilespmem:v39+s4+$0x0] =	vst.idx.add.f32.msk $0xffff, v47  }
0x738: {  	[tilespmem:v42+s4+$0x0] =	vst.idx.add.f32.msk $0xffff, v50  }
0x739: {  	[tilespmem:v45+s4+$0x0] =	vst.idx.add.f32.msk $0xffff, v53  }
0x73a: {  	[tilespmem:v48+s4+$0x0] =	vst.idx.add.f32.msk $0xffff, v56  }
0x73b: {  	[tilespmem:v51+s4+$0x0] =	vst.idx.add.f32.msk $0xffff, v59  }
0x73c: {  	[tilespmem:v54+s4+$0x0] =	vst.idx.add.f32.msk $0xffff, v62  }
0x73d: {  	[tilespmem:v57+s4+$0x0] =	vst.idx.add.f32.msk $0xffff, v9  }
0x73e: {  	[tilespmem:v60+s4+$0x0] =	vst.idx.add.f32.msk $0xffff, v12  }
0x73f: {  	[tilespmem:v63+s4+$0x0] =	vst.idx.add.f32.msk $0xffff, v20  }
0x740: {  	[tilespmem:v10+s4+$0x0] =	vst.idx.add.f32.msk $0xffff, v23  }
0x741: {  	v26 =	vld [tilespmem:s5+$0xFFFFFEA0]  }
0x742: {  	v29 =	vld [tilespmem:s5+$0xFFFFFEB0]  }
0x743: {  	v32 =	vld [tilespmem:s5+$0xFFFFFEC0]  }
0x744: {  	v35 =	vld [tilespmem:s5+$0xFFFFFED0]  }
0x745: {  	v38 =	vld [tilespmem:s5+$0xFFFFFEE0]  }
0x746: {  	v41 =	vld [tilespmem:s5+$0xFFFFFEF0]  }
0x747: {  	v44 =	vld [tilespmem:s5+$0xFFFFFF00]  }
0x748: {  	v47 =	vld [tilespmem:s5+$0xFFFFFF90]  }
0x749: {  	v50 =	vld [tilespmem:s5+$0xFFFFFFA0]  }
0x74a: {  	v53 =	vld [tilespmem:s5+$0xFFFFFFB0]  }
0x74b: {  	v56 =	vld [tilespmem:s5+$0xFFFFFFC0]  }
0x74c: {  	v59 =	vld [tilespmem:s5+$0xFFFFFFD0]  }
0x74d: {  	v62 =	vld [tilespmem:s5+$0xFFFFFF70]  }
0x74e: {  	[tilespmem:v0+s12+$0x0] =	vst.idx.add.f32.msk $0xffff, v17  }
0x74f: {  	[tilespmem:v4+s12+$0x0] =	vst.idx.add.f32.msk $0xffff, v17  }
0x750: {  	[tilespmem:v2+s12+$0x0] =	vst.idx.add.f32.msk $0xffff, v17  }
0x751: {  	[tilespmem:v5+s12+$0x0] =	vst.idx.add.f32.msk $0xffff, v17  }
0x752: {  	[tilespmem:v27+s12+$0x0] =	vst.idx.add.f32.msk $0xffff, v17  }
0x753: {  	[tilespmem:v30+s12+$0x0] =	vst.idx.add.f32.msk $0xffff, v17  }
0x754: {  	[tilespmem:v33+s12+$0x0] =	vst.idx.add.f32.msk $0xffff, v17  }
0x755: {  	[tilespmem:v36+s12+$0x0] =	vst.idx.add.f32.msk $0xffff, v17  }
0x756: {  	[tilespmem:v39+s12+$0x0] =	vst.idx.add.f32.msk $0xffff, v17  }
0x757: {  	[tilespmem:v42+s12+$0x0] =	vst.idx.add.f32.msk $0xffff, v17  }
0x758: {  	[tilespmem:v45+s12+$0x0] =	vst.idx.add.f32.msk $0xffff, v17  }
0x759: {  	[tilespmem:v48+s12+$0x0] =	vst.idx.add.f32.msk $0xffff, v17  }
0x75a: {  	[tilespmem:v51+s12+$0x0] =	vst.idx.add.f32.msk $0xffff, v17  }
0x75b: {  	[tilespmem:v54+s12+$0x0] =	vst.idx.add.f32.msk $0xffff, v17  }
0x75c: {  	[tilespmem:v57+s12+$0x0] =	vst.idx.add.f32.msk $0xffff, v17  }
0x75d: {  	[tilespmem:v60+s12+$0x0] =	vst.idx.add.f32.msk $0xffff, v17  }
0x75e: {  	[tilespmem:v63+s12+$0x0] =	vst.idx.add.f32.msk $0xffff, v17  }
0x75f: {  	[tilespmem:v10+s12+$0x0] =	vst.idx.add.f32.msk $0xffff, v17  }
0x760: {  	v27 =	vld [tilespmem:s10+$0x40]  }
0x761: {  	v30 =	vld [tilespmem:s10+$0x50]  }
0x762: {  	v33 =	vld [tilespmem:s10+$0x60]  }
0x763: {  	v36 =	vld [tilespmem:s10+$0x70]  }
0x764: {  	v39 =	vld [tilespmem:s10+$0x100]  }
0x765: {  	v42 =	vld [tilespmem:s10+$0x110]  }
0x766: {  	v45 =	vld [tilespmem:s10+$0x120]  }
0x767: {  	v48 =	vld [tilespmem:s10+$0x130]  }
0x768: {  	v51 =	vld [tilespmem:s10+$0x140]  }
0x769: {  	v54 =	vld [tilespmem:s10+$0x150]  }
0x76a: {  	v57 =	vld [tilespmem:s10+$0x160]  }
0x76b: {  	v60 =	vld [tilespmem:s5+$0xFFFFFF60]  }
0x76c: {  	v63 =	vld [tilespmem:s5+$0xFFFFFFF0]  }
0x76d: {  	[tilespmem:v13+s3+$0x0] =	vst.idx.add.f32.msk $0xffff, v25  }
0x76e: {  	[tilespmem:v21+s3+$0x0] =	vst.idx.add.f32.msk $0xffff, v28  }
0x76f: {  	[tilespmem:v24+s3+$0x0] =	vst.idx.add.f32.msk $0xffff, v31  }
0x770: {  	[tilespmem:v13+s4+$0x0] =	vst.idx.add.f32.msk $0xffff, v26  }
0x771: {  	[tilespmem:v21+s4+$0x0] =	vst.idx.add.f32.msk $0xffff, v29  }
0x772: {  	[tilespmem:v24+s4+$0x0] =	vst.idx.add.f32.msk $0xffff, v32  }
0x773: {  	[tilespmem:v13+s12+$0x0] =	vst.idx.add.f32.msk $0xffff, v17  }
0x774: {  	[tilespmem:v21+s12+$0x0] =	vst.idx.add.f32.msk $0xffff, v17  }
0x775: {  	[tilespmem:v24+s12+$0x0] =	vst.idx.add.f32.msk $0xffff, v17  }
0x776: {  	[tilespmem:v27+s3+$0x0] =	vst.idx.add.f32.msk $0xffff, v34  }
0x777: {  	[tilespmem:v30+s3+$0x0] =	vst.idx.add.f32.msk $0xffff, v37  }
0x778: {  	[tilespmem:v33+s3+$0x0] =	vst.idx.add.f32.msk $0xffff, v40  }
0x779: {  	[tilespmem:v36+s3+$0x0] =	vst.idx.add.f32.msk $0xffff, v43  }
0x77a: {  	[tilespmem:v39+s3+$0x0] =	vst.idx.add.f32.msk $0xffff, v46  }
0x77b: {  	[tilespmem:v42+s3+$0x0] =	vst.idx.add.f32.msk $0xffff, v49  }
0x77c: {  	[tilespmem:v45+s3+$0x0] =	vst.idx.add.f32.msk $0xffff, v52  }
0x77d: {  	[tilespmem:v48+s3+$0x0] =	vst.idx.add.f32.msk $0xffff, v55  }
0x77e: {  	[tilespmem:v51+s3+$0x0] =	vst.idx.add.f32.msk $0xffff, v58  }
0x77f: {  	[tilespmem:v54+s3+$0x0] =	vst.idx.add.f32.msk $0xffff, v60  }
0x780: {  	[tilespmem:v57+s3+$0x0] =	vst.idx.add.f32.msk $0xffff, v62  }
0x781: {  	[tilespmem:v27+s4+$0x0] =	vst.idx.add.f32.msk $0xffff, v35  }
0x782: {  	[tilespmem:v30+s4+$0x0] =	vst.idx.add.f32.msk $0xffff, v38  }
0x783: {  	[tilespmem:v33+s4+$0x0] =	vst.idx.add.f32.msk $0xffff, v41  }
0x784: {  	[tilespmem:v36+s4+$0x0] =	vst.idx.add.f32.msk $0xffff, v44  }
0x785: {  	[tilespmem:v39+s4+$0x0] =	vst.idx.add.f32.msk $0xffff, v47  }
0x786: {  	[tilespmem:v42+s4+$0x0] =	vst.idx.add.f32.msk $0xffff, v50  }
0x787: {  	[tilespmem:v45+s4+$0x0] =	vst.idx.add.f32.msk $0xffff, v53  }
0x788: {  	[tilespmem:v48+s4+$0x0] =	vst.idx.add.f32.msk $0xffff, v56  }
0x789: {  	[tilespmem:v51+s4+$0x0] =	vst.idx.add.f32.msk $0xffff, v59  }
0x78a: {  	[tilespmem:v54+s4+$0x0] =	vst.idx.add.f32.msk $0xffff, v61  }
0x78b: {  	[tilespmem:v57+s4+$0x0] =	vst.idx.add.f32.msk $0xffff, v63  }
0x78c: {  	[tilespmem:v27+s12+$0x0] =	vst.idx.add.f32.msk $0xffff, v17  }
0x78d: {  	[tilespmem:v30+s12+$0x0] =	vst.idx.add.f32.msk $0xffff, v17  }
0x78e: {  	[tilespmem:v33+s12+$0x0] =	vst.idx.add.f32.msk $0xffff, v17  }
0x78f: {  	[tilespmem:v36+s12+$0x0] =	vst.idx.add.f32.msk $0xffff, v17  }
0x790: {  	[tilespmem:v39+s12+$0x0] =	vst.idx.add.f32.msk $0xffff, v17  }
0x791: {  	[tilespmem:v42+s12+$0x0] =	vst.idx.add.f32.msk $0xffff, v17  }
0x792: {  	[tilespmem:v45+s12+$0x0] =	vst.idx.add.f32.msk $0xffff, v17  }
0x793: {  	[tilespmem:v48+s12+$0x0] =	vst.idx.add.f32.msk $0xffff, v17  }
0x794: {  	[tilespmem:v51+s12+$0x0] =	vst.idx.add.f32.msk $0xffff, v17  }
0x795: {  	[tilespmem:v54+s12+$0x0] =	vst.idx.add.f32.msk $0xffff, v17  }
0x796: {  	s11 =	simm.s32 $0x1B200;
	s10 =	simm.s32 $0x0;
	[tilespmem:v57+s12+$0x0] =	vst.idx.add.f32.msk $0xffff, v17  }
.LBB2_13:
0x797: {  	v0 =	vld [tilespmem:s11+$0x170]  }
0x798: {  	v31 =	vld [tilespmem:s11+$0xFFFFFE10]  }
0x799: {  	v29 =	vld [tilespmem:s11+$0xFFFFFE20]  }
0x79a: {  	v30 =	vld [tilespmem:s11+$0xFFFFFE30]  }
0x79b: {  	v28 =	vld [tilespmem:s11+$0xFFFFFE40]  }
0x79c: {  	v26 =	vld [tilespmem:s11+$0xFFFFFE50]  }
0x79d: {  	v27 =	vld [tilespmem:s11+$0xFFFFFE60]  }
0x79e: {  	v25 =	vld [tilespmem:s11+$0xFFFFFE70]  }
0x79f: {  	v24 =	vld [tilespmem:s11+$0xFFFFFF00]  }
0x7a0: {  	v23 =	vld [tilespmem:s11+$0xFFFFFF10]  }
0x7a1: {  	v22 =	vld [tilespmem:s11+$0xFFFFFF20]  }
0x7a2: {  	v21 =	vld [tilespmem:s11+$0xFFFFFF30]  }
0x7a3: {  	v20 =	vld [tilespmem:s11+$0xFFFFFF40]  }
0x7a4: {  	v19 =	vld [tilespmem:s11+$0xFFFFFF50]  }
0x7a5: {  	v18 =	vld [tilespmem:s11+$0xFFFFFF60]  }
0x7a6: {  	v16 =	vld [tilespmem:s11+$0x0]  }
0x7a7: {  	v15 =	vld [tilespmem:s11+$0x10]  }
0x7a8: {  	v14 =	vld [tilespmem:s11+$0x20]  }
0x7a9: {  	v13 =	vld [tilespmem:s11+$0x30]  }
0x7aa: {  	v12 =	vld [tilespmem:s11+$0x40]  }
0x7ab: {  	v11 =	vld [tilespmem:s11+$0x50]  }
0x7ac: {  	v10 =	vld [tilespmem:s11+$0x60]  }
0x7ad: {  	v9 =	vld [tilespmem:s11+$0x70]  }
0x7ae: {  	v33 =	vld [tilespmem:s11+$0x100]  }
0x7af: {  	v36 =	vld [tilespmem:s11+$0x110]  }
0x7b0: {  	v39 =	vld [tilespmem:s11+$0x120]  }
0x7b1: {  	v42 =	vld [tilespmem:s11+$0x130]  }
0x7b2: {  	v45 =	vld [tilespmem:s11+$0x140]  }
0x7b3: {  	v48 =	vld [tilespmem:s11+$0x150]  }
0x7b4: {  	s5 =	sadd.s32 $0x400, s5;
	v51 =	vld [tilespmem:s11+$0x160]  }
0x7b5: {  	v1 =	vld [tilespmem:s5+$0xFFFFFF80]  }
0x7b6: {  	v2 =	vld [tilespmem:s5+$0x0]  }
0x7b7: {  	v3 =	vld [tilespmem:s5+$0xFFFFFC10]  }
0x7b8: {  	v5 =	vld [tilespmem:s5+$0xFFFFFC20]  }
0x7b9: {  	v4 =	vld [tilespmem:s5+$0xFFFFFCA0]  }
0x7ba: {  	v7 =	vld [tilespmem:s5+$0xFFFFFC30]  }
0x7bb: {  	v6 =	vld [tilespmem:s5+$0xFFFFFCB0]  }
0x7bc: {  	v32 =	vld [tilespmem:s5+$0xFFFFFC40]  }
0x7bd: {  	v8 =	vld [tilespmem:s5+$0xFFFFFCC0]  }
0x7be: {  	v34 =	vld [tilespmem:s5+$0xFFFFFC50]  }
0x7bf: {  	v35 =	vld [tilespmem:s5+$0xFFFFFCD0]  }
0x7c0: {  	v37 =	vld [tilespmem:s5+$0xFFFFFC60]  }
0x7c1: {  	v38 =	vld [tilespmem:s5+$0xFFFFFCE0]  }
0x7c2: {  	v40 =	vld [tilespmem:s5+$0xFFFFFC70]  }
0x7c3: {  	v41 =	vld [tilespmem:s5+$0xFFFFFCF0]  }
0x7c4: {  	v43 =	vld [tilespmem:s5+$0xFFFFFC80]  }
0x7c5: {  	v44 =	vld [tilespmem:s5+$0xFFFFFD00]  }
0x7c6: {  	v46 =	vld [tilespmem:s5+$0xFFFFFD10]  }
0x7c7: {  	v47 =	vld [tilespmem:s5+$0xFFFFFD90]  }
0x7c8: {  	v49 =	vld [tilespmem:s5+$0xFFFFFD20]  }
0x7c9: {  	v50 =	vld [tilespmem:s5+$0xFFFFFDA0]  }
0x7ca: {  	v53 =	vld [tilespmem:s5+$0xFFFFFD30]  }
0x7cb: {  	v52 =	vld [tilespmem:s5+$0xFFFFFDB0]  }
0x7cc: {  	v55 =	vld [tilespmem:s5+$0xFFFFFD40]  }
0x7cd: {  	v54 =	vld [tilespmem:s5+$0xFFFFFDC0]  }
0x7ce: {  	v57 =	vld [tilespmem:s5+$0xFFFFFD50]  }
0x7cf: {  	v56 =	vld [tilespmem:s5+$0xFFFFFDD0]  }
0x7d0: {  	v59 =	vld [tilespmem:s5+$0xFFFFFD60]  }
0x7d1: {  	v62 =	vld [tilespmem:s5+$0xFFFFFD80]  }
0x7d2: {  	v58 =	vld [tilespmem:s5+$0xFFFFFDE0]  }
0x7d3: {  	v60 =	vld [tilespmem:s5+$0xFFFFFD70]  }
0x7d4: {  	v61 =	vld [tilespmem:s5+$0xFFFFFDF0]  }
0x7d5: {  	v63 =	vld [tilespmem:s5+$0xFFFFFE00]  }
0x7d6: {  	[tilespmem:$0x1F880] =	vst v62;
	v62 =	vld [tilespmem:s5+$0xFFFFFE10]  }
0x7d7: {  	[tilespmem:v0+s3+$0x0] =	vst.idx.add.f32.msk $0xffff, v1  }
0x7d8: {  	v1 =	vld [tilespmem:s11+$0xFFFFFE00]  }
0x7d9: {  	[tilespmem:v31+s3+$0x0] =	vst.idx.add.f32.msk $0xffff, v5  }
0x7da: {  	[tilespmem:v29+s3+$0x0] =	vst.idx.add.f32.msk $0xffff, v7  }
0x7db: {  	[tilespmem:v30+s3+$0x0] =	vst.idx.add.f32.msk $0xffff, v32  }
0x7dc: {  	[tilespmem:v28+s3+$0x0] =	vst.idx.add.f32.msk $0xffff, v34  }
0x7dd: {  	[tilespmem:v26+s3+$0x0] =	vst.idx.add.f32.msk $0xffff, v37  }
0x7de: {  	[tilespmem:v27+s3+$0x0] =	vst.idx.add.f32.msk $0xffff, v40  }
0x7df: {  	[tilespmem:v25+s3+$0x0] =	vst.idx.add.f32.msk $0xffff, v43  }
0x7e0: {  	[tilespmem:v24+s3+$0x0] =	vst.idx.add.f32.msk $0xffff, v46  }
0x7e1: {  	[tilespmem:$0x1F890] =	vst v62;
	v62 =	vld [tilespmem:s5+$0xFFFFFE90]  }
0x7e2: {  	[tilespmem:v23+s3+$0x0] =	vst.idx.add.f32.msk $0xffff, v49  }
0x7e3: {  	[tilespmem:v22+s3+$0x0] =	vst.idx.add.f32.msk $0xffff, v53  }
0x7e4: {  	[tilespmem:v21+s3+$0x0] =	vst.idx.add.f32.msk $0xffff, v55  }
0x7e5: {  	[tilespmem:v20+s3+$0x0] =	vst.idx.add.f32.msk $0xffff, v57  }
0x7e6: {  	[tilespmem:$0x1F8A0] =	vst v62;
	v62 =	vld [tilespmem:s5+$0xFFFFFE20]  }
0x7e7: {  	[tilespmem:v19+s3+$0x0] =	vst.idx.add.f32.msk $0xffff, v59  }
0x7e8: {  	[tilespmem:v18+s3+$0x0] =	vst.idx.add.f32.msk $0xffff, v60  }
0x7e9: {  	[tilespmem:v0+s4+$0x0] =	vst.idx.add.f32.msk $0xffff, v2  }
0x7ea: {  	v2 =	vld [tilespmem:s5+$0xFFFFFC90]  }
0x7eb: {  	[tilespmem:$0x1F8B0] =	vst v62;
	v62 =	vld [tilespmem:s5+$0xFFFFFEA0]  }
0x7ec: {  	[tilespmem:v31+s4+$0x0] =	vst.idx.add.f32.msk $0xffff, v4  }
0x7ed: {  	[tilespmem:v29+s4+$0x0] =	vst.idx.add.f32.msk $0xffff, v6  }
0x7ee: {  	[tilespmem:v30+s4+$0x0] =	vst.idx.add.f32.msk $0xffff, v8  }
0x7ef: {  	[tilespmem:v28+s4+$0x0] =	vst.idx.add.f32.msk $0xffff, v35  }
0x7f0: {  	[tilespmem:$0x1F8C0] =	vst v62;
	v62 =	vld [tilespmem:s5+$0xFFFFFE30]  }
0x7f1: {  	[tilespmem:v26+s4+$0x0] =	vst.idx.add.f32.msk $0xffff, v38  }
0x7f2: {  	[tilespmem:v27+s4+$0x0] =	vst.idx.add.f32.msk $0xffff, v41  }
0x7f3: {  	[tilespmem:v25+s4+$0x0] =	vst.idx.add.f32.msk $0xffff, v44  }
0x7f4: {  	[tilespmem:v24+s4+$0x0] =	vst.idx.add.f32.msk $0xffff, v47  }
0x7f5: {  	[tilespmem:$0x1F8D0] =	vst v62;
	v62 =	vld [tilespmem:s5+$0xFFFFFEB0]  }
0x7f6: {  	[tilespmem:v23+s4+$0x0] =	vst.idx.add.f32.msk $0xffff, v50  }
0x7f7: {  	[tilespmem:v22+s4+$0x0] =	vst.idx.add.f32.msk $0xffff, v52  }
0x7f8: {  	[tilespmem:v21+s4+$0x0] =	vst.idx.add.f32.msk $0xffff, v54  }
0x7f9: {  	[tilespmem:v20+s4+$0x0] =	vst.idx.add.f32.msk $0xffff, v56  }
0x7fa: {  	[tilespmem:$0x1F8E0] =	vst v62;
	v62 =	vld [tilespmem:s5+$0xFFFFFE40]  }
0x7fb: {  	[tilespmem:v19+s4+$0x0] =	vst.idx.add.f32.msk $0xffff, v58  }
0x7fc: {  	[tilespmem:v18+s4+$0x0] =	vst.idx.add.f32.msk $0xffff, v61  }
0x7fd: {  	[tilespmem:v0+s12+$0x0] =	vst.idx.add.f32.msk $0xffff, v17  }
0x7fe: {  	v17 =	vld [tilespmem:s11+$0xFFFFFF70]  }
0x7ff: {  	v0 =	vimm.f32 $1.000000000e+00;
	[tilespmem:$0x1F8F0] =	vst v62;
	v62 =	vld [tilespmem:s5+$0xFFFFFEC0]  }
0x800: {  	[tilespmem:v31+s12+$0x0] =	vst.idx.add.f32.msk $0xffff, v0  }
0x801: {  	[tilespmem:v29+s12+$0x0] =	vst.idx.add.f32.msk $0xffff, v0  }
0x802: {  	[tilespmem:v30+s12+$0x0] =	vst.idx.add.f32.msk $0xffff, v0  }
0x803: {  	[tilespmem:v28+s12+$0x0] =	vst.idx.add.f32.msk $0xffff, v0  }
0x804: {  	[tilespmem:$0x1F900] =	vst v62;
	v62 =	vld [tilespmem:s5+$0xFFFFFE50]  }
0x805: {  	[tilespmem:v26+s12+$0x0] =	vst.idx.add.f32.msk $0xffff, v0  }
0x806: {  	[tilespmem:v27+s12+$0x0] =	vst.idx.add.f32.msk $0xffff, v0  }
0x807: {  	[tilespmem:v25+s12+$0x0] =	vst.idx.add.f32.msk $0xffff, v0  }
0x808: {  	[tilespmem:v24+s12+$0x0] =	vst.idx.add.f32.msk $0xffff, v0  }
0x809: {  	[tilespmem:$0x1F910] =	vst v62;
	v62 =	vld [tilespmem:s5+$0xFFFFFED0]  }
0x80a: {  	[tilespmem:v23+s12+$0x0] =	vst.idx.add.f32.msk $0xffff, v0  }
0x80b: {  	[tilespmem:v22+s12+$0x0] =	vst.idx.add.f32.msk $0xffff, v0  }
0x80c: {  	[tilespmem:v21+s12+$0x0] =	vst.idx.add.f32.msk $0xffff, v0  }
0x80d: {  	[tilespmem:v20+s12+$0x0] =	vst.idx.add.f32.msk $0xffff, v0  }
0x80e: {  	[tilespmem:$0x1F920] =	vst v62;
	v62 =	vld [tilespmem:s5+$0xFFFFFE60]  }
0x80f: {  	[tilespmem:v19+s12+$0x0] =	vst.idx.add.f32.msk $0xffff, v0  }
0x810: {  	[tilespmem:v18+s12+$0x0] =	vst.idx.add.f32.msk $0xffff, v0  }
0x811: {  	v27 =	vld [tilespmem:$0x1F890]  }
0x812: {  	v26 =	vld [tilespmem:$0x1F880]  }
0x813: {  	[tilespmem:$0x1F930] =	vst v62;
	v62 =	vld [tilespmem:s5+$0xFFFFFEE0]  }
0x814: {  	[tilespmem:v1+s3+$0x0] =	vst.idx.add.f32.msk $0xffff, v3  }
0x815: {  	[tilespmem:v1+s4+$0x0] =	vst.idx.add.f32.msk $0xffff, v2  }
0x816: {  	[tilespmem:v16+s3+$0x0] =	vst.idx.add.f32.msk $0xffff, v27  }
0x817: {  	v28 =	vld [tilespmem:$0x1F8A0]  }
0x818: {  	[tilespmem:$0x1F940] =	vst v62;
	v62 =	vld [tilespmem:s5+$0xFFFFFE70]  }
0x819: {  	[tilespmem:v1+s12+$0x0] =	vst.idx.add.f32.msk $0xffff, v0  }
0x81a: {  	[tilespmem:v17+s3+$0x0] =	vst.idx.add.f32.msk $0xffff, v26  }
0x81b: {  	[tilespmem:v17+s4+$0x0] =	vst.idx.add.f32.msk $0xffff, v63  }
0x81c: {  	[tilespmem:v17+s12+$0x0] =	vst.idx.add.f32.msk $0xffff, v0  }
0x81d: {  	[tilespmem:$0x1F950] =	vst v62;
	v62 =	vld [tilespmem:s5+$0xFFFFFEF0]  }
0x81e: {  	v29 =	vld [tilespmem:$0x1F8B0]  }
0x81f: {  	[tilespmem:v16+s4+$0x0] =	vst.idx.add.f32.msk $0xffff, v28  }
0x820: {  	v17 =	vimm.f32 $1.000000000e+00;
	v30 =	vld [tilespmem:$0x1F8C0]  }
0x821: {  	[tilespmem:v16+s12+$0x0] =	vst.idx.add.f32.msk $0xffff, v17  }
0x822: {  	[tilespmem:$0x1F960] =	vst v62;
	v62 =	vld [tilespmem:s5+$0xFFFFFE80]  }
0x823: {  	[tilespmem:v15+s3+$0x0] =	vst.idx.add.f32.msk $0xffff, v29  }
0x824: {  	v31 =	vld [tilespmem:$0x1F8D0]  }
0x825: {  	[tilespmem:v15+s4+$0x0] =	vst.idx.add.f32.msk $0xffff, v30  }
0x826: {  	v32 =	vld [tilespmem:$0x1F8E0]  }
0x827: {  	[tilespmem:$0x1F970] =	vst v62;
	v62 =	vld [tilespmem:s5+$0xFFFFFF00]  }
0x828: {  	[tilespmem:v15+s12+$0x0] =	vst.idx.add.f32.msk $0xffff, v17  }
0x829: {  	[tilespmem:v14+s3+$0x0] =	vst.idx.add.f32.msk $0xffff, v31  }
0x82a: {  	v34 =	vld [tilespmem:$0x1F8F0]  }
0x82b: {  	[tilespmem:v14+s4+$0x0] =	vst.idx.add.f32.msk $0xffff, v32  }
0x82c: {  	[tilespmem:$0x1F980] =	vst v62;
	v62 =	vld [tilespmem:s5+$0xFFFFFF10]  }
0x82d: {  	v35 =	vld [tilespmem:$0x1F900]  }
0x82e: {  	[tilespmem:v14+s12+$0x0] =	vst.idx.add.f32.msk $0xffff, v17  }
0x82f: {  	[tilespmem:v13+s3+$0x0] =	vst.idx.add.f32.msk $0xffff, v34  }
0x830: {  	v37 =	vld [tilespmem:$0x1F910]  }
0x831: {  	[tilespmem:$0x1F990] =	vst v62;
	v62 =	vld [tilespmem:s5+$0xFFFFFF90]  }
0x832: {  	[tilespmem:v13+s4+$0x0] =	vst.idx.add.f32.msk $0xffff, v35  }
0x833: {  	v38 =	vld [tilespmem:$0x1F920]  }
0x834: {  	[tilespmem:v13+s12+$0x0] =	vst.idx.add.f32.msk $0xffff, v17  }
0x835: {  	[tilespmem:v12+s3+$0x0] =	vst.idx.add.f32.msk $0xffff, v37  }
0x836: {  	[tilespmem:$0x1F9A0] =	vst v62;
	v62 =	vld [tilespmem:s5+$0xFFFFFF20]  }
0x837: {  	v40 =	vld [tilespmem:$0x1F930]  }
0x838: {  	[tilespmem:v12+s4+$0x0] =	vst.idx.add.f32.msk $0xffff, v38  }
0x839: {  	v41 =	vld [tilespmem:$0x1F940]  }
0x83a: {  	[tilespmem:v12+s12+$0x0] =	vst.idx.add.f32.msk $0xffff, v17  }
0x83b: {  	[tilespmem:$0x1F9B0] =	vst v62;
	v62 =	vld [tilespmem:s5+$0xFFFFFFA0]  }
0x83c: {  	[tilespmem:v11+s3+$0x0] =	vst.idx.add.f32.msk $0xffff, v40  }
0x83d: {  	v43 =	vld [tilespmem:$0x1F950]  }
0x83e: {  	[tilespmem:v11+s4+$0x0] =	vst.idx.add.f32.msk $0xffff, v41  }
0x83f: {  	v44 =	vld [tilespmem:$0x1F960]  }
0x840: {  	[tilespmem:$0x1F9C0] =	vst v62;
	v62 =	vld [tilespmem:s5+$0xFFFFFF30]  }
0x841: {  	[tilespmem:v11+s12+$0x0] =	vst.idx.add.f32.msk $0xffff, v17  }
0x842: {  	[tilespmem:v10+s3+$0x0] =	vst.idx.add.f32.msk $0xffff, v43  }
0x843: {  	v46 =	vld [tilespmem:$0x1F970]  }
0x844: {  	[tilespmem:v10+s4+$0x0] =	vst.idx.add.f32.msk $0xffff, v44  }
0x845: {  	[tilespmem:$0x1F9D0] =	vst v62;
	v62 =	vld [tilespmem:s5+$0xFFFFFFB0]  }
0x846: {  	v47 =	vld [tilespmem:$0x1F980]  }
0x847: {  	[tilespmem:v10+s12+$0x0] =	vst.idx.add.f32.msk $0xffff, v17  }
0x848: {  	[tilespmem:v9+s3+$0x0] =	vst.idx.add.f32.msk $0xffff, v46  }
0x849: {  	v49 =	vld [tilespmem:$0x1F990]  }
0x84a: {  	[tilespmem:$0x1F9E0] =	vst v62;
	v62 =	vld [tilespmem:s5+$0xFFFFFF40]  }
0x84b: {  	[tilespmem:v9+s4+$0x0] =	vst.idx.add.f32.msk $0xffff, v47  }
0x84c: {  	v50 =	vld [tilespmem:$0x1F9A0]  }
0x84d: {  	[tilespmem:v9+s12+$0x0] =	vst.idx.add.f32.msk $0xffff, v17  }
0x84e: {  	[tilespmem:v33+s3+$0x0] =	vst.idx.add.f32.msk $0xffff, v49  }
0x84f: {  	[tilespmem:$0x1F9F0] =	vst v62;
	v62 =	vld [tilespmem:s5+$0xFFFFFFC0]  }
0x850: {  	v52 =	vld [tilespmem:$0x1F9B0]  }
0x851: {  	[tilespmem:v33+s4+$0x0] =	vst.idx.add.f32.msk $0xffff, v50  }
0x852: {  	v53 =	vld [tilespmem:$0x1F9C0]  }
0x853: {  	[tilespmem:v33+s12+$0x0] =	vst.idx.add.f32.msk $0xffff, v17  }
0x854: {  	[tilespmem:$0x1FA00] =	vst v62;
	v62 =	vld [tilespmem:s5+$0xFFFFFF50]  }
0x855: {  	[tilespmem:v36+s3+$0x0] =	vst.idx.add.f32.msk $0xffff, v52  }
0x856: {  	v54 =	vld [tilespmem:$0x1F9D0]  }
0x857: {  	[tilespmem:v36+s4+$0x0] =	vst.idx.add.f32.msk $0xffff, v53  }
0x858: {  	v55 =	vld [tilespmem:$0x1F9E0]  }
0x859: {  	[tilespmem:$0x1FA10] =	vst v62;
	v62 =	vld [tilespmem:s5+$0xFFFFFFD0]  }
0x85a: {  	[tilespmem:v36+s12+$0x0] =	vst.idx.add.f32.msk $0xffff, v17  }
0x85b: {  	[tilespmem:v39+s3+$0x0] =	vst.idx.add.f32.msk $0xffff, v54  }
0x85c: {  	v56 =	vld [tilespmem:$0x1F9F0]  }
0x85d: {  	[tilespmem:v39+s4+$0x0] =	vst.idx.add.f32.msk $0xffff, v55  }
0x85e: {  	[tilespmem:$0x1FA20] =	vst v62;
	v62 =	vld [tilespmem:s5+$0xFFFFFF60]  }
0x85f: {  	[tilespmem:v39+s12+$0x0] =	vst.idx.add.f32.msk $0xffff, v17  }
0x860: {  	v57 =	vld [tilespmem:$0x1FA00]  }
0x861: {  	[tilespmem:v42+s3+$0x0] =	vst.idx.add.f32.msk $0xffff, v56  }
0x862: {  	v58 =	vld [tilespmem:$0x1FA10]  }
0x863: {  	[tilespmem:$0x1FA30] =	vst v62;
	v62 =	vld [tilespmem:s5+$0xFFFFFFE0]  }
0x864: {  	v59 =	vld [tilespmem:$0x1FA20]  }
0x865: {  	[tilespmem:v42+s4+$0x0] =	vst.idx.add.f32.msk $0xffff, v57  }
0x866: {  	[tilespmem:v42+s12+$0x0] =	vst.idx.add.f32.msk $0xffff, v17  }
0x867: {  	[tilespmem:v45+s3+$0x0] =	vst.idx.add.f32.msk $0xffff, v58  }
0x868: {  	[tilespmem:$0x1FA40] =	vst v62;
	v62 =	vld [tilespmem:s5+$0xFFFFFF70]  }
0x869: {  	[tilespmem:v45+s4+$0x0] =	vst.idx.add.f32.msk $0xffff, v59  }
0x86a: {  	v60 =	vld [tilespmem:$0x1FA30]  }
0x86b: {  	[tilespmem:v45+s12+$0x0] =	vst.idx.add.f32.msk $0xffff, v17  }
0x86c: {  	v61 =	vld [tilespmem:$0x1FA40]  }
0x86d: {  	[tilespmem:$0x1FA50] =	vst v62  }
0x86e: {  	v63 =	vld [tilespmem:$0x1FA50]  }
0x86f: {  	s10 =	sadd.s32 $0x20, s10;
	v62 =	vld [tilespmem:s5+$0xFFFFFFF0]  }
0x870: {  	p0 =	slt.u32 s10, $0x60;
	[tilespmem:v48+s3+$0x0] =	vst.idx.add.f32.msk $0xffff, v60  }
.Ltmp5:
0x871: {  	[tilespmem:v48+s4+$0x0] =	vst.idx.add.f32.msk $0xffff, v61;
	(pc) =	sbr.rel @p0 .LBB2_13-.Ltmp5, $4  }
0x872: {  	[tilespmem:v48+s12+$0x0] =	vst.idx.add.f32.msk $0xffff, v17  }
0x873: {  	[tilespmem:v51+s3+$0x0] =	vst.idx.add.f32.msk $0xffff, v63  }
0x874: {  	[tilespmem:v51+s4+$0x0] =	vst.idx.add.f32.msk $0xffff, v62  }
0x875: {  	s11 =	sadd.s32 $0x400, s11;
	[tilespmem:v51+s12+$0x0] =	vst.idx.add.f32.msk $0xffff, v17  }
0x876: {  	s5 =	rddreg [dreg:$0xb]  }
0x877: {  	p0 =	seq.s32 s5, $0x0  }
0x878: {  	s5 =	simm.s32 @!p0 $0x3  }
0x879: {  	_ =	swait.ge @!p0 [sflag:s5], $0x5580  }
0x87a: {  	[sflag:s5] =	ssyncset.done @!p0 $0x0  }
0x87b: {  	[sflag:s5] =	ssyncadd.s32 @!p0 $0xFFFFAA80  }
0x87c: {  	_ =	swait.ge @!p0 [sflag:s5], $0x5580  }
0x87d: {  	[sflag:s5] =	ssyncset.done @!p0 $0x0  }
0x87e: {  	[sflag:s5] =	ssyncadd.s32 @!p0 $0xFFFFAA80;
	s5 =	simm.s32 $0xAB40  }
0x87f: {  	v0 =	vld [tilespmem:s5+$0x30];
	_ =	sdelay $0x2  }
0x880: {  	v1 =	vld [tilespmem:s5+$0xFFFFFFD0]  }
0x881: {  	v2 =	vld [tilespmem:s5+$0xFFFFFFE0]  }
0x882: {  	v3 =	vld [tilespmem:s5+$0xFFFFFFF0];
	v0 =	vmax.f32 v0, $1.000000000e+00  }
0x883: {  	v4 =	vld [tilespmem:s5+$0x0];
	(erf) = vrcp.f32 v0  }
0x884: {  	v5 =	vld [tilespmem:s5+$0x10]  }
0x885: {  	v6 =	vld [tilespmem:s5+$0x20];
	v1 =	vmax.f32 v1, $1.000000000e+00  }
0x886: {  	v2 =	vmax.f32 v2, $1.000000000e+00;
	v0 =	vld [tilespmem:s5+$0xFFFFFFC0];
	(erf) = vrcp.f32 v1  }
0x887: {  	s10 =	simm.s32 $0x40;
	v1 =	vmax.f32 v3, $1.000000000e+00;
	(erf) = vrcp.f32 v2  }
0x888: {  	v3 =	vld [tilespmem:s10+$0x30];
	v2 =	vmax.f32 v4, $1.000000000e+00;
	(erf) = vrcp.f32 v1  }
0x889: {  	v1 =	vmax.f32 v5, $1.000000000e+00;
	(erf) = vrcp.f32 v2  }
0x88a: {  	v2 =	vmax.f32 v6, $1.000000000e+00;
	(erf) = vrcp.f32 v1  }
0x88b: {  	v0 =	vmax.f32 v0, $1.000000000e+00;
	v1 =	vld [tilespmem:s10+$0xFFFFFFD0];
	(erf) = vrcp.f32 v2  }
0x88c: {  	(erf) = vrcp.f32 v0;
	v0 =	vld [tilespmem:s10+$0xFFFFFFE0];
	v4 =	vpop (erf)  }
0x88d: {  	v3 =	vmul.f32 v4, v3  }
0x88e: {  	v2 =	vld [tilespmem:s10+$0xFFFFFFF0]  }
0x88f: {  	v5 =	vld [tilespmem:s10+$0x0];
	v60 =	vpop (erf)  }
0x890: {  	s13 =	simm.s32 $0x100C0;
	v7 =	vld [tilespmem:s10+$0x10];
	v8 =	vpop (erf);
	v1 =	vmul.f32 v60, v1  }
0x891: {  	s11 =	simm.s32 $0x55C0;
	v9 =	vld [tilespmem:s10+$0xFFFFFFC0];
	[tilespmem:s13+$0x30] =	vst v3;
	v0 =	vmul.f32 v8, v0;
	v3 =	vpop (erf)  }
0x892: {  	v10 =	vld [tilespmem:s11+$0x30];
	[tilespmem:s13+$0xFFFFFFD0] =	vst v1;
	v11 =	vpop (erf)  }
0x893: {  	[tilespmem:s13+$0xFFFFFFE0] =	vst v0;
	v1 =	vmul.f32 v3, v2;
	v12 =	vpop (erf)  }
0x894: {  	v62 =	vld [tilespmem:s11+$0xFFFFFFE0];
	v0 =	vmul.f32 v11, v5;
	v5 =	vpop (erf)  }
0x895: {  	[tilespmem:s13+$0xFFFFFFF0] =	vst v1;
	v1 =	vmul.f32 v12, v7;
	v2 =	vpop (erf)  }
0x896: {  	v61 =	vld [tilespmem:s10+$0x20];
	[tilespmem:s13+$0x0] =	vst v0;
	v9 =	vmul.f32 v2, v9  }
0x897: {  	[tilespmem:s13+$0x10] =	vst v1;
	v1 =	vmul.f32 v10, v4  }
0x898: {  	s14 =	simm.s32 $0x15640;
	v0 =	vld [tilespmem:s11+$0xFFFFFFD0];
	[tilespmem:s13+$0xFFFFFFC0] =	vst v9  }
0x899: {  	v16 =	vimm.f32 $0.0e+00;
	v6 =	vmul.f32 v62, v8;
	[tilespmem:s14+$0x30] =	vst v1  }
0x89a: {  	[tilespmem:s10+$0x30] =	vst v16  }
0x89b: {  	v1 =	vmul.f32 v5, v61;
	[tilespmem:s14+$0xFFFFFFE0] =	vst v6  }
0x89c: {  	v4 =	vld [tilespmem:s11+$0xFFFFFFC0];
	[tilespmem:s11+$0x30] =	vst v16  }
0x89d: {  	v0 =	vmul.f32 v0, v60;
	[tilespmem:s13+$0x20] =	vst v1  }
0x89e: {  	v1 =	vld [tilespmem:s11+$0xFFFFFFF0];
	[tilespmem:s5+$0x30] =	vst v16  }
0x89f: {  	v63 =	vld [tilespmem:s11+$0x20];
	[tilespmem:s14+$0xFFFFFFD0] =	vst v0  }
0x8a0: {  	v0 =	vld [tilespmem:s11+$0x0];
	[tilespmem:s10+$0xFFFFFFD0] =	vst v16  }
0x8a1: {  	v2 =	vmul.f32 v4, v2;
	v4 =	vld [tilespmem:s11+$0x10];
	[tilespmem:s11+$0xFFFFFFD0] =	vst v16  }
0x8a2: {  	[tilespmem:s5+$0xFFFFFFD0] =	vst v16  }
0x8a3: {  	[tilespmem:s14+$0xFFFFFFC0] =	vst v2  }
0x8a4: {  	[tilespmem:s10+$0xFFFFFFC0] =	vst v16  }
0x8a5: {  	v3 =	vmul.f32 v1, v3;
	v2 =	vmul.f32 v0, v11;
	[tilespmem:s11+$0xFFFFFFC0] =	vst v16  }
0x8a6: {  	s16 =	simm.s32 $0x0;
	s17 =	simm.s32 $0xABC0;
	s15 =	simm.s32 $0x40;
	v0 =	vmul.f32 v63, v5;
	[tilespmem:s5+$0xFFFFFFC0] =	vst v16;
	v1 =	vmul.f32 v4, v12  }
.LBB2_15:
0x8a7: {  	v4 =	vld [tilespmem:s17+$0x30];
	[tilespmem:s10+$0xFFFFFFE0] =	vst v16  }
0x8a8: {  	v5 =	vld [tilespmem:s17+$0xFFFFFFD0];
	[tilespmem:s11+$0xFFFFFFE0] =	vst v16  }
0x8a9: {  	v6 =	vld [tilespmem:s17+$0xFFFFFFE0];
	[tilespmem:s5+$0xFFFFFFE0] =	vst v16  }
0x8aa: {  	s16 =	sadd.s32 $0x8, s16;
	v7 =	vld [tilespmem:s17+$0xFFFFFFF0];
	[tilespmem:s14+$0xFFFFFFF0] =	vst v3  }
0x8ab: {  	p0 =	slt.u32 s16, $0x550;
	v3 =	vld [tilespmem:s17+$0x0];
	[tilespmem:s10+$0xFFFFFFF0] =	vst v16  }
0x8ac: {  	v8 =	vld [tilespmem:s17+$0x10];
	v4 =	vmax.f32 v4, $1.000000000e+00;
	[tilespmem:s11+$0xFFFFFFF0] =	vst v16  }
0x8ad: {  	v5 =	vmax.f32 v5, $1.000000000e+00;
	v9 =	vld [tilespmem:s17+$0x20];
	(erf) = vrcp.f32 v4;
	[tilespmem:s5+$0xFFFFFFF0] =	vst v16  }
0x8ae: {  	v4 =	vld [tilespmem:s17+$0xFFFFFFC0];
	v6 =	vmax.f32 v6, $1.000000000e+00;
	(erf) = vrcp.f32 v5;
	[tilespmem:s14+$0x0] =	vst v2  }
0x8af: {  	v2 =	vmax.f32 v7, $1.000000000e+00;
	(erf) = vrcp.f32 v6;
	[tilespmem:s10+$0x0] =	vst v16  }
0x8b0: {  	v3 =	vmax.f32 v3, $1.000000000e+00;
	(erf) = vrcp.f32 v2;
	[tilespmem:s11+$0x0] =	vst v16  }
0x8b1: {  	s10 =	sadd.s32 $0x80, s10;
	v2 =	vmax.f32 v8, $1.000000000e+00;
	(erf) = vrcp.f32 v3;
	[tilespmem:s5+$0x0] =	vst v16  }
0x8b2: {  	v3 =	vmax.f32 v9, $1.000000000e+00;
	v5 =	vld [tilespmem:s10+$0x30];
	(erf) = vrcp.f32 v2;
	[tilespmem:s14+$0x10] =	vst v1  }
0x8b3: {  	v1 =	vmax.f32 v4, $1.000000000e+00;
	v2 =	vld [tilespmem:s10+$0xFFFFFFC0];
	(erf) = vrcp.f32 v3;
	[tilespmem:s15+$0x10] =	vst v16  }
0x8b4: {  	v3 =	vld [tilespmem:s10+$0xFFFFFFD0];
	(erf) = vrcp.f32 v1;
	[tilespmem:s11+$0x10] =	vst v16  }
0x8b5: {  	v1 =	vld [tilespmem:s10+$0xFFFFFFE0];
	[tilespmem:s5+$0x10] =	vst v16  }
0x8b6: {  	v4 =	vld [tilespmem:s10+$0xFFFFFFF0];
	v6 =	vpop (erf);
	[tilespmem:s14+$0x20] =	vst v0  }
0x8b7: {  	v0 =	vld [tilespmem:s10+$0x0];
	v11 =	vmul.f32 v6, v5;
	v7 =	vpop (erf);
	[tilespmem:s15+$0x20] =	vst v16;
	s15 =	smov.u32 s10  }
0x8b8: {  	s13 =	sadd.s32 $0x80, s13;
	v8 =	vld [tilespmem:s10+$0x10];
	v9 =	vpop (erf);
	[tilespmem:s11+$0x20] =	vst v16  }
0x8b9: {  	s11 =	sadd.s32 $0x80, s11;
	v3 =	vmul.f32 v7, v3;
	v10 =	vld [tilespmem:s10+$0x20];
	[tilespmem:s13+$0x30] =	vst v11;
	v5 =	vpop (erf)  }
0x8ba: {  	v1 =	vmul.f32 v9, v1;
	v11 =	vld [tilespmem:s11+$0x30];
	v12 =	vpop (erf);
	[tilespmem:s5+$0x20] =	vst v16;
	s5 =	smov.u32 s17  }
0x8bb: {  	[tilespmem:s13+$0xFFFFFFD0] =	vst v3;
	v3 =	vmul.f32 v5, v4;
	v4 =	vpop (erf)  }
0x8bc: {  	v13 =	vld [tilespmem:s11+$0xFFFFFFD0];
	[tilespmem:s13+$0xFFFFFFE0] =	vst v1;
	v0 =	vmul.f32 v12, v0;
	v14 =	vpop (erf)  }
0x8bd: {  	v1 =	vld [tilespmem:s11+$0xFFFFFFE0];
	[tilespmem:s13+$0xFFFFFFF0] =	vst v3;
	v3 =	vmul.f32 v4, v8;
	v8 =	vpop (erf)  }
0x8be: {  	v2 =	vmul.f32 v8, v2;
	v15 =	vld [tilespmem:s11+$0xFFFFFFF0];
	[tilespmem:s13+$0x0] =	vst v0;
	v0 =	vmul.f32 v14, v10  }
0x8bf: {  	v10 =	vld [tilespmem:s11+$0x0];
	[tilespmem:s13+$0x10] =	vst v3;
	v3 =	vmul.f32 v11, v6  }
0x8c0: {  	s14 =	sadd.s32 $0x80, s14;
	[tilespmem:s13+$0xFFFFFFC0] =	vst v2;
	v6 =	vld [tilespmem:s11+$0x10]  }
0x8c1: {  	v11 =	vld [tilespmem:s11+$0xFFFFFFC0];
	v7 =	vmul.f32 v13, v7;
	[tilespmem:s14+$0x30] =	vst v3  }
0x8c2: {  	v9 =	vmul.f32 v1, v9;
	[tilespmem:s10+$0x30] =	vst v16  }
0x8c3: {  	v3 =	vmul.f32 v15, v5;
	[tilespmem:s11+$0x30] =	vst v16  }
0x8c4: {  	v2 =	vmul.f32 v10, v12;
	[tilespmem:s17+$0x30] =	vst v16  }
0x8c5: {  	v1 =	vmul.f32 v6, v4;
	[tilespmem:s13+$0x20] =	vst v0  }
0x8c6: {  	v0 =	vmul.f32 v11, v8;
	[tilespmem:s14+$0xFFFFFFD0] =	vst v7;
	v4 =	vld [tilespmem:s11+$0x20]  }
0x8c7: {  	[tilespmem:s10+$0xFFFFFFD0] =	vst v16  }
0x8c8: {  	[tilespmem:s14+$0xFFFFFFC0] =	vst v0  }
0x8c9: {  	[tilespmem:s10+$0xFFFFFFC0] =	vst v16  }
.Ltmp6:
0x8ca: {  	[tilespmem:s11+$0xFFFFFFC0] =	vst v16;
	(pc) =	sbr.rel @p0 .LBB2_15-.Ltmp6, $4  }
0x8cb: {  	[tilespmem:s17+$0xFFFFFFC0] =	vst v16;
	v0 =	vmul.f32 v4, v14  }
0x8cc: {  	[tilespmem:s11+$0xFFFFFFD0] =	vst v16  }
0x8cd: {  	[tilespmem:s17+$0xFFFFFFD0] =	vst v16  }
0x8ce: {  	s17 =	sadd.s32 $0x80, s17;
	[tilespmem:s14+$0xFFFFFFE0] =	vst v9  }
0x8cf: {  	[tilespmem:s10+$0xFFFFFFE0] =	vst v16  }
0x8d0: {  	[tilespmem:s14+$0xFFFFFFF0] =	vst v3  }
0x8d1: {  	[tilespmem:s14+$0x0] =	vst v2  }
0x8d2: {  	[tilespmem:s14+$0x10] =	vst v1  }
0x8d3: {  	[tilespmem:s11+$0xFFFFFFE0] =	vst v16  }
0x8d4: {  	[tilespmem:s10+$0xFFFFFFF0] =	vst v16  }
0x8d5: {  	[tilespmem:s10+$0x0] =	vst v16  }
0x8d6: {  	[tilespmem:s15+$0x10] =	vst v16  }
0x8d7: {  	[tilespmem:s5+$0xFFFFFFE0] =	vst v16  }
0x8d8: {  	[tilespmem:s11+$0xFFFFFFF0] =	vst v16  }
0x8d9: {  	[tilespmem:s11+$0x0] =	vst v16  }
0x8da: {  	[tilespmem:s11+$0x10] =	vst v16  }
0x8db: {  	[tilespmem:s5+$0xFFFFFFF0] =	vst v16  }
0x8dc: {  	[tilespmem:s5+$0x0] =	vst v16  }
0x8dd: {  	s18 =	rddreg [dreg:$0xb];
	[tilespmem:s5+$0x10] =	vst v16  }
0x8de: {  	[tilespmem:s14+$0x20] =	vst v0;
	s17 =	smul.u32 $0x156000, s18  }
0x8df: {  	s13 =	rddreg [dreg:$0x8];
	[tilespmem:s15+$0x20] =	vst v16  }
0x8e0: {  	[tilespmem:s11+$0x20] =	vst v16;
	s10 =	sadd.s32 s13, s17  }
0x8e1: {  	s14 =	simm.s32 $0x400;
	s18 =	sadd.s32 $0x1, s18;
	[tilespmem:s5+$0x20] =	vst v16;
	s13 =	sor.u32 s7, s10  }
0x8e2: {  	s11 =	simm.s32 $0x80;
	s15 =	sshrl.u32 s13, $0x3;
	s13 =	rddreg [dreg:$0x4]  }
0x8e3: {  	p0 =	sne.s32 s18, $0x8;
	s17 =	simm.s32 $0x10080;
	s16 =	sadd.s32 s13, s15  }
0x8e4: {  	[hbm4b:s16+s11] =	stream.strided.scatter [tilespmem:s17], [sflag:$0x3], $0x5580, s14, s11, $0x38;
	[tilespmem:$0x1DB80] =	vst v63  }
.Ltmp7:
0x8e5: {  	s16 =	sor.u32 s8, s10;
	(pc) =	sbr.rel @p0 .LBB2_4-.Ltmp7, $4  }
0x8e6: {  	s5 =	sshrl.u32 s16, $0x3  }
0x8e7: {  	s17 =	simm.s32 $0x15600;
	s5 =	sadd.s32 s13, s5  }
0x8e8: {  	[hbm4b:s5+s11] =	stream.strided.scatter [tilespmem:s17], [sflag:$0x3], $0x5580, s14, s11, $0x38;
	[tilespmem:$0x1DB80] =	vst v63  }
0x8e9: {  	s17 =	simm.s32 $0x1AB80  }
0x8ea: {  	s9 =	simm.s32 $0x3  }
0x8eb: {  	_ =	swait.ge [sflag:s9], $0x5580  }
0x8ec: {  	[sflag:s9] =	ssyncset.done $0x0  }
0x8ed: {  	[sflag:s9] =	ssyncadd.s32 $0xFFFFAA80  }
0x8ee: {  	_ =	swait.ge [sflag:s9], $0x5580  }
0x8ef: {  	s10 =	rddreg [dreg:$0xa]  }
0x8f0: {  	s5 =	rddreg [dreg:$0x9];
	s10 =	sadd.s32 $0x1, s10  }
0x8f1: {  	p0 =	sne.s32 s10, s5  }
.Ltmp8:
0x8f2: {  	_ = 	snop;
	(pc) =	sbr.rel @p0 .LBB2_1-.Ltmp8, $3  }
0x8f3: {  	_ =	sdelay $0x1  }
0x8f4: {  	[sflag:s9] =	ssyncset.done $0x0  }
0x8f5: {  	[sflag:s9] =	ssyncadd.s32 $0xFFFFAA80  }
0x8f6: {  	_ =	sfence.sel $0x180000  }
0x8f7: {  	[bflag:$0x0] =	sbarrier.arrive $0xFFFF  }
0x8f8: {  	_ =	strace $0x90000047  }
0x8f9: {  	s0 =	stileid.u32;
	[bflag:$0x2] =	sbarrier.arrive $0xFFFF  }
0x8fa: {  	p0 =	sne.s32 s0, $0x0;
	s0 =	rddreg [dreg:$0x3]  }
0x8fb: {  	s0 =	sadd.s32 @!p0 $0x100000, s0  }
0x8fc: {  	[sflag:s0] =	ssyncadd.tile.s32 @!p0 $0x1;
	_ =	shalt  }
.Lfunc_end2:
_tile_overlayer_lowered:
.L_overlay_start_2:
0x8fd: {  	(tag) =	ssettag $0x2  }
0x8fe: {  	s0 =	rddreg [dreg:$0x0];
	s2 =	stileid.u32  }
0x8ff: {  	s1 =	rddreg [dreg:$0x1];
	p0 =	sne.s32 s2, $0x0  }
0x900: {  	s3 =	rddreg [dreg:$0x2];
	[bflag:$0x3] =	sbarrier.arrive $0xFFFF;
	s2 =	simm.s32 @!p0 $0x1C04  }
0x901: {  	[timem:s3], [sflag:s2] =	dma.local @!p0 [hbm:s0], s1  }
0x902: {  	s0 =	simm.s32 @!p0 $0x4  }
0x903: {  	_ =	swait.ge @!p0 [sflag:s0], s1  }
0x904: {  	s1 =	ssub.s32 @!p0 $0x0, s1;
	[sflag:s0] =	ssyncset.done @!p0 $0x0  }
0x905: {  	[sflag:s0] =	ssyncadd.s32 @!p0 s1  }
0x906: {  	[bflag:$0x3] =	sbarrier.arrive $0xFFFF  }
0x907: {  	_ =	shalt  }

</sc_bundles>
